<compile_context>
chip_gen: v7x
topology: tpu7x:2x2x1
jax: 0.10.2.dev20260603
libtpu: 0.0.44.dev20260713+nightly
codegen_flags: <defaults>
</compile_context>

<pallas_src>
import dataclasses
import functools

import jax
import jax.numpy as jnp
from jax import lax
from jax.experimental import pallas as pl
from jax.experimental.pallas import tpu as pltpu
from jax.experimental.pallas import tpu_sc as plsc

_NC = 2
_NS = 16
_NW = _NC * _NS
_KSUB = 8
_G = 10
_CHUNK = _KSUB * 128
_ROWS_PER_W = _G * _KSUB


def _pad_edges(row, col, w, n_nodes):
    e = row.shape[0]
    total = _NW * _G * _CHUNK
    pad = total - e
    fill = jnp.arange(pad, dtype=jnp.int32) % n_nodes
    rowp = jnp.concatenate([row, fill]).reshape(total // 128, 128)
    colp = jnp.concatenate([col, fill]).reshape(total // 128, 128)
    wp = jnp.concatenate([w, jnp.zeros((pad,), w.dtype)]).reshape(
        total // 128, 128)
    return rowp, colp, wp


def _sc_degree(colp, wp, zinit):
    n = zinit.shape[0]
    mesh = plsc.VectorSubcoreMesh(core_axis_name="c", subcore_axis_name="s")

    @functools.partial(
        pl.kernel,
        out_type=jax.ShapeDtypeStruct((_NC, n), jnp.float32),
        mesh=mesh,
        scratch_types=[
            pltpu.VMEM((_KSUB, 128), jnp.int32),
            pltpu.VMEM((_KSUB, 128), jnp.float32),
            pltpu.VMEM_SHARED((n,), jnp.float32),
        ],
    )
    def deg_kernel(col_hbm, w_hbm, z_hbm, out_hbm, col_v, w_v, acc_sh):
        cid = lax.axis_index("c")
        sid = lax.axis_index("s")
        wid = cid * _NS + sid

        @pl.when(sid == 0)
        def _():
            pltpu.sync_copy(z_hbm, acc_sh)

        plsc.subcore_barrier()

        base_row = wid * _ROWS_PER_W

        @pl.loop(0, _G)
        def _(g):
            r0 = base_row + g * _KSUB
            pltpu.sync_copy(col_hbm.at[pl.ds(r0, _KSUB)], col_v)
            pltpu.sync_copy(w_hbm.at[pl.ds(r0, _KSUB)], w_v)
            for j in range(_KSUB):
                pltpu.sync_copy(w_v.at[j], acc_sh.at[col_v.at[j]], add=True)

        plsc.subcore_barrier()

        stripe = n // _NS
        pltpu.sync_copy(acc_sh.at[pl.ds(sid * stripe, stripe)],
                        out_hbm.at[cid, pl.ds(sid * stripe, stripe)])

    return deg_kernel(colp, wp, zinit)


def _sc_gather_scale_scatter(table, zinit, rowp, colp, wp):
    n, d = table.shape
    stripe = n // _NS
    mesh = plsc.VectorSubcoreMesh(core_axis_name="c", subcore_axis_name="s")
    cp = pltpu.CompilerParams()
    if "needs_layout_passes" in pltpu.CompilerParams.__dataclass_fields__:
        cp = dataclasses.replace(cp, needs_layout_passes=False)
    if "use_tc_tiling_on_sc" in pltpu.CompilerParams.__dataclass_fields__:
        cp = dataclasses.replace(cp, use_tc_tiling_on_sc=False)

    @functools.partial(
        pl.kernel,
        out_type=jax.ShapeDtypeStruct((_NC, n, d), jnp.float32),
        mesh=mesh,
        compiler_params=cp,
        scratch_types=[
            pltpu.VMEM((_KSUB, 128), jnp.int32),
            pltpu.VMEM((_KSUB, 128), jnp.int32),
            pltpu.VMEM((_KSUB, 128), jnp.float32),
            pltpu.VMEM((_CHUNK, d), jnp.float32),
            pltpu.SemaphoreType.DMA,
            pltpu.VMEM_SHARED((n, d), jnp.float32),
        ],
    )
    def seg_kernel(tab_hbm, z_hbm, row_hbm, col_hbm, w_hbm, out_hbm,
                   row_v, col_v, w_v, msg_v, gsem, acc_sh):
        cid = lax.axis_index("c")
        sid = lax.axis_index("s")
        wid = cid * _NS + sid

        @pl.when(cid == 0)
        def _():
            pltpu.sync_copy(tab_hbm.at[pl.ds(sid * stripe, stripe)],
                            acc_sh.at[pl.ds(sid * stripe, stripe)])

        @pl.when(cid != 0)
        def _():
            pltpu.sync_copy(z_hbm.at[pl.ds(sid * stripe, stripe)],
                            acc_sh.at[pl.ds(sid * stripe, stripe)])

        plsc.subcore_barrier()

        base_row = wid * _ROWS_PER_W

        @pl.loop(0, _G)
        def _(g):
            r0 = base_row + g * _KSUB
            pltpu.sync_copy(row_hbm.at[pl.ds(r0, _KSUB)], row_v)
            pltpu.sync_copy(col_hbm.at[pl.ds(r0, _KSUB)], col_v)
            pltpu.sync_copy(w_hbm.at[pl.ds(r0, _KSUB)], w_v)
            copies = []
            for j in range(_KSUB):
                copies.append(pltpu.async_copy(
                    tab_hbm.at[row_v.at[j]],
                    msg_v.at[pl.ds(j * 128, 128)], gsem))
            for c in copies:
                c.wait()

            @pl.loop(0, _KSUB)
            def _(j):
                jv = jnp.full((16,), j, jnp.int32)

                @pl.loop(0, 128)
                def _(i):
                    iv = jnp.full((16,), i, jnp.int32)
                    wv = plsc.load_gather(w_v, [jv, iv])
                    base = j * 128 + i
                    for t in range(d // 16):
                        sl = (base, pl.ds(t * 16, 16))
                        msg_v[sl] = msg_v[sl] * wv

            for j in range(_KSUB):
                pltpu.sync_copy(msg_v.at[pl.ds(j * 128, 128)],
                                acc_sh.at[col_v.at[j]], add=True)

        plsc.subcore_barrier()

        pltpu.sync_copy(acc_sh.at[pl.ds(sid * stripe, stripe)],
                        out_hbm.at[cid, pl.ds(sid * stripe, stripe)])

    return seg_kernel(table, zinit, rowp, colp, wp)


def _tc_matmul(x, w):
    n = x.shape[0]
    m = w.shape[1]

    def body(x_ref, w_ref, o_ref):
        o_ref[...] = jnp.dot(x_ref[...], w_ref[...],
                             preferred_element_type=jnp.float32)

    return pl.pallas_call(
        body, out_shape=jax.ShapeDtypeStruct((n, m), jnp.float32))(x, w)


def _tc_deg_scale(h, degt):
    n, m = h.shape

    def body(h_ref, d_ref, hp_ref, dis_ref):
        deg = d_ref[:, 0:1] + d_ref[:, 1:2] + 1.0
        dis = lax.rsqrt(deg)
        dis_ref[...] = dis
        hp_ref[...] = h_ref[...] * dis

    return pl.pallas_call(
        body,
        out_shape=[jax.ShapeDtypeStruct((n, m), jnp.float32),
                   jax.ShapeDtypeStruct((n, 1), jnp.float32)])(h, degt)


def _tc_layer1_finish(a0, a1, dis, b1, w2):
    n = a0.shape[0]
    m = w2.shape[1]

    def body(a0_ref, a1_ref, dis_ref, b_ref, w_ref, o_ref):
        z = jax.nn.relu((a0_ref[...] + a1_ref[...]) * dis_ref[...]
                        + b_ref[...])
        o_ref[...] = jnp.dot(z, w_ref[...],
                             preferred_element_type=jnp.float32) * dis_ref[...]

    return pl.pallas_call(
        body, out_shape=jax.ShapeDtypeStruct((n, m), jnp.float32))(
            a0, a1, dis, b1, w2)


def _tc_layer2_finish(a0, a1, dis, b2):
    n, m = a0.shape

    def body(a0_ref, a1_ref, dis_ref, b_ref, o_ref):
        o = (a0_ref[...] + a1_ref[...]) * dis_ref[...] + b_ref[...]
        mx = jnp.max(o, axis=1, keepdims=True)
        ex = jnp.exp(o - mx)
        lse = jnp.log(jnp.sum(ex, axis=1, keepdims=True)) + mx
        o_ref[...] = o - lse

    return pl.pallas_call(
        body, out_shape=jax.ShapeDtypeStruct((n, m), jnp.float32))(
            a0, a1, dis, b2)


def kernel(x, edge_index, edge_weight, W1, b1, W2, b2):
    n = x.shape[0]
    nhid = W1.shape[1]
    ncls = W2.shape[1]
    np_ = ((n + 16 * 128 - 1) // (16 * 128)) * (16 * 128)
    xp = jnp.pad(x, ((0, np_ - n), (0, 0)))

    rowp, colp, wp = _pad_edges(edge_index[0], edge_index[1], edge_weight, n)
    z1d = jnp.zeros((np_,), jnp.float32)
    z64 = jnp.zeros((np_, nhid), jnp.float32)
    z16 = jnp.zeros((np_, ncls), jnp.float32)

    degp = _sc_degree(colp, wp, z1d)
    h = _tc_matmul(xp, W1)
    h1p, dis = _tc_deg_scale(h, degp.T)
    acc1 = _sc_gather_scale_scatter(h1p, z64, rowp, colp, wp)
    h2p = _tc_layer1_finish(acc1[0], acc1[1], dis,
                            b1.reshape(1, nhid), W2)
    acc2 = _sc_gather_scale_scatter(h2p, z16, rowp, colp, wp)
    out = _tc_layer2_finish(acc2[0], acc2[1], dis,
                            b2.reshape(1, ncls))
    return out[:n]

# --- scband reference (transcript-rebuilt; emitter-appended) ---
"""Pipeline reference for scband-gnnguard-38628935860962 (READ-ONLY COPY).

The authoritative reference and input builder live on the scoring server;
editing this copy changes nothing except your own understanding.
"""

import jax, jax.numpy as jnp
import numpy as np

N = 10000
E = 320000
NFEAT = 128
NHID = 64
NCLASS = 16


def setup_inputs(seed: int = 0) -> dict:
    key = jax.random.key(seed)
    k1, k2, k3, k4, k5, k6, k7 = jax.random.split(key, 7)
    x = jax.random.normal(k1, (N, NFEAT), dtype=jnp.float32)
    edge_index = jax.random.randint(k2, (2, E), 0, N, dtype=jnp.int32)
    edge_weight = jax.random.uniform(k3, (E,), dtype=jnp.float32)
    # GCNConv parameters (glorot-like init), stored as [in, out] so h = x @ W
    W1 = jax.random.normal(k4, (NFEAT, NHID), dtype=jnp.float32) * (1.0 / np.sqrt(NFEAT))
    b1 = jnp.zeros((NHID,), dtype=jnp.float32)
    W2 = jax.random.normal(k5, (NHID, NCLASS), dtype=jnp.float32) * (1.0 / np.sqrt(NHID))
    b2 = jnp.zeros((NCLASS,), dtype=jnp.float32)
    return {"x": x, "edge_index": edge_index, "edge_weight": edge_weight,
            "W1": W1, "b1": b1, "W2": W2, "b2": b2}


def _gcn_conv(x, row, col, w, W, b, n_nodes):
    # gcn_norm with added self-loops: D^{-1/2} (A + I) D^{-1/2}
    deg = jax.ops.segment_sum(w, col, num_segments=n_nodes)
    deg_inv_sqrt = jnp.where(deg > 0, deg ** -0.5, 0.0)
    norm = deg_inv_sqrt[row] * w * deg_inv_sqrt[col]
    h = x @ W
    msg = h[row] * norm[:, None]
    out = jax.ops.segment_sum(msg, col, num_segments=n_nodes)
    return out + b


def reference(x, edge_index, edge_weight, W1, b1, W2, b2):
    n_nodes = x.shape[0]
    # add self-loops (fill value 1.0), done once and shared by both convs
    loop = jnp.arange(n_nodes, dtype=edge_index.dtype)
    row = jnp.concatenate([edge_index[0], loop])
    col = jnp.concatenate([edge_index[1], loop])
    w = jnp.concatenate([edge_weight, jnp.ones((n_nodes,), dtype=edge_weight.dtype)])
    h = jax.nn.relu(_gcn_conv(x, row, col, w, W1, b1, n_nodes))
    # dropout is identity in eval mode
    out = _gcn_conv(h, row, col, w, W2, b2, n_nodes)
    return jax.nn.log_softmax(out, axis=1)

if __name__ == "__main__":
    import jax
    _d = setup_inputs()
    print(jax.jit(kernel)(*tuple(_d.values())))

</pallas_src>

<mosaic_0001>
#map = affine_map<(d0, d1) -> (0, 0)>
#map1 = affine_map<(d0, d1) -> (0, 0, 0)>
module attributes {stable_mosaic.version = 14 : i64} {
  func.func @seg_kernel(%arg0: i32, %arg1: i32, %arg2: memref<10240x16xf32, #tpu.memory_space<hbm>>, %arg3: memref<10240x16xf32, #tpu.memory_space<hbm>>, %arg4: memref<2560x128xi32, #tpu.memory_space<hbm>>, %arg5: memref<2560x128xi32, #tpu.memory_space<hbm>>, %arg6: memref<2560x128xf32, #tpu.memory_space<hbm>>, %arg7: memref<2x10240x16xf32, #tpu.memory_space<hbm>>, %arg8: memref<8x128xi32, #tpu.memory_space<vmem>>, %arg9: memref<8x128xi32, #tpu.memory_space<vmem>>, %arg10: memref<8x128xf32, #tpu.memory_space<vmem>>, %arg11: memref<1024x16xf32, #tpu.memory_space<vmem>>, %arg12: memref<!tpu.dma_semaphore, #tpu.memory_space<semaphore_mem>>, %arg13: memref<10240x16xf32, #tpu.memory_space<vmem_shared>>) attributes {dimension_semantics = [#tpu.dimension_semantics<core_parallel>, #tpu.dimension_semantics<subcore_parallel>], iteration_bounds = array<i64: 2, 16>, scalar_prefetch = 0 : i64, scratch_operands = 6 : i64, tpu.core_type = #tpu.core_type<sc_vector_subcore>, window_params = [{transform_indices = #map}, {transform_indices = #map}, {transform_indices = #map}, {transform_indices = #map}, {transform_indices = #map}, {transform_indices = #map1}]} {
    %mul3A = arith.constant 16 : i32
    %mul3A_0 = arith.muli %arg0, %mul3A : i32
    %add3A = arith.addi %mul3A_0, %arg1 : i32
    %eq3A = arith.constant 0 : i32
    %eq3A_1 = arith.cmpi eq, %arg0, %eq3A : i32
    %convert_element_type3A = arith.extui %eq3A_1 : i1 to i32
    %cond3A = arith.constant 0 : i32
    %cond3A_2 = arith.cmpi ne, %convert_element_type3A, %cond3A : i32
    scf.if %cond3A_2 {
      %mul3A_18 = arith.constant 640 : i32
      %mul3A_19 = arith.muli %arg1, %mul3A_18 : i32
      %mul3A_20 = arith.constant 640 : i32
      %mul3A_21 = arith.muli %arg1, %mul3A_20 : i32
      "tpu.region"() ({
        %run_scoped3A = tpu.sem_alloc : memref<!tpu.dma_semaphore, #tpu.memory_space<semaphore_mem>>
        %dma_start3A = arith.constant 0 : i32
        %dma_start3A_22 = tpu.memref_slice %arg13[%mul3A_21, %dma_start3A] : memref<10240x16xf32, #tpu.memory_space<vmem_shared>> -> memref<640x16xf32, #tpu.memory_space<vmem_shared>>
        %dma_start3A_23 = arith.constant 0 : i32
        %dma_start3A_24 = tpu.memref_slice %arg2[%mul3A_19, %dma_start3A_23] : memref<10240x16xf32, #tpu.memory_space<hbm>> -> memref<640x16xf32, #tpu.memory_space<hbm>>
        tpu.enqueue_dma source(%dma_start3A_24 : memref<640x16xf32, #tpu.memory_space<hbm>>) target(%dma_start3A_22 : memref<640x16xf32, #tpu.memory_space<vmem_shared>>) target_semaphore(%run_scoped3A : memref<!tpu.dma_semaphore, #tpu.memory_space<semaphore_mem>>)
        %dma_wait3A = arith.constant 0 : i32
        %dma_wait3A_25 = tpu.memref_slice %arg13[%mul3A_21, %dma_wait3A] : memref<10240x16xf32, #tpu.memory_space<vmem_shared>> -> memref<640x16xf32, #tpu.memory_space<vmem_shared>>
        %dma_wait3A_26 = arith.constant 0 : i32
        %dma_wait3A_27 = tpu.memref_slice %arg2[%mul3A_19, %dma_wait3A_26] : memref<10240x16xf32, #tpu.memory_space<hbm>> -> memref<640x16xf32, #tpu.memory_space<hbm>>
        tpu.wait_dma2 semaphore(%run_scoped3A : memref<!tpu.dma_semaphore, #tpu.memory_space<semaphore_mem>>) src(%dma_wait3A_27 : memref<640x16xf32, #tpu.memory_space<hbm>>) dst(%dma_wait3A_25 : memref<640x16xf32, #tpu.memory_space<vmem_shared>>)
        tpu.yield
      }) : () -> ()
    } else {
    }
    %ne3A = arith.constant 0 : i32
    %ne3A_3 = arith.cmpi ne, %arg0, %ne3A : i32
    %convert_element_type3A_4 = arith.extui %ne3A_3 : i1 to i32
    %cond3A_5 = arith.constant 0 : i32
    %cond3A_6 = arith.cmpi ne, %convert_element_type3A_4, %cond3A_5 : i32
    scf.if %cond3A_6 {
      %mul3A_18 = arith.constant 640 : i32
      %mul3A_19 = arith.muli %arg1, %mul3A_18 : i32
      %mul3A_20 = arith.constant 640 : i32
      %mul3A_21 = arith.muli %arg1, %mul3A_20 : i32
      "tpu.region"() ({
        %run_scoped3A = tpu.sem_alloc : memref<!tpu.dma_semaphore, #tpu.memory_space<semaphore_mem>>
        %dma_start3A = arith.constant 0 : i32
        %dma_start3A_22 = tpu.memref_slice %arg13[%mul3A_21, %dma_start3A] : memref<10240x16xf32, #tpu.memory_space<vmem_shared>> -> memref<640x16xf32, #tpu.memory_space<vmem_shared>>
        %dma_start3A_23 = arith.constant 0 : i32
        %dma_start3A_24 = tpu.memref_slice %arg3[%mul3A_19, %dma_start3A_23] : memref<10240x16xf32, #tpu.memory_space<hbm>> -> memref<640x16xf32, #tpu.memory_space<hbm>>
        tpu.enqueue_dma source(%dma_start3A_24 : memref<640x16xf32, #tpu.memory_space<hbm>>) target(%dma_start3A_22 : memref<640x16xf32, #tpu.memory_space<vmem_shared>>) target_semaphore(%run_scoped3A : memref<!tpu.dma_semaphore, #tpu.memory_space<semaphore_mem>>)
        %dma_wait3A = arith.constant 0 : i32
        %dma_wait3A_25 = tpu.memref_slice %arg13[%mul3A_21, %dma_wait3A] : memref<10240x16xf32, #tpu.memory_space<vmem_shared>> -> memref<640x16xf32, #tpu.memory_space<vmem_shared>>
        %dma_wait3A_26 = arith.constant 0 : i32
        %dma_wait3A_27 = tpu.memref_slice %arg3[%mul3A_19, %dma_wait3A_26] : memref<10240x16xf32, #tpu.memory_space<hbm>> -> memref<640x16xf32, #tpu.memory_space<hbm>>
        tpu.wait_dma2 semaphore(%run_scoped3A : memref<!tpu.dma_semaphore, #tpu.memory_space<semaphore_mem>>) src(%dma_wait3A_27 : memref<640x16xf32, #tpu.memory_space<hbm>>) dst(%dma_wait3A_25 : memref<640x16xf32, #tpu.memory_space<vmem_shared>>)
        tpu.yield
      }) : () -> ()
    } else {
    }
    %barrier3A = arith.constant 0 : index
    tpu.barrier barrier_id(%barrier3A)
    %mul3A_7 = arith.constant 80 : i32
    %mul3A_8 = arith.muli %add3A, %mul3A_7 : i32
    %scan3A = arith.constant 0 : i32
    %scan3A_9 = arith.constant 10 : i32
    %scan3A_10 = arith.addi %scan3A, %scan3A_9 : i32
    %scan3A_11 = arith.constant 1 : i32
    scf.for %scan3A_18 = %scan3A to %scan3A_10 step %scan3A_11  : i32 {
      %mul3A_19 = arith.constant 1 : i32
      %mul3A_20 = arith.muli %scan3A_18, %mul3A_19 : i32
      %add3A_21 = arith.constant 0 : i32
      %add3A_22 = arith.addi %add3A_21, %mul3A_20 : i32
      %mul3A_23 = arith.constant 8 : i32
      %mul3A_24 = arith.muli %add3A_22, %mul3A_23 : i32
      %add3A_25 = arith.addi %mul3A_8, %mul3A_24 : i32
      "tpu.region"() ({
        %run_scoped3A_196 = tpu.sem_alloc : memref<!tpu.dma_semaphore, #tpu.memory_space<semaphore_mem>>
        %dma_start3A_197 = arith.constant 0 : i32
        %dma_start3A_198 = tpu.memref_slice %arg4[%add3A_25, %dma_start3A_197] : memref<2560x128xi32, #tpu.memory_space<hbm>> -> memref<8x128xi32, #tpu.memory_space<hbm>>
        %dma_start3A_199 = arith.constant 0 : i32
        %dma_start3A_200 = tpu.memref_slice %arg4[%add3A_25, %dma_start3A_199] : memref<2560x128xi32, #tpu.memory_space<hbm>> -> memref<8x128xi32, #tpu.memory_space<hbm>>
        tpu.enqueue_dma source(%dma_start3A_200 : memref<8x128xi32, #tpu.memory_space<hbm>>) target(%arg8 : memref<8x128xi32, #tpu.memory_space<vmem>>) target_semaphore(%run_scoped3A_196 : memref<!tpu.dma_semaphore, #tpu.memory_space<semaphore_mem>>)
        %dma_wait3A_201 = arith.constant 0 : i32
        %dma_wait3A_202 = tpu.memref_slice %arg4[%add3A_25, %dma_wait3A_201] : memref<2560x128xi32, #tpu.memory_space<hbm>> -> memref<8x128xi32, #tpu.memory_space<hbm>>
        %dma_wait3A_203 = arith.constant 0 : i32
        %dma_wait3A_204 = tpu.memref_slice %arg4[%add3A_25, %dma_wait3A_203] : memref<2560x128xi32, #tpu.memory_space<hbm>> -> memref<8x128xi32, #tpu.memory_space<hbm>>
        tpu.wait_dma2 semaphore(%run_scoped3A_196 : memref<!tpu.dma_semaphore, #tpu.memory_space<semaphore_mem>>) src(%dma_wait3A_204 : memref<8x128xi32, #tpu.memory_space<hbm>>) dst(%arg8 : memref<8x128xi32, #tpu.memory_space<vmem>>)
        tpu.yield
      }) : () -> ()
      "tpu.region"() ({
        %run_scoped3A_196 = tpu.sem_alloc : memref<!tpu.dma_semaphore, #tpu.memory_space<semaphore_mem>>
        %dma_start3A_197 = arith.constant 0 : i32
        %dma_start3A_198 = tpu.memref_slice %arg5[%add3A_25, %dma_start3A_197] : memref<2560x128xi32, #tpu.memory_space<hbm>> -> memref<8x128xi32, #tpu.memory_space<hbm>>
        %dma_start3A_199 = arith.constant 0 : i32
        %dma_start3A_200 = tpu.memref_slice %arg5[%add3A_25, %dma_start3A_199] : memref<2560x128xi32, #tpu.memory_space<hbm>> -> memref<8x128xi32, #tpu.memory_space<hbm>>
        tpu.enqueue_dma source(%dma_start3A_200 : memref<8x128xi32, #tpu.memory_space<hbm>>) target(%arg9 : memref<8x128xi32, #tpu.memory_space<vmem>>) target_semaphore(%run_scoped3A_196 : memref<!tpu.dma_semaphore, #tpu.memory_space<semaphore_mem>>)
        %dma_wait3A_201 = arith.constant 0 : i32
        %dma_wait3A_202 = tpu.memref_slice %arg5[%add3A_25, %dma_wait3A_201] : memref<2560x128xi32, #tpu.memory_space<hbm>> -> memref<8x128xi32, #tpu.memory_space<hbm>>
        %dma_wait3A_203 = arith.constant 0 : i32
        %dma_wait3A_204 = tpu.memref_slice %arg5[%add3A_25, %dma_wait3A_203] : memref<2560x128xi32, #tpu.memory_space<hbm>> -> memref<8x128xi32, #tpu.memory_space<hbm>>
        tpu.wait_dma2 semaphore(%run_scoped3A_196 : memref<!tpu.dma_semaphore, #tpu.memory_space<semaphore_mem>>) src(%dma_wait3A_204 : memref<8x128xi32, #tpu.memory_space<hbm>>) dst(%arg9 : memref<8x128xi32, #tpu.memory_space<vmem>>)
        tpu.yield
      }) : () -> ()
      "tpu.region"() ({
        %run_scoped3A_196 = tpu.sem_alloc : memref<!tpu.dma_semaphore, #tpu.memory_space<semaphore_mem>>
        %dma_start3A_197 = arith.constant 0 : i32
        %dma_start3A_198 = tpu.memref_slice %arg6[%add3A_25, %dma_start3A_197] : memref<2560x128xf32, #tpu.memory_space<hbm>> -> memref<8x128xf32, #tpu.memory_space<hbm>>
        %dma_start3A_199 = arith.constant 0 : i32
        %dma_start3A_200 = tpu.memref_slice %arg6[%add3A_25, %dma_start3A_199] : memref<2560x128xf32, #tpu.memory_space<hbm>> -> memref<8x128xf32, #tpu.memory_space<hbm>>
        tpu.enqueue_dma source(%dma_start3A_200 : memref<8x128xf32, #tpu.memory_space<hbm>>) target(%arg10 : memref<8x128xf32, #tpu.memory_space<vmem>>) target_semaphore(%run_scoped3A_196 : memref<!tpu.dma_semaphore, #tpu.memory_space<semaphore_mem>>)
        %dma_wait3A_201 = arith.constant 0 : i32
        %dma_wait3A_202 = tpu.memref_slice %arg6[%add3A_25, %dma_wait3A_201] : memref<2560x128xf32, #tpu.memory_space<hbm>> -> memref<8x128xf32, #tpu.memory_space<hbm>>
        %dma_wait3A_203 = arith.constant 0 : i32
        %dma_wait3A_204 = tpu.memref_slice %arg6[%add3A_25, %dma_wait3A_203] : memref<2560x128xf32, #tpu.memory_space<hbm>> -> memref<8x128xf32, #tpu.memory_space<hbm>>
        tpu.wait_dma2 semaphore(%run_scoped3A_196 : memref<!tpu.dma_semaphore, #tpu.memory_space<semaphore_mem>>) src(%dma_wait3A_204 : memref<8x128xf32, #tpu.memory_space<hbm>>) dst(%arg10 : memref<8x128xf32, #tpu.memory_space<vmem>>)
        tpu.yield
      }) : () -> ()
      %dma_start3A = arith.constant 0 : i32
      %dma_start3A_26 = arith.constant 0 : i32
      %dma_start3A_27 = arith.constant 0 : i32
      %dma_start3A_28 = tpu.memref_slice %arg11[%dma_start3A_26, %dma_start3A_27] : memref<1024x16xf32, #tpu.memory_space<vmem>> -> memref<128x16xf32, #tpu.memory_space<vmem>>
      %dma_start3A_29 = arith.constant 0 : i32
      %dma_start3A_30 = tpu.memref_slice %arg8[%dma_start3A, %dma_start3A_29] : memref<8x128xi32, #tpu.memory_space<vmem>> -> memref<1x128xi32, #tpu.memory_space<vmem>>
      %dma_start3A_31 = tpu.memref_squeeze %dma_start3A_30 : memref<1x128xi32, #tpu.memory_space<vmem>> -> memref<128xi32, #tpu.memory_space<vmem>>
      %dma_start3A_32 = arith.constant 0 : i32
      %dma_start3A_33 = arith.constant 0 : i32
      %dma_start3A_34 = tpu.memref_slice %arg2[%dma_start3A_32, %dma_start3A_33] : memref<10240x16xf32, #tpu.memory_space<hbm>> -> memref<10240x16xf32, #tpu.memory_space<hbm>>
      tpu.enqueue_indirect_dma source(%dma_start3A_34 : memref<10240x16xf32, #tpu.memory_space<hbm>>) target(%dma_start3A_28 : memref<128x16xf32, #tpu.memory_space<vmem>>) offsets(%dma_start3A_31 : memref<128xi32, #tpu.memory_space<vmem>>) semaphore(%arg12 : memref<!tpu.dma_semaphore, #tpu.memory_space<semaphore_mem>>)
      %dma_start3A_35 = arith.constant 1 : i32
      %dma_start3A_36 = arith.constant 128 : i32
      %dma_start3A_37 = arith.constant 0 : i32
      %dma_start3A_38 = tpu.memref_slice %arg11[%dma_start3A_36, %dma_start3A_37] : memref<1024x16xf32, #tpu.memory_space<vmem>> -> memref<128x16xf32, #tpu.memory_space<vmem>>
      %dma_start3A_39 = arith.constant 0 : i32
      %dma_start3A_40 = tpu.memref_slice %arg8[%dma_start3A_35, %dma_start3A_39] : memref<8x128xi32, #tpu.memory_space<vmem>> -> memref<1x128xi32, #tpu.memory_space<vmem>>
      %dma_start3A_41 = tpu.memref_squeeze %dma_start3A_40 : memref<1x128xi32, #tpu.memory_space<vmem>> -> memref<128xi32, #tpu.memory_space<vmem>>
      %dma_start3A_42 = arith.constant 0 : i32
      %dma_start3A_43 = arith.constant 0 : i32
      %dma_start3A_44 = tpu.memref_slice %arg2[%dma_start3A_42, %dma_start3A_43] : memref<10240x16xf32, #tpu.memory_space<hbm>> -> memref<10240x16xf32, #tpu.memory_space<hbm>>
      tpu.enqueue_indirect_dma source(%dma_start3A_44 : memref<10240x16xf32, #tpu.memory_space<hbm>>) target(%dma_start3A_38 : memref<128x16xf32, #tpu.memory_space<vmem>>) offsets(%dma_start3A_41 : memref<128xi32, #tpu.memory_space<vmem>>) semaphore(%arg12 : memref<!tpu.dma_semaphore, #tpu.memory_space<semaphore_mem>>)
      %dma_start3A_45 = arith.constant 2 : i32
      %dma_start3A_46 = arith.constant 256 : i32
      %dma_start3A_47 = arith.constant 0 : i32
      %dma_start3A_48 = tpu.memref_slice %arg11[%dma_start3A_46, %dma_start3A_47] : memref<1024x16xf32, #tpu.memory_space<vmem>> -> memref<128x16xf32, #tpu.memory_space<vmem>>
      %dma_start3A_49 = arith.constant 0 : i32
      %dma_start3A_50 = tpu.memref_slice %arg8[%dma_start3A_45, %dma_start3A_49] : memref<8x128xi32, #tpu.memory_space<vmem>> -> memref<1x128xi32, #tpu.memory_space<vmem>>
      %dma_start3A_51 = tpu.memref_squeeze %dma_start3A_50 : memref<1x128xi32, #tpu.memory_space<vmem>> -> memref<128xi32, #tpu.memory_space<vmem>>
      %dma_start3A_52 = arith.constant 0 : i32
      %dma_start3A_53 = arith.constant 0 : i32
      %dma_start3A_54 = tpu.memref_slice %arg2[%dma_start3A_52, %dma_start3A_53] : memref<10240x16xf32, #tpu.memory_space<hbm>> -> memref<10240x16xf32, #tpu.memory_space<hbm>>
      tpu.enqueue_indirect_dma source(%dma_start3A_54 : memref<10240x16xf32, #tpu.memory_space<hbm>>) target(%dma_start3A_48 : memref<128x16xf32, #tpu.memory_space<vmem>>) offsets(%dma_start3A_51 : memref<128xi32, #tpu.memory_space<vmem>>) semaphore(%arg12 : memref<!tpu.dma_semaphore, #tpu.memory_space<semaphore_mem>>)
      %dma_start3A_55 = arith.constant 3 : i32
      %dma_start3A_56 = arith.constant 384 : i32
      %dma_start3A_57 = arith.constant 0 : i32
      %dma_start3A_58 = tpu.memref_slice %arg11[%dma_start3A_56, %dma_start3A_57] : memref<1024x16xf32, #tpu.memory_space<vmem>> -> memref<128x16xf32, #tpu.memory_space<vmem>>
      %dma_start3A_59 = arith.constant 0 : i32
      %dma_start3A_60 = tpu.memref_slice %arg8[%dma_start3A_55, %dma_start3A_59] : memref<8x128xi32, #tpu.memory_space<vmem>> -> memref<1x128xi32, #tpu.memory_space<vmem>>
      %dma_start3A_61 = tpu.memref_squeeze %dma_start3A_60 : memref<1x128xi32, #tpu.memory_space<vmem>> -> memref<128xi32, #tpu.memory_space<vmem>>
      %dma_start3A_62 = arith.constant 0 : i32
      %dma_start3A_63 = arith.constant 0 : i32
      %dma_start3A_64 = tpu.memref_slice %arg2[%dma_start3A_62, %dma_start3A_63] : memref<10240x16xf32, #tpu.memory_space<hbm>> -> memref<10240x16xf32, #tpu.memory_space<hbm>>
      tpu.enqueue_indirect_dma source(%dma_start3A_64 : memref<10240x16xf32, #tpu.memory_space<hbm>>) target(%dma_start3A_58 : memref<128x16xf32, #tpu.memory_space<vmem>>) offsets(%dma_start3A_61 : memref<128xi32, #tpu.memory_space<vmem>>) semaphore(%arg12 : memref<!tpu.dma_semaphore, #tpu.memory_space<semaphore_mem>>)
      %dma_start3A_65 = arith.constant 4 : i32
      %dma_start3A_66 = arith.constant 512 : i32
      %dma_start3A_67 = arith.constant 0 : i32
      %dma_start3A_68 = tpu.memref_slice %arg11[%dma_start3A_66, %dma_start3A_67] : memref<1024x16xf32, #tpu.memory_space<vmem>> -> memref<128x16xf32, #tpu.memory_space<vmem>>
      %dma_start3A_69 = arith.constant 0 : i32
      %dma_start3A_70 = tpu.memref_slice %arg8[%dma_start3A_65, %dma_start3A_69] : memref<8x128xi32, #tpu.memory_space<vmem>> -> memref<1x128xi32, #tpu.memory_space<vmem>>
      %dma_start3A_71 = tpu.memref_squeeze %dma_start3A_70 : memref<1x128xi32, #tpu.memory_space<vmem>> -> memref<128xi32, #tpu.memory_space<vmem>>
      %dma_start3A_72 = arith.constant 0 : i32
      %dma_start3A_73 = arith.constant 0 : i32
      %dma_start3A_74 = tpu.memref_slice %arg2[%dma_start3A_72, %dma_start3A_73] : memref<10240x16xf32, #tpu.memory_space<hbm>> -> memref<10240x16xf32, #tpu.memory_space<hbm>>
      tpu.enqueue_indirect_dma source(%dma_start3A_74 : memref<10240x16xf32, #tpu.memory_space<hbm>>) target(%dma_start3A_68 : memref<128x16xf32, #tpu.memory_space<vmem>>) offsets(%dma_start3A_71 : memref<128xi32, #tpu.memory_space<vmem>>) semaphore(%arg12 : memref<!tpu.dma_semaphore, #tpu.memory_space<semaphore_mem>>)
      %dma_start3A_75 = arith.constant 5 : i32
      %dma_start3A_76 = arith.constant 640 : i32
      %dma_start3A_77 = arith.constant 0 : i32
      %dma_start3A_78 = tpu.memref_slice %arg11[%dma_start3A_76, %dma_start3A_77] : memref<1024x16xf32, #tpu.memory_space<vmem>> -> memref<128x16xf32, #tpu.memory_space<vmem>>
      %dma_start3A_79 = arith.constant 0 : i32
      %dma_start3A_80 = tpu.memref_slice %arg8[%dma_start3A_75, %dma_start3A_79] : memref<8x128xi32, #tpu.memory_space<vmem>> -> memref<1x128xi32, #tpu.memory_space<vmem>>
      %dma_start3A_81 = tpu.memref_squeeze %dma_start3A_80 : memref<1x128xi32, #tpu.memory_space<vmem>> -> memref<128xi32, #tpu.memory_space<vmem>>
      %dma_start3A_82 = arith.constant 0 : i32
      %dma_start3A_83 = arith.constant 0 : i32
      %dma_start3A_84 = tpu.memref_slice %arg2[%dma_start3A_82, %dma_start3A_83] : memref<10240x16xf32, #tpu.memory_space<hbm>> -> memref<10240x16xf32, #tpu.memory_space<hbm>>
      tpu.enqueue_indirect_dma source(%dma_start3A_84 : memref<10240x16xf32, #tpu.memory_space<hbm>>) target(%dma_start3A_78 : memref<128x16xf32, #tpu.memory_space<vmem>>) offsets(%dma_start3A_81 : memref<128xi32, #tpu.memory_space<vmem>>) semaphore(%arg12 : memref<!tpu.dma_semaphore, #tpu.memory_space<semaphore_mem>>)
      %dma_start3A_85 = arith.constant 6 : i32
      %dma_start3A_86 = arith.constant 768 : i32
      %dma_start3A_87 = arith.constant 0 : i32
      %dma_start3A_88 = tpu.memref_slice %arg11[%dma_start3A_86, %dma_start3A_87] : memref<1024x16xf32, #tpu.memory_space<vmem>> -> memref<128x16xf32, #tpu.memory_space<vmem>>
      %dma_start3A_89 = arith.constant 0 : i32
      %dma_start3A_90 = tpu.memref_slice %arg8[%dma_start3A_85, %dma_start3A_89] : memref<8x128xi32, #tpu.memory_space<vmem>> -> memref<1x128xi32, #tpu.memory_space<vmem>>
      %dma_start3A_91 = tpu.memref_squeeze %dma_start3A_90 : memref<1x128xi32, #tpu.memory_space<vmem>> -> memref<128xi32, #tpu.memory_space<vmem>>
      %dma_start3A_92 = arith.constant 0 : i32
      %dma_start3A_93 = arith.constant 0 : i32
      %dma_start3A_94 = tpu.memref_slice %arg2[%dma_start3A_92, %dma_start3A_93] : memref<10240x16xf32, #tpu.memory_space<hbm>> -> memref<10240x16xf32, #tpu.memory_space<hbm>>
      tpu.enqueue_indirect_dma source(%dma_start3A_94 : memref<10240x16xf32, #tpu.memory_space<hbm>>) target(%dma_start3A_88 : memref<128x16xf32, #tpu.memory_space<vmem>>) offsets(%dma_start3A_91 : memref<128xi32, #tpu.memory_space<vmem>>) semaphore(%arg12 : memref<!tpu.dma_semaphore, #tpu.memory_space<semaphore_mem>>)
      %dma_start3A_95 = arith.constant 7 : i32
      %dma_start3A_96 = arith.constant 896 : i32
      %dma_start3A_97 = arith.constant 0 : i32
      %dma_start3A_98 = tpu.memref_slice %arg11[%dma_start3A_96, %dma_start3A_97] : memref<1024x16xf32, #tpu.memory_space<vmem>> -> memref<128x16xf32, #tpu.memory_space<vmem>>
      %dma_start3A_99 = arith.constant 0 : i32
      %dma_start3A_100 = tpu.memref_slice %arg8[%dma_start3A_95, %dma_start3A_99] : memref<8x128xi32, #tpu.memory_space<vmem>> -> memref<1x128xi32, #tpu.memory_space<vmem>>
      %dma_start3A_101 = tpu.memref_squeeze %dma_start3A_100 : memref<1x128xi32, #tpu.memory_space<vmem>> -> memref<128xi32, #tpu.memory_space<vmem>>
      %dma_start3A_102 = arith.constant 0 : i32
      %dma_start3A_103 = arith.constant 0 : i32
      %dma_start3A_104 = tpu.memref_slice %arg2[%dma_start3A_102, %dma_start3A_103] : memref<10240x16xf32, #tpu.memory_space<hbm>> -> memref<10240x16xf32, #tpu.memory_space<hbm>>
      tpu.enqueue_indirect_dma source(%dma_start3A_104 : memref<10240x16xf32, #tpu.memory_space<hbm>>) target(%dma_start3A_98 : memref<128x16xf32, #tpu.memory_space<vmem>>) offsets(%dma_start3A_101 : memref<128xi32, #tpu.memory_space<vmem>>) semaphore(%arg12 : memref<!tpu.dma_semaphore, #tpu.memory_space<semaphore_mem>>)
      %dma_wait3A = arith.constant 0 : i32
      %dma_wait3A_105 = arith.constant 0 : i32
      %dma_wait3A_106 = arith.constant 0 : i32
      %dma_wait3A_107 = tpu.memref_slice %arg11[%dma_wait3A_105, %dma_wait3A_106] : memref<1024x16xf32, #tpu.memory_space<vmem>> -> memref<128x16xf32, #tpu.memory_space<vmem>>
      %dma_wait3A_108 = arith.constant 0 : i32
      %dma_wait3A_109 = tpu.memref_slice %arg8[%dma_wait3A, %dma_wait3A_108] : memref<8x128xi32, #tpu.memory_space<vmem>> -> memref<1x128xi32, #tpu.memory_space<vmem>>
      %dma_wait3A_110 = tpu.memref_squeeze %dma_wait3A_109 : memref<1x128xi32, #tpu.memory_space<vmem>> -> memref<128xi32, #tpu.memory_space<vmem>>
      %dma_wait3A_111 = arith.constant 0 : i32
      %dma_wait3A_112 = arith.constant 0 : i32
      %dma_wait3A_113 = tpu.memref_slice %arg2[%dma_wait3A_111, %dma_wait3A_112] : memref<10240x16xf32, #tpu.memory_space<hbm>> -> memref<10240x16xf32, #tpu.memory_space<hbm>>
      tpu.wait_indirect_dma semaphore(%arg12 : memref<!tpu.dma_semaphore, #tpu.memory_space<semaphore_mem>>) src(%dma_wait3A_113 : memref<10240x16xf32, #tpu.memory_space<hbm>>) dst(%dma_wait3A_107 : memref<128x16xf32, #tpu.memory_space<vmem>>)
      %dma_wait3A_114 = arith.constant 1 : i32
      %dma_wait3A_115 = arith.constant 128 : i32
      %dma_wait3A_116 = arith.constant 0 : i32
      %dma_wait3A_117 = tpu.memref_slice %arg11[%dma_wait3A_115, %dma_wait3A_116] : memref<1024x16xf32, #tpu.memory_space<vmem>> -> memref<128x16xf32, #tpu.memory_space<vmem>>
      %dma_wait3A_118 = arith.constant 0 : i32
      %dma_wait3A_119 = tpu.memref_slice %arg8[%dma_wait3A_114, %dma_wait3A_118] : memref<8x128xi32, #tpu.memory_space<vmem>> -> memref<1x128xi32, #tpu.memory_space<vmem>>
      %dma_wait3A_120 = tpu.memref_squeeze %dma_wait3A_119 : memref<1x128xi32, #tpu.memory_space<vmem>> -> memref<128xi32, #tpu.memory_space<vmem>>
      %dma_wait3A_121 = arith.constant 0 : i32
      %dma_wait3A_122 = arith.constant 0 : i32
      %dma_wait3A_123 = tpu.memref_slice %arg2[%dma_wait3A_121, %dma_wait3A_122] : memref<10240x16xf32, #tpu.memory_space<hbm>> -> memref<10240x16xf32, #tpu.memory_space<hbm>>
      tpu.wait_indirect_dma semaphore(%arg12 : memref<!tpu.dma_semaphore, #tpu.memory_space<semaphore_mem>>) src(%dma_wait3A_123 : memref<10240x16xf32, #tpu.memory_space<hbm>>) dst(%dma_wait3A_117 : memref<128x16xf32, #tpu.memory_space<vmem>>)
      %dma_wait3A_124 = arith.constant 2 : i32
      %dma_wait3A_125 = arith.constant 256 : i32
      %dma_wait3A_126 = arith.constant 0 : i32
      %dma_wait3A_127 = tpu.memref_slice %arg11[%dma_wait3A_125, %dma_wait3A_126] : memref<1024x16xf32, #tpu.memory_space<vmem>> -> memref<128x16xf32, #tpu.memory_space<vmem>>
      %dma_wait3A_128 = arith.constant 0 : i32
      %dma_wait3A_129 = tpu.memref_slice %arg8[%dma_wait3A_124, %dma_wait3A_128] : memref<8x128xi32, #tpu.memory_space<vmem>> -> memref<1x128xi32, #tpu.memory_space<vmem>>
      %dma_wait3A_130 = tpu.memref_squeeze %dma_wait3A_129 : memref<1x128xi32, #tpu.memory_space<vmem>> -> memref<128xi32, #tpu.memory_space<vmem>>
      %dma_wait3A_131 = arith.constant 0 : i32
      %dma_wait3A_132 = arith.constant 0 : i32
      %dma_wait3A_133 = tpu.memref_slice %arg2[%dma_wait3A_131, %dma_wait3A_132] : memref<10240x16xf32, #tpu.memory_space<hbm>> -> memref<10240x16xf32, #tpu.memory_space<hbm>>
      tpu.wait_indirect_dma semaphore(%arg12 : memref<!tpu.dma_semaphore, #tpu.memory_space<semaphore_mem>>) src(%dma_wait3A_133 : memref<10240x16xf32, #tpu.memory_space<hbm>>) dst(%dma_wait3A_127 : memref<128x16xf32, #tpu.memory_space<vmem>>)
      %dma_wait3A_134 = arith.constant 3 : i32
      %dma_wait3A_135 = arith.constant 384 : i32
      %dma_wait3A_136 = arith.constant 0 : i32
      %dma_wait3A_137 = tpu.memref_slice %arg11[%dma_wait3A_135, %dma_wait3A_136] : memref<1024x16xf32, #tpu.memory_space<vmem>> -> memref<128x16xf32, #tpu.memory_space<vmem>>
      %dma_wait3A_138 = arith.constant 0 : i32
      %dma_wait3A_139 = tpu.memref_slice %arg8[%dma_wait3A_134, %dma_wait3A_138] : memref<8x128xi32, #tpu.memory_space<vmem>> -> memref<1x128xi32, #tpu.memory_space<vmem>>
      %dma_wait3A_140 = tpu.memref_squeeze %dma_wait3A_139 : memref<1x128xi32, #tpu.memory_space<vmem>> -> memref<128xi32, #tpu.memory_space<vmem>>
      %dma_wait3A_141 = arith.constant 0 : i32
      %dma_wait3A_142 = arith.constant 0 : i32
      %dma_wait3A_143 = tpu.memref_slice %arg2[%dma_wait3A_141, %dma_wait3A_142] : memref<10240x16xf32, #tpu.memory_space<hbm>> -> memref<10240x16xf32, #tpu.memory_space<hbm>>
      tpu.wait_indirect_dma semaphore(%arg12 : memref<!tpu.dma_semaphore, #tpu.memory_space<semaphore_mem>>) src(%dma_wait3A_143 : memref<10240x16xf32, #tpu.memory_space<hbm>>) dst(%dma_wait3A_137 : memref<128x16xf32, #tpu.memory_space<vmem>>)
      %dma_wait3A_144 = arith.constant 4 : i32
      %dma_wait3A_145 = arith.constant 512 : i32
      %dma_wait3A_146 = arith.constant 0 : i32
      %dma_wait3A_147 = tpu.memref_slice %arg11[%dma_wait3A_145, %dma_wait3A_146] : memref<1024x16xf32, #tpu.memory_space<vmem>> -> memref<128x16xf32, #tpu.memory_space<vmem>>
      %dma_wait3A_148 = arith.constant 0 : i32
      %dma_wait3A_149 = tpu.memref_slice %arg8[%dma_wait3A_144, %dma_wait3A_148] : memref<8x128xi32, #tpu.memory_space<vmem>> -> memref<1x128xi32, #tpu.memory_space<vmem>>
      %dma_wait3A_150 = tpu.memref_squeeze %dma_wait3A_149 : memref<1x128xi32, #tpu.memory_space<vmem>> -> memref<128xi32, #tpu.memory_space<vmem>>
      %dma_wait3A_151 = arith.constant 0 : i32
      %dma_wait3A_152 = arith.constant 0 : i32
      %dma_wait3A_153 = tpu.memref_slice %arg2[%dma_wait3A_151, %dma_wait3A_152] : memref<10240x16xf32, #tpu.memory_space<hbm>> -> memref<10240x16xf32, #tpu.memory_space<hbm>>
      tpu.wait_indirect_dma semaphore(%arg12 : memref<!tpu.dma_semaphore, #tpu.memory_space<semaphore_mem>>) src(%dma_wait3A_153 : memref<10240x16xf32, #tpu.memory_space<hbm>>) dst(%dma_wait3A_147 : memref<128x16xf32, #tpu.memory_space<vmem>>)
      %dma_wait3A_154 = arith.constant 5 : i32
      %dma_wait3A_155 = arith.constant 640 : i32
      %dma_wait3A_156 = arith.constant 0 : i32
      %dma_wait3A_157 = tpu.memref_slice %arg11[%dma_wait3A_155, %dma_wait3A_156] : memref<1024x16xf32, #tpu.memory_space<vmem>> -> memref<128x16xf32, #tpu.memory_space<vmem>>
      %dma_wait3A_158 = arith.constant 0 : i32
      %dma_wait3A_159 = tpu.memref_slice %arg8[%dma_wait3A_154, %dma_wait3A_158] : memref<8x128xi32, #tpu.memory_space<vmem>> -> memref<1x128xi32, #tpu.memory_space<vmem>>
      %dma_wait3A_160 = tpu.memref_squeeze %dma_wait3A_159 : memref<1x128xi32, #tpu.memory_space<vmem>> -> memref<128xi32, #tpu.memory_space<vmem>>
      %dma_wait3A_161 = arith.constant 0 : i32
      %dma_wait3A_162 = arith.constant 0 : i32
      %dma_wait3A_163 = tpu.memref_slice %arg2[%dma_wait3A_161, %dma_wait3A_162] : memref<10240x16xf32, #tpu.memory_space<hbm>> -> memref<10240x16xf32, #tpu.memory_space<hbm>>
      tpu.wait_indirect_dma semaphore(%arg12 : memref<!tpu.dma_semaphore, #tpu.memory_space<semaphore_mem>>) src(%dma_wait3A_163 : memref<10240x16xf32, #tpu.memory_space<hbm>>) dst(%dma_wait3A_157 : memref<128x16xf32, #tpu.memory_space<vmem>>)
      %dma_wait3A_164 = arith.constant 6 : i32
      %dma_wait3A_165 = arith.constant 768 : i32
      %dma_wait3A_166 = arith.constant 0 : i32
      %dma_wait3A_167 = tpu.memref_slice %arg11[%dma_wait3A_165, %dma_wait3A_166] : memref<1024x16xf32, #tpu.memory_space<vmem>> -> memref<128x16xf32, #tpu.memory_space<vmem>>
      %dma_wait3A_168 = arith.constant 0 : i32
      %dma_wait3A_169 = tpu.memref_slice %arg8[%dma_wait3A_164, %dma_wait3A_168] : memref<8x128xi32, #tpu.memory_space<vmem>> -> memref<1x128xi32, #tpu.memory_space<vmem>>
      %dma_wait3A_170 = tpu.memref_squeeze %dma_wait3A_169 : memref<1x128xi32, #tpu.memory_space<vmem>> -> memref<128xi32, #tpu.memory_space<vmem>>
      %dma_wait3A_171 = arith.constant 0 : i32
      %dma_wait3A_172 = arith.constant 0 : i32
      %dma_wait3A_173 = tpu.memref_slice %arg2[%dma_wait3A_171, %dma_wait3A_172] : memref<10240x16xf32, #tpu.memory_space<hbm>> -> memref<10240x16xf32, #tpu.memory_space<hbm>>
      tpu.wait_indirect_dma semaphore(%arg12 : memref<!tpu.dma_semaphore, #tpu.memory_space<semaphore_mem>>) src(%dma_wait3A_173 : memref<10240x16xf32, #tpu.memory_space<hbm>>) dst(%dma_wait3A_167 : memref<128x16xf32, #tpu.memory_space<vmem>>)
      %dma_wait3A_174 = arith.constant 7 : i32
      %dma_wait3A_175 = arith.constant 896 : i32
      %dma_wait3A_176 = arith.constant 0 : i32
      %dma_wait3A_177 = tpu.memref_slice %arg11[%dma_wait3A_175, %dma_wait3A_176] : memref<1024x16xf32, #tpu.memory_space<vmem>> -> memref<128x16xf32, #tpu.memory_space<vmem>>
      %dma_wait3A_178 = arith.constant 0 : i32
      %dma_wait3A_179 = tpu.memref_slice %arg8[%dma_wait3A_174, %dma_wait3A_178] : memref<8x128xi32, #tpu.memory_space<vmem>> -> memref<1x128xi32, #tpu.memory_space<vmem>>
      %dma_wait3A_180 = tpu.memref_squeeze %dma_wait3A_179 : memref<1x128xi32, #tpu.memory_space<vmem>> -> memref<128xi32, #tpu.memory_space<vmem>>
      %dma_wait3A_181 = arith.constant 0 : i32
      %dma_wait3A_182 = arith.constant 0 : i32
      %dma_wait3A_183 = tpu.memref_slice %arg2[%dma_wait3A_181, %dma_wait3A_182] : memref<10240x16xf32, #tpu.memory_space<hbm>> -> memref<10240x16xf32, #tpu.memory_space<hbm>>
      tpu.wait_indirect_dma semaphore(%arg12 : memref<!tpu.dma_semaphore, #tpu.memory_space<semaphore_mem>>) src(%dma_wait3A_183 : memref<10240x16xf32, #tpu.memory_space<hbm>>) dst(%dma_wait3A_177 : memref<128x16xf32, #tpu.memory_space<vmem>>)
      %scan3A_184 = arith.constant 0 : i32
      %scan3A_185 = arith.constant 8 : i32
      %scan3A_186 = arith.addi %scan3A_184, %scan3A_185 : i32
      %scan3A_187 = arith.constant 1 : i32
      scf.for %scan3A_196 = %scan3A_184 to %scan3A_186 step %scan3A_187  : i32 {
        %mul3A_197 = arith.constant 1 : i32
        %mul3A_198 = arith.muli %scan3A_196, %mul3A_197 : i32
        %add3A_199 = arith.constant 0 : i32
        %add3A_200 = arith.addi %add3A_199, %mul3A_198 : i32
        %broadcast_in_dim3A = vector.broadcast %add3A_200 : i32 to vector<16xi32>
        %scan3A_201 = arith.constant 0 : i32
        %scan3A_202 = arith.constant 128 : i32
        %scan3A_203 = arith.addi %scan3A_201, %scan3A_202 : i32
        %scan3A_204 = arith.constant 1 : i32
        scf.for %scan3A_206 = %scan3A_201 to %scan3A_203 step %scan3A_204  : i32 {
          %mul3A_207 = arith.constant 1 : i32
          %mul3A_208 = arith.muli %scan3A_206, %mul3A_207 : i32
          %add3A_209 = arith.constant 0 : i32
          %add3A_210 = arith.addi %add3A_209, %mul3A_208 : i32
          %broadcast_in_dim3A_211 = vector.broadcast %add3A_210 : i32 to vector<16xi32>
          %gather3A = tpu.vector_load_idx %arg10[%broadcast_in_dim3A, %broadcast_in_dim3A_211] : memref<8x128xf32, #tpu.memory_space<vmem>>[vector<16xi32>, vector<16xi32>], vector<16xf32>,
          %mul3A_212 = arith.constant 128 : i32
          %mul3A_213 = arith.muli %add3A_200, %mul3A_212 : i32
          %add3A_214 = arith.addi %mul3A_213, %add3A_210 : i32
          %get3A = arith.index_cast %add3A_214 : i32 to index
          %get3A_215 = arith.constant 0 : index
          %get3A_216 = tpu.vector_load %arg11[%get3A, %get3A_215] {strides = array<i32>} : memref<1024x16xf32, #tpu.memory_space<vmem>>, vector<16xf32>,
          %mul3A_217 = arith.mulf %get3A_216, %gather3A : vector<16xf32>
          %swap3A = arith.index_cast %add3A_214 : i32 to index
          %swap3A_218 = arith.constant 0 : index
          %swap3A_219 = tpu.vector_load %arg11[%swap3A, %swap3A_218] {strides = array<i32>} : memref<1024x16xf32, #tpu.memory_space<vmem>>, vector<16xf32>,
          tpu.vector_store %arg11[%swap3A, %swap3A_218], %mul3A_217 {strides = array<i32>} : memref<1024x16xf32, #tpu.memory_space<vmem>>, vector<16xf32>,
        }
        %scan3A_205 = arith.constant 128 : i32
      }
      %scan3A_188 = arith.constant 8 : i32
      %run_scoped3A = arith.constant 0 : i32
      "tpu.region"() ({
        %run_scoped3A_196 = tpu.sem_alloc : memref<!tpu.dma_semaphore, #tpu.memory_space<semaphore_mem>>
        %dma_start3A_197 = arith.constant 0 : i32
        %dma_start3A_198 = arith.constant 0 : i32
        %dma_start3A_199 = tpu.memref_slice %arg11[%dma_start3A_197, %dma_start3A_198] : memref<1024x16xf32, #tpu.memory_space<vmem>> -> memref<128x16xf32, #tpu.memory_space<vmem>>
        %dma_start3A_200 = arith.constant 0 : i32
        %dma_start3A_201 = tpu.memref_slice %arg9[%run_scoped3A, %dma_start3A_200] : memref<8x128xi32, #tpu.memory_space<vmem>> -> memref<1x128xi32, #tpu.memory_space<vmem>>
        %dma_start3A_202 = tpu.memref_squeeze %dma_start3A_201 : memref<1x128xi32, #tpu.memory_space<vmem>> -> memref<128xi32, #tpu.memory_space<vmem>>
        %dma_start3A_203 = arith.constant 0 : i32
        %dma_start3A_204 = arith.constant 0 : i32
        %dma_start3A_205 = tpu.memref_slice %arg13[%dma_start3A_203, %dma_start3A_204] : memref<10240x16xf32, #tpu.memory_space<vmem_shared>> -> memref<10240x16xf32, #tpu.memory_space<vmem_shared>>
        tpu.enqueue_indirect_dma source(%dma_start3A_199 : memref<128x16xf32, #tpu.memory_space<vmem>>) target(%dma_start3A_205 : memref<10240x16xf32, #tpu.memory_space<vmem_shared>>) offsets(%dma_start3A_202 : memref<128xi32, #tpu.memory_space<vmem>>) semaphore(%run_scoped3A_196 : memref<!tpu.dma_semaphore, #tpu.memory_space<semaphore_mem>>) {add = true}
        %dma_wait3A_206 = arith.constant 0 : i32
        %dma_wait3A_207 = arith.constant 0 : i32
        %dma_wait3A_208 = tpu.memref_slice %arg11[%dma_wait3A_206, %dma_wait3A_207] : memref<1024x16xf32, #tpu.memory_space<vmem>> -> memref<128x16xf32, #tpu.memory_space<vmem>>
        %dma_wait3A_209 = arith.constant 0 : i32
        %dma_wait3A_210 = tpu.memref_slice %arg9[%run_scoped3A, %dma_wait3A_209] : memref<8x128xi32, #tpu.memory_space<vmem>> -> memref<1x128xi32, #tpu.memory_space<vmem>>
        %dma_wait3A_211 = tpu.memref_squeeze %dma_wait3A_210 : memref<1x128xi32, #tpu.memory_space<vmem>> -> memref<128xi32, #tpu.memory_space<vmem>>
        %dma_wait3A_212 = arith.constant 0 : i32
        %dma_wait3A_213 = arith.constant 0 : i32
        %dma_wait3A_214 = tpu.memref_slice %arg13[%dma_wait3A_212, %dma_wait3A_213] : memref<10240x16xf32, #tpu.memory_space<vmem_shared>> -> memref<10240x16xf32, #tpu.memory_space<vmem_shared>>
        tpu.wait_indirect_dma semaphore(%run_scoped3A_196 : memref<!tpu.dma_semaphore, #tpu.memory_space<semaphore_mem>>) src(%dma_wait3A_208 : memref<128x16xf32, #tpu.memory_space<vmem>>) dst(%dma_wait3A_214 : memref<10240x16xf32, #tpu.memory_space<vmem_shared>>)
        tpu.yield
      }) : () -> ()
      %run_scoped3A_189 = arith.constant 1 : i32
      "tpu.region"() ({
        %run_scoped3A_196 = tpu.sem_alloc : memref<!tpu.dma_semaphore, #tpu.memory_space<semaphore_mem>>
        %dma_start3A_197 = arith.constant 128 : i32
        %dma_start3A_198 = arith.constant 0 : i32
        %dma_start3A_199 = tpu.memref_slice %arg11[%dma_start3A_197, %dma_start3A_198] : memref<1024x16xf32, #tpu.memory_space<vmem>> -> memref<128x16xf32, #tpu.memory_space<vmem>>
        %dma_start3A_200 = arith.constant 0 : i32
        %dma_start3A_201 = tpu.memref_slice %arg9[%run_scoped3A_189, %dma_start3A_200] : memref<8x128xi32, #tpu.memory_space<vmem>> -> memref<1x128xi32, #tpu.memory_space<vmem>>
        %dma_start3A_202 = tpu.memref_squeeze %dma_start3A_201 : memref<1x128xi32, #tpu.memory_space<vmem>> -> memref<128xi32, #tpu.memory_space<vmem>>
        %dma_start3A_203 = arith.constant 0 : i32
        %dma_start3A_204 = arith.constant 0 : i32
        %dma_start3A_205 = tpu.memref_slice %arg13[%dma_start3A_203, %dma_start3A_204] : memref<10240x16xf32, #tpu.memory_space<vmem_shared>> -> memref<10240x16xf32, #tpu.memory_space<vmem_shared>>
        tpu.enqueue_indirect_dma source(%dma_start3A_199 : memref<128x16xf32, #tpu.memory_space<vmem>>) target(%dma_start3A_205 : memref<10240x16xf32, #tpu.memory_space<vmem_shared>>) offsets(%dma_start3A_202 : memref<128xi32, #tpu.memory_space<vmem>>) semaphore(%run_scoped3A_196 : memref<!tpu.dma_semaphore, #tpu.memory_space<semaphore_mem>>) {add = true}
        %dma_wait3A_206 = arith.constant 128 : i32
        %dma_wait3A_207 = arith.constant 0 : i32
        %dma_wait3A_208 = tpu.memref_slice %arg11[%dma_wait3A_206, %dma_wait3A_207] : memref<1024x16xf32, #tpu.memory_space<vmem>> -> memref<128x16xf32, #tpu.memory_space<vmem>>
        %dma_wait3A_209 = arith.constant 0 : i32
        %dma_wait3A_210 = tpu.memref_slice %arg9[%run_scoped3A_189, %dma_wait3A_209] : memref<8x128xi32, #tpu.memory_space<vmem>> -> memref<1x128xi32, #tpu.memory_space<vmem>>
        %dma_wait3A_211 = tpu.memref_squeeze %dma_wait3A_210 : memref<1x128xi32, #tpu.memory_space<vmem>> -> memref<128xi32, #tpu.memory_space<vmem>>
        %dma_wait3A_212 = arith.constant 0 : i32
        %dma_wait3A_213 = arith.constant 0 : i32
        %dma_wait3A_214 = tpu.memref_slice %arg13[%dma_wait3A_212, %dma_wait3A_213] : memref<10240x16xf32, #tpu.memory_space<vmem_shared>> -> memref<10240x16xf32, #tpu.memory_space<vmem_shared>>
        tpu.wait_indirect_dma semaphore(%run_scoped3A_196 : memref<!tpu.dma_semaphore, #tpu.memory_space<semaphore_mem>>) src(%dma_wait3A_208 : memref<128x16xf32, #tpu.memory_space<vmem>>) dst(%dma_wait3A_214 : memref<10240x16xf32, #tpu.memory_space<vmem_shared>>)
        tpu.yield
      }) : () -> ()
      %run_scoped3A_190 = arith.constant 2 : i32
      "tpu.region"() ({
        %run_scoped3A_196 = tpu.sem_alloc : memref<!tpu.dma_semaphore, #tpu.memory_space<semaphore_mem>>
        %dma_start3A_197 = arith.constant 256 : i32
        %dma_start3A_198 = arith.constant 0 : i32
        %dma_start3A_199 = tpu.memref_slice %arg11[%dma_start3A_197, %dma_start3A_198] : memref<1024x16xf32, #tpu.memory_space<vmem>> -> memref<128x16xf32, #tpu.memory_space<vmem>>
        %dma_start3A_200 = arith.constant 0 : i32
        %dma_start3A_201 = tpu.memref_slice %arg9[%run_scoped3A_190, %dma_start3A_200] : memref<8x128xi32, #tpu.memory_space<vmem>> -> memref<1x128xi32, #tpu.memory_space<vmem>>
        %dma_start3A_202 = tpu.memref_squeeze %dma_start3A_201 : memref<1x128xi32, #tpu.memory_space<vmem>> -> memref<128xi32, #tpu.memory_space<vmem>>
        %dma_start3A_203 = arith.constant 0 : i32
        %dma_start3A_204 = arith.constant 0 : i32
        %dma_start3A_205 = tpu.memref_slice %arg13[%dma_start3A_203, %dma_start3A_204] : memref<10240x16xf32, #tpu.memory_space<vmem_shared>> -> memref<10240x16xf32, #tpu.memory_space<vmem_shared>>
        tpu.enqueue_indirect_dma source(%dma_start3A_199 : memref<128x16xf32, #tpu.memory_space<vmem>>) target(%dma_start3A_205 : memref<10240x16xf32, #tpu.memory_space<vmem_shared>>) offsets(%dma_start3A_202 : memref<128xi32, #tpu.memory_space<vmem>>) semaphore(%run_scoped3A_196 : memref<!tpu.dma_semaphore, #tpu.memory_space<semaphore_mem>>) {add = true}
        %dma_wait3A_206 = arith.constant 256 : i32
        %dma_wait3A_207 = arith.constant 0 : i32
        %dma_wait3A_208 = tpu.memref_slice %arg11[%dma_wait3A_206, %dma_wait3A_207] : memref<1024x16xf32, #tpu.memory_space<vmem>> -> memref<128x16xf32, #tpu.memory_space<vmem>>
        %dma_wait3A_209 = arith.constant 0 : i32
        %dma_wait3A_210 = tpu.memref_slice %arg9[%run_scoped3A_190, %dma_wait3A_209] : memref<8x128xi32, #tpu.memory_space<vmem>> -> memref<1x128xi32, #tpu.memory_space<vmem>>
        %dma_wait3A_211 = tpu.memref_squeeze %dma_wait3A_210 : memref<1x128xi32, #tpu.memory_space<vmem>> -> memref<128xi32, #tpu.memory_space<vmem>>
        %dma_wait3A_212 = arith.constant 0 : i32
        %dma_wait3A_213 = arith.constant 0 : i32
        %dma_wait3A_214 = tpu.memref_slice %arg13[%dma_wait3A_212, %dma_wait3A_213] : memref<10240x16xf32, #tpu.memory_space<vmem_shared>> -> memref<10240x16xf32, #tpu.memory_space<vmem_shared>>
        tpu.wait_indirect_dma semaphore(%run_scoped3A_196 : memref<!tpu.dma_semaphore, #tpu.memory_space<semaphore_mem>>) src(%dma_wait3A_208 : memref<128x16xf32, #tpu.memory_space<vmem>>) dst(%dma_wait3A_214 : memref<10240x16xf32, #tpu.memory_space<vmem_shared>>)
        tpu.yield
      }) : () -> ()
      %run_scoped3A_191 = arith.constant 3 : i32
      "tpu.region"() ({
        %run_scoped3A_196 = tpu.sem_alloc : memref<!tpu.dma_semaphore, #tpu.memory_space<semaphore_mem>>
        %dma_start3A_197 = arith.constant 384 : i32
        %dma_start3A_198 = arith.constant 0 : i32
        %dma_start3A_199 = tpu.memref_slice %arg11[%dma_start3A_197, %dma_start3A_198] : memref<1024x16xf32, #tpu.memory_space<vmem>> -> memref<128x16xf32, #tpu.memory_space<vmem>>
        %dma_start3A_200 = arith.constant 0 : i32
        %dma_start3A_201 = tpu.memref_slice %arg9[%run_scoped3A_191, %dma_start3A_200] : memref<8x128xi32, #tpu.memory_space<vmem>> -> memref<1x128xi32, #tpu.memory_space<vmem>>
        %dma_start3A_202 = tpu.memref_squeeze %dma_start3A_201 : memref<1x128xi32, #tpu.memory_space<vmem>> -> memref<128xi32, #tpu.memory_space<vmem>>
        %dma_start3A_203 = arith.constant 0 : i32
        %dma_start3A_204 = arith.constant 0 : i32
        %dma_start3A_205 = tpu.memref_slice %arg13[%dma_start3A_203, %dma_start3A_204] : memref<10240x16xf32, #tpu.memory_space<vmem_shared>> -> memref<10240x16xf32, #tpu.memory_space<vmem_shared>>
        tpu.enqueue_indirect_dma source(%dma_start3A_199 : memref<128x16xf32, #tpu.memory_space<vmem>>) target(%dma_start3A_205 : memref<10240x16xf32, #tpu.memory_space<vmem_shared>>) offsets(%dma_start3A_202 : memref<128xi32, #tpu.memory_space<vmem>>) semaphore(%run_scoped3A_196 : memref<!tpu.dma_semaphore, #tpu.memory_space<semaphore_mem>>) {add = true}
        %dma_wait3A_206 = arith.constant 384 : i32
        %dma_wait3A_207 = arith.constant 0 : i32
        %dma_wait3A_208 = tpu.memref_slice %arg11[%dma_wait3A_206, %dma_wait3A_207] : memref<1024x16xf32, #tpu.memory_space<vmem>> -> memref<128x16xf32, #tpu.memory_space<vmem>>
        %dma_wait3A_209 = arith.constant 0 : i32
        %dma_wait3A_210 = tpu.memref_slice %arg9[%run_scoped3A_191, %dma_wait3A_209] : memref<8x128xi32, #tpu.memory_space<vmem>> -> memref<1x128xi32, #tpu.memory_space<vmem>>
        %dma_wait3A_211 = tpu.memref_squeeze %dma_wait3A_210 : memref<1x128xi32, #tpu.memory_space<vmem>> -> memref<128xi32, #tpu.memory_space<vmem>>
        %dma_wait3A_212 = arith.constant 0 : i32
        %dma_wait3A_213 = arith.constant 0 : i32
        %dma_wait3A_214 = tpu.memref_slice %arg13[%dma_wait3A_212, %dma_wait3A_213] : memref<10240x16xf32, #tpu.memory_space<vmem_shared>> -> memref<10240x16xf32, #tpu.memory_space<vmem_shared>>
        tpu.wait_indirect_dma semaphore(%run_scoped3A_196 : memref<!tpu.dma_semaphore, #tpu.memory_space<semaphore_mem>>) src(%dma_wait3A_208 : memref<128x16xf32, #tpu.memory_space<vmem>>) dst(%dma_wait3A_214 : memref<10240x16xf32, #tpu.memory_space<vmem_shared>>)
        tpu.yield
      }) : () -> ()
      %run_scoped3A_192 = arith.constant 4 : i32
      "tpu.region"() ({
        %run_scoped3A_196 = tpu.sem_alloc : memref<!tpu.dma_semaphore, #tpu.memory_space<semaphore_mem>>
        %dma_start3A_197 = arith.constant 512 : i32
        %dma_start3A_198 = arith.constant 0 : i32
        %dma_start3A_199 = tpu.memref_slice %arg11[%dma_start3A_197, %dma_start3A_198] : memref<1024x16xf32, #tpu.memory_space<vmem>> -> memref<128x16xf32, #tpu.memory_space<vmem>>
        %dma_start3A_200 = arith.constant 0 : i32
        %dma_start3A_201 = tpu.memref_slice %arg9[%run_scoped3A_192, %dma_start3A_200] : memref<8x128xi32, #tpu.memory_space<vmem>> -> memref<1x128xi32, #tpu.memory_space<vmem>>
        %dma_start3A_202 = tpu.memref_squeeze %dma_start3A_201 : memref<1x128xi32, #tpu.memory_space<vmem>> -> memref<128xi32, #tpu.memory_space<vmem>>
        %dma_start3A_203 = arith.constant 0 : i32
        %dma_start3A_204 = arith.constant 0 : i32
        %dma_start3A_205 = tpu.memref_slice %arg13[%dma_start3A_203, %dma_start3A_204] : memref<10240x16xf32, #tpu.memory_space<vmem_shared>> -> memref<10240x16xf32, #tpu.memory_space<vmem_shared>>
        tpu.enqueue_indirect_dma source(%dma_start3A_199 : memref<128x16xf32, #tpu.memory_space<vmem>>) target(%dma_start3A_205 : memref<10240x16xf32, #tpu.memory_space<vmem_shared>>) offsets(%dma_start3A_202 : memref<128xi32, #tpu.memory_space<vmem>>) semaphore(%run_scoped3A_196 : memref<!tpu.dma_semaphore, #tpu.memory_space<semaphore_mem>>) {add = true}
        %dma_wait3A_206 = arith.constant 512 : i32
        %dma_wait3A_207 = arith.constant 0 : i32
        %dma_wait3A_208 = tpu.memref_slice %arg11[%dma_wait3A_206, %dma_wait3A_207] : memref<1024x16xf32, #tpu.memory_space<vmem>> -> memref<128x16xf32, #tpu.memory_space<vmem>>
        %dma_wait3A_209 = arith.constant 0 : i32
        %dma_wait3A_210 = tpu.memref_slice %arg9[%run_scoped3A_192, %dma_wait3A_209] : memref<8x128xi32, #tpu.memory_space<vmem>> -> memref<1x128xi32, #tpu.memory_space<vmem>>
        %dma_wait3A_211 = tpu.memref_squeeze %dma_wait3A_210 : memref<1x128xi32, #tpu.memory_space<vmem>> -> memref<128xi32, #tpu.memory_space<vmem>>
        %dma_wait3A_212 = arith.constant 0 : i32
        %dma_wait3A_213 = arith.constant 0 : i32
        %dma_wait3A_214 = tpu.memref_slice %arg13[%dma_wait3A_212, %dma_wait3A_213] : memref<10240x16xf32, #tpu.memory_space<vmem_shared>> -> memref<10240x16xf32, #tpu.memory_space<vmem_shared>>
        tpu.wait_indirect_dma semaphore(%run_scoped3A_196 : memref<!tpu.dma_semaphore, #tpu.memory_space<semaphore_mem>>) src(%dma_wait3A_208 : memref<128x16xf32, #tpu.memory_space<vmem>>) dst(%dma_wait3A_214 : memref<10240x16xf32, #tpu.memory_space<vmem_shared>>)
        tpu.yield
      }) : () -> ()
      %run_scoped3A_193 = arith.constant 5 : i32
      "tpu.region"() ({
        %run_scoped3A_196 = tpu.sem_alloc : memref<!tpu.dma_semaphore, #tpu.memory_space<semaphore_mem>>
        %dma_start3A_197 = arith.constant 640 : i32
        %dma_start3A_198 = arith.constant 0 : i32
        %dma_start3A_199 = tpu.memref_slice %arg11[%dma_start3A_197, %dma_start3A_198] : memref<1024x16xf32, #tpu.memory_space<vmem>> -> memref<128x16xf32, #tpu.memory_space<vmem>>
        %dma_start3A_200 = arith.constant 0 : i32
        %dma_start3A_201 = tpu.memref_slice %arg9[%run_scoped3A_193, %dma_start3A_200] : memref<8x128xi32, #tpu.memory_space<vmem>> -> memref<1x128xi32, #tpu.memory_space<vmem>>
        %dma_start3A_202 = tpu.memref_squeeze %dma_start3A_201 : memref<1x128xi32, #tpu.memory_space<vmem>> -> memref<128xi32, #tpu.memory_space<vmem>>
        %dma_start3A_203 = arith.constant 0 : i32
        %dma_start3A_204 = arith.constant 0 : i32
        %dma_start3A_205 = tpu.memref_slice %arg13[%dma_start3A_203, %dma_start3A_204] : memref<10240x16xf32, #tpu.memory_space<vmem_shared>> -> memref<10240x16xf32, #tpu.memory_space<vmem_shared>>
        tpu.enqueue_indirect_dma source(%dma_start3A_199 : memref<128x16xf32, #tpu.memory_space<vmem>>) target(%dma_start3A_205 : memref<10240x16xf32, #tpu.memory_space<vmem_shared>>) offsets(%dma_start3A_202 : memref<128xi32, #tpu.memory_space<vmem>>) semaphore(%run_scoped3A_196 : memref<!tpu.dma_semaphore, #tpu.memory_space<semaphore_mem>>) {add = true}
        %dma_wait3A_206 = arith.constant 640 : i32
        %dma_wait3A_207 = arith.constant 0 : i32
        %dma_wait3A_208 = tpu.memref_slice %arg11[%dma_wait3A_206, %dma_wait3A_207] : memref<1024x16xf32, #tpu.memory_space<vmem>> -> memref<128x16xf32, #tpu.memory_space<vmem>>
        %dma_wait3A_209 = arith.constant 0 : i32
        %dma_wait3A_210 = tpu.memref_slice %arg9[%run_scoped3A_193, %dma_wait3A_209] : memref<8x128xi32, #tpu.memory_space<vmem>> -> memref<1x128xi32, #tpu.memory_space<vmem>>
        %dma_wait3A_211 = tpu.memref_squeeze %dma_wait3A_210 : memref<1x128xi32, #tpu.memory_space<vmem>> -> memref<128xi32, #tpu.memory_space<vmem>>
        %dma_wait3A_212 = arith.constant 0 : i32
        %dma_wait3A_213 = arith.constant 0 : i32
        %dma_wait3A_214 = tpu.memref_slice %arg13[%dma_wait3A_212, %dma_wait3A_213] : memref<10240x16xf32, #tpu.memory_space<vmem_shared>> -> memref<10240x16xf32, #tpu.memory_space<vmem_shared>>
        tpu.wait_indirect_dma semaphore(%run_scoped3A_196 : memref<!tpu.dma_semaphore, #tpu.memory_space<semaphore_mem>>) src(%dma_wait3A_208 : memref<128x16xf32, #tpu.memory_space<vmem>>) dst(%dma_wait3A_214 : memref<10240x16xf32, #tpu.memory_space<vmem_shared>>)
        tpu.yield
      }) : () -> ()
      %run_scoped3A_194 = arith.constant 6 : i32
      "tpu.region"() ({
        %run_scoped3A_196 = tpu.sem_alloc : memref<!tpu.dma_semaphore, #tpu.memory_space<semaphore_mem>>
        %dma_start3A_197 = arith.constant 768 : i32
        %dma_start3A_198 = arith.constant 0 : i32
        %dma_start3A_199 = tpu.memref_slice %arg11[%dma_start3A_197, %dma_start3A_198] : memref<1024x16xf32, #tpu.memory_space<vmem>> -> memref<128x16xf32, #tpu.memory_space<vmem>>
        %dma_start3A_200 = arith.constant 0 : i32
        %dma_start3A_201 = tpu.memref_slice %arg9[%run_scoped3A_194, %dma_start3A_200] : memref<8x128xi32, #tpu.memory_space<vmem>> -> memref<1x128xi32, #tpu.memory_space<vmem>>
        %dma_start3A_202 = tpu.memref_squeeze %dma_start3A_201 : memref<1x128xi32, #tpu.memory_space<vmem>> -> memref<128xi32, #tpu.memory_space<vmem>>
        %dma_start3A_203 = arith.constant 0 : i32
        %dma_start3A_204 = arith.constant 0 : i32
        %dma_start3A_205 = tpu.memref_slice %arg13[%dma_start3A_203, %dma_start3A_204] : memref<10240x16xf32, #tpu.memory_space<vmem_shared>> -> memref<10240x16xf32, #tpu.memory_space<vmem_shared>>
        tpu.enqueue_indirect_dma source(%dma_start3A_199 : memref<128x16xf32, #tpu.memory_space<vmem>>) target(%dma_start3A_205 : memref<10240x16xf32, #tpu.memory_space<vmem_shared>>) offsets(%dma_start3A_202 : memref<128xi32, #tpu.memory_space<vmem>>) semaphore(%run_scoped3A_196 : memref<!tpu.dma_semaphore, #tpu.memory_space<semaphore_mem>>) {add = true}
        %dma_wait3A_206 = arith.constant 768 : i32
        %dma_wait3A_207 = arith.constant 0 : i32
        %dma_wait3A_208 = tpu.memref_slice %arg11[%dma_wait3A_206, %dma_wait3A_207] : memref<1024x16xf32, #tpu.memory_space<vmem>> -> memref<128x16xf32, #tpu.memory_space<vmem>>
        %dma_wait3A_209 = arith.constant 0 : i32
        %dma_wait3A_210 = tpu.memref_slice %arg9[%run_scoped3A_194, %dma_wait3A_209] : memref<8x128xi32, #tpu.memory_space<vmem>> -> memref<1x128xi32, #tpu.memory_space<vmem>>
        %dma_wait3A_211 = tpu.memref_squeeze %dma_wait3A_210 : memref<1x128xi32, #tpu.memory_space<vmem>> -> memref<128xi32, #tpu.memory_space<vmem>>
        %dma_wait3A_212 = arith.constant 0 : i32
        %dma_wait3A_213 = arith.constant 0 : i32
        %dma_wait3A_214 = tpu.memref_slice %arg13[%dma_wait3A_212, %dma_wait3A_213] : memref<10240x16xf32, #tpu.memory_space<vmem_shared>> -> memref<10240x16xf32, #tpu.memory_space<vmem_shared>>
        tpu.wait_indirect_dma semaphore(%run_scoped3A_196 : memref<!tpu.dma_semaphore, #tpu.memory_space<semaphore_mem>>) src(%dma_wait3A_208 : memref<128x16xf32, #tpu.memory_space<vmem>>) dst(%dma_wait3A_214 : memref<10240x16xf32, #tpu.memory_space<vmem_shared>>)
        tpu.yield
      }) : () -> ()
      %run_scoped3A_195 = arith.constant 7 : i32
      "tpu.region"() ({
        %run_scoped3A_196 = tpu.sem_alloc : memref<!tpu.dma_semaphore, #tpu.memory_space<semaphore_mem>>
        %dma_start3A_197 = arith.constant 896 : i32
        %dma_start3A_198 = arith.constant 0 : i32
        %dma_start3A_199 = tpu.memref_slice %arg11[%dma_start3A_197, %dma_start3A_198] : memref<1024x16xf32, #tpu.memory_space<vmem>> -> memref<128x16xf32, #tpu.memory_space<vmem>>
        %dma_start3A_200 = arith.constant 0 : i32
        %dma_start3A_201 = tpu.memref_slice %arg9[%run_scoped3A_195, %dma_start3A_200] : memref<8x128xi32, #tpu.memory_space<vmem>> -> memref<1x128xi32, #tpu.memory_space<vmem>>
        %dma_start3A_202 = tpu.memref_squeeze %dma_start3A_201 : memref<1x128xi32, #tpu.memory_space<vmem>> -> memref<128xi32, #tpu.memory_space<vmem>>
        %dma_start3A_203 = arith.constant 0 : i32
        %dma_start3A_204 = arith.constant 0 : i32
        %dma_start3A_205 = tpu.memref_slice %arg13[%dma_start3A_203, %dma_start3A_204] : memref<10240x16xf32, #tpu.memory_space<vmem_shared>> -> memref<10240x16xf32, #tpu.memory_space<vmem_shared>>
        tpu.enqueue_indirect_dma source(%dma_start3A_199 : memref<128x16xf32, #tpu.memory_space<vmem>>) target(%dma_start3A_205 : memref<10240x16xf32, #tpu.memory_space<vmem_shared>>) offsets(%dma_start3A_202 : memref<128xi32, #tpu.memory_space<vmem>>) semaphore(%run_scoped3A_196 : memref<!tpu.dma_semaphore, #tpu.memory_space<semaphore_mem>>) {add = true}
        %dma_wait3A_206 = arith.constant 896 : i32
        %dma_wait3A_207 = arith.constant 0 : i32
        %dma_wait3A_208 = tpu.memref_slice %arg11[%dma_wait3A_206, %dma_wait3A_207] : memref<1024x16xf32, #tpu.memory_space<vmem>> -> memref<128x16xf32, #tpu.memory_space<vmem>>
        %dma_wait3A_209 = arith.constant 0 : i32
        %dma_wait3A_210 = tpu.memref_slice %arg9[%run_scoped3A_195, %dma_wait3A_209] : memref<8x128xi32, #tpu.memory_space<vmem>> -> memref<1x128xi32, #tpu.memory_space<vmem>>
        %dma_wait3A_211 = tpu.memref_squeeze %dma_wait3A_210 : memref<1x128xi32, #tpu.memory_space<vmem>> -> memref<128xi32, #tpu.memory_space<vmem>>
        %dma_wait3A_212 = arith.constant 0 : i32
        %dma_wait3A_213 = arith.constant 0 : i32
        %dma_wait3A_214 = tpu.memref_slice %arg13[%dma_wait3A_212, %dma_wait3A_213] : memref<10240x16xf32, #tpu.memory_space<vmem_shared>> -> memref<10240x16xf32, #tpu.memory_space<vmem_shared>>
        tpu.wait_indirect_dma semaphore(%run_scoped3A_196 : memref<!tpu.dma_semaphore, #tpu.memory_space<semaphore_mem>>) src(%dma_wait3A_208 : memref<128x16xf32, #tpu.memory_space<vmem>>) dst(%dma_wait3A_214 : memref<10240x16xf32, #tpu.memory_space<vmem_shared>>)
        tpu.yield
      }) : () -> ()
    }
    %scan3A_12 = arith.constant 10 : i32
    %barrier3A_13 = arith.constant 0 : index
    tpu.barrier barrier_id(%barrier3A_13)
    %mul3A_14 = arith.constant 640 : i32
    %mul3A_15 = arith.muli %arg1, %mul3A_14 : i32
    %mul3A_16 = arith.constant 640 : i32
    %mul3A_17 = arith.muli %arg1, %mul3A_16 : i32
    "tpu.region"() ({
      %run_scoped3A = tpu.sem_alloc : memref<!tpu.dma_semaphore, #tpu.memory_space<semaphore_mem>>
      %dma_start3A = arith.constant 0 : i32
      %dma_start3A_18 = tpu.memref_slice %arg7[%arg0, %mul3A_17, %dma_start3A] : memref<2x10240x16xf32, #tpu.memory_space<hbm>> -> memref<1x640x16xf32, #tpu.memory_space<hbm>>
      %dma_start3A_19 = tpu.memref_squeeze %dma_start3A_18 : memref<1x640x16xf32, #tpu.memory_space<hbm>> -> memref<640x16xf32, #tpu.memory_space<hbm>>
      %dma_start3A_20 = arith.constant 0 : i32
      %dma_start3A_21 = tpu.memref_slice %arg13[%mul3A_15, %dma_start3A_20] : memref<10240x16xf32, #tpu.memory_space<vmem_shared>> -> memref<640x16xf32, #tpu.memory_space<vmem_shared>>
      tpu.enqueue_dma source(%dma_start3A_21 : memref<640x16xf32, #tpu.memory_space<vmem_shared>>) target(%dma_start3A_19 : memref<640x16xf32, #tpu.memory_space<hbm>>) target_semaphore(%run_scoped3A : memref<!tpu.dma_semaphore, #tpu.memory_space<semaphore_mem>>)
      %dma_wait3A = arith.constant 0 : i32
      %dma_wait3A_22 = tpu.memref_slice %arg7[%arg0, %mul3A_17, %dma_wait3A] : memref<2x10240x16xf32, #tpu.memory_space<hbm>> -> memref<1x640x16xf32, #tpu.memory_space<hbm>>
      %dma_wait3A_23 = tpu.memref_squeeze %dma_wait3A_22 : memref<1x640x16xf32, #tpu.memory_space<hbm>> -> memref<640x16xf32, #tpu.memory_space<hbm>>
      %dma_wait3A_24 = arith.constant 0 : i32
      %dma_wait3A_25 = tpu.memref_slice %arg13[%mul3A_15, %dma_wait3A_24] : memref<10240x16xf32, #tpu.memory_space<vmem_shared>> -> memref<640x16xf32, #tpu.memory_space<vmem_shared>>
      tpu.wait_dma2 semaphore(%run_scoped3A : memref<!tpu.dma_semaphore, #tpu.memory_space<semaphore_mem>>) src(%dma_wait3A_25 : memref<640x16xf32, #tpu.memory_space<vmem_shared>>) dst(%dma_wait3A_23 : memref<640x16xf32, #tpu.memory_space<hbm>>)
      tpu.yield
    }) : () -> ()
    return
  }
}

#map = affine_map<(d0, d1) -> (0, 0)>
#map1 = affine_map<(d0, d1) -> (0, 0, 0)>
module attributes {stable_mosaic.version = 14 : i64} {
  func.func @seg_kernel(%arg0: i32, %arg1: i32, %arg2: memref<10240x64xf32, #tpu.memory_space<hbm>>, %arg3: memref<10240x64xf32, #tpu.memory_space<hbm>>, %arg4: memref<2560x128xi32, #tpu.memory_space<hbm>>, %arg5: memref<2560x128xi32, #tpu.memory_space<hbm>>, %arg6: memref<2560x128xf32, #tpu.memory_space<hbm>>, %arg7: memref<2x10240x64xf32, #tpu.memory_space<hbm>>, %arg8: memref<8x128xi32, #tpu.memory_space<vmem>>, %arg9: memref<8x128xi32, #tpu.memory_space<vmem>>, %arg10: memref<8x128xf32, #tpu.memory_space<vmem>>, %arg11: memref<1024x64xf32, #tpu.memory_space<vmem>>, %arg12: memref<!tpu.dma_semaphore, #tpu.memory_space<semaphore_mem>>, %arg13: memref<10240x64xf32, #tpu.memory_space<vmem_shared>>) attributes {dimension_semantics = [#tpu.dimension_semantics<core_parallel>, #tpu.dimension_semantics<subcore_parallel>], iteration_bounds = array<i64: 2, 16>, scalar_prefetch = 0 : i64, scratch_operands = 6 : i64, tpu.core_type = #tpu.core_type<sc_vector_subcore>, window_params = [{transform_indices = #map}, {transform_indices = #map}, {transform_indices = #map}, {transform_indices = #map}, {transform_indices = #map}, {transform_indices = #map1}]} {
    %mul3A = arith.constant 16 : i32
    %mul3A_0 = arith.muli %arg0, %mul3A : i32
    %add3A = arith.addi %mul3A_0, %arg1 : i32
    %eq3A = arith.constant 0 : i32
    %eq3A_1 = arith.cmpi eq, %arg0, %eq3A : i32
    %convert_element_type3A = arith.extui %eq3A_1 : i1 to i32
    %cond3A = arith.constant 0 : i32
    %cond3A_2 = arith.cmpi ne, %convert_element_type3A, %cond3A : i32
    scf.if %cond3A_2 {
      %mul3A_18 = arith.constant 640 : i32
      %mul3A_19 = arith.muli %arg1, %mul3A_18 : i32
      %mul3A_20 = arith.constant 640 : i32
      %mul3A_21 = arith.muli %arg1, %mul3A_20 : i32
      "tpu.region"() ({
        %run_scoped3A = tpu.sem_alloc : memref<!tpu.dma_semaphore, #tpu.memory_space<semaphore_mem>>
        %dma_start3A = arith.constant 0 : i32
        %dma_start3A_22 = tpu.memref_slice %arg13[%mul3A_21, %dma_start3A] : memref<10240x64xf32, #tpu.memory_space<vmem_shared>> -> memref<640x64xf32, #tpu.memory_space<vmem_shared>>
        %dma_start3A_23 = arith.constant 0 : i32
        %dma_start3A_24 = tpu.memref_slice %arg2[%mul3A_19, %dma_start3A_23] : memref<10240x64xf32, #tpu.memory_space<hbm>> -> memref<640x64xf32, #tpu.memory_space<hbm>>
        tpu.enqueue_dma source(%dma_start3A_24 : memref<640x64xf32, #tpu.memory_space<hbm>>) target(%dma_start3A_22 : memref<640x64xf32, #tpu.memory_space<vmem_shared>>) target_semaphore(%run_scoped3A : memref<!tpu.dma_semaphore, #tpu.memory_space<semaphore_mem>>)
        %dma_wait3A = arith.constant 0 : i32
        %dma_wait3A_25 = tpu.memref_slice %arg13[%mul3A_21, %dma_wait3A] : memref<10240x64xf32, #tpu.memory_space<vmem_shared>> -> memref<640x64xf32, #tpu.memory_space<vmem_shared>>
        %dma_wait3A_26 = arith.constant 0 : i32
        %dma_wait3A_27 = tpu.memref_slice %arg2[%mul3A_19, %dma_wait3A_26] : memref<10240x64xf32, #tpu.memory_space<hbm>> -> memref<640x64xf32, #tpu.memory_space<hbm>>
        tpu.wait_dma2 semaphore(%run_scoped3A : memref<!tpu.dma_semaphore, #tpu.memory_space<semaphore_mem>>) src(%dma_wait3A_27 : memref<640x64xf32, #tpu.memory_space<hbm>>) dst(%dma_wait3A_25 : memref<640x64xf32, #tpu.memory_space<vmem_shared>>)
        tpu.yield
      }) : () -> ()
    } else {
    }
    %ne3A = arith.constant 0 : i32
    %ne3A_3 = arith.cmpi ne, %arg0, %ne3A : i32
    %convert_element_type3A_4 = arith.extui %ne3A_3 : i1 to i32
    %cond3A_5 = arith.constant 0 : i32
    %cond3A_6 = arith.cmpi ne, %convert_element_type3A_4, %cond3A_5 : i32
    scf.if %cond3A_6 {
      %mul3A_18 = arith.constant 640 : i32
      %mul3A_19 = arith.muli %arg1, %mul3A_18 : i32
      %mul3A_20 = arith.constant 640 : i32
      %mul3A_21 = arith.muli %arg1, %mul3A_20 : i32
      "tpu.region"() ({
        %run_scoped3A = tpu.sem_alloc : memref<!tpu.dma_semaphore, #tpu.memory_space<semaphore_mem>>
        %dma_start3A = arith.constant 0 : i32
        %dma_start3A_22 = tpu.memref_slice %arg13[%mul3A_21, %dma_start3A] : memref<10240x64xf32, #tpu.memory_space<vmem_shared>> -> memref<640x64xf32, #tpu.memory_space<vmem_shared>>
        %dma_start3A_23 = arith.constant 0 : i32
        %dma_start3A_24 = tpu.memref_slice %arg3[%mul3A_19, %dma_start3A_23] : memref<10240x64xf32, #tpu.memory_space<hbm>> -> memref<640x64xf32, #tpu.memory_space<hbm>>
        tpu.enqueue_dma source(%dma_start3A_24 : memref<640x64xf32, #tpu.memory_space<hbm>>) target(%dma_start3A_22 : memref<640x64xf32, #tpu.memory_space<vmem_shared>>) target_semaphore(%run_scoped3A : memref<!tpu.dma_semaphore, #tpu.memory_space<semaphore_mem>>)
        %dma_wait3A = arith.constant 0 : i32
        %dma_wait3A_25 = tpu.memref_slice %arg13[%mul3A_21, %dma_wait3A] : memref<10240x64xf32, #tpu.memory_space<vmem_shared>> -> memref<640x64xf32, #tpu.memory_space<vmem_shared>>
        %dma_wait3A_26 = arith.constant 0 : i32
        %dma_wait3A_27 = tpu.memref_slice %arg3[%mul3A_19, %dma_wait3A_26] : memref<10240x64xf32, #tpu.memory_space<hbm>> -> memref<640x64xf32, #tpu.memory_space<hbm>>
        tpu.wait_dma2 semaphore(%run_scoped3A : memref<!tpu.dma_semaphore, #tpu.memory_space<semaphore_mem>>) src(%dma_wait3A_27 : memref<640x64xf32, #tpu.memory_space<hbm>>) dst(%dma_wait3A_25 : memref<640x64xf32, #tpu.memory_space<vmem_shared>>)
        tpu.yield
      }) : () -> ()
    } else {
    }
    %barrier3A = arith.constant 0 : index
    tpu.barrier barrier_id(%barrier3A)
    %mul3A_7 = arith.constant 80 : i32
    %mul3A_8 = arith.muli %add3A, %mul3A_7 : i32
    %scan3A = arith.constant 0 : i32
    %scan3A_9 = arith.constant 10 : i32
    %scan3A_10 = arith.addi %scan3A, %scan3A_9 : i32
    %scan3A_11 = arith.constant 1 : i32
    scf.for %scan3A_18 = %scan3A to %scan3A_10 step %scan3A_11  : i32 {
      %mul3A_19 = arith.constant 1 : i32
      %mul3A_20 = arith.muli %scan3A_18, %mul3A_19 : i32
      %add3A_21 = arith.constant 0 : i32
      %add3A_22 = arith.addi %add3A_21, %mul3A_20 : i32
      %mul3A_23 = arith.constant 8 : i32
      %mul3A_24 = arith.muli %add3A_22, %mul3A_23 : i32
      %add3A_25 = arith.addi %mul3A_8, %mul3A_24 : i32
      "tpu.region"() ({
        %run_scoped3A_196 = tpu.sem_alloc : memref<!tpu.dma_semaphore, #tpu.memory_space<semaphore_mem>>
        %dma_start3A_197 = arith.constant 0 : i32
        %dma_start3A_198 = tpu.memref_slice %arg4[%add3A_25, %dma_start3A_197] : memref<2560x128xi32, #tpu.memory_space<hbm>> -> memref<8x128xi32, #tpu.memory_space<hbm>>
        %dma_start3A_199 = arith.constant 0 : i32
        %dma_start3A_200 = tpu.memref_slice %arg4[%add3A_25, %dma_start3A_199] : memref<2560x128xi32, #tpu.memory_space<hbm>> -> memref<8x128xi32, #tpu.memory_space<hbm>>
        tpu.enqueue_dma source(%dma_start3A_200 : memref<8x128xi32, #tpu.memory_space<hbm>>) target(%arg8 : memref<8x128xi32, #tpu.memory_space<vmem>>) target_semaphore(%run_scoped3A_196 : memref<!tpu.dma_semaphore, #tpu.memory_space<semaphore_mem>>)
        %dma_wait3A_201 = arith.constant 0 : i32
        %dma_wait3A_202 = tpu.memref_slice %arg4[%add3A_25, %dma_wait3A_201] : memref<2560x128xi32, #tpu.memory_space<hbm>> -> memref<8x128xi32, #tpu.memory_space<hbm>>
        %dma_wait3A_203 = arith.constant 0 : i32
        %dma_wait3A_204 = tpu.memref_slice %arg4[%add3A_25, %dma_wait3A_203] : memref<2560x128xi32, #tpu.memory_space<hbm>> -> memref<8x128xi32, #tpu.memory_space<hbm>>
        tpu.wait_dma2 semaphore(%run_scoped3A_196 : memref<!tpu.dma_semaphore, #tpu.memory_space<semaphore_mem>>) src(%dma_wait3A_204 : memref<8x128xi32, #tpu.memory_space<hbm>>) dst(%arg8 : memref<8x128xi32, #tpu.memory_space<vmem>>)
        tpu.yield
      }) : () -> ()
      "tpu.region"() ({
        %run_scoped3A_196 = tpu.sem_alloc : memref<!tpu.dma_semaphore, #tpu.memory_space<semaphore_mem>>
        %dma_start3A_197 = arith.constant 0 : i32
        %dma_start3A_198 = tpu.memref_slice %arg5[%add3A_25, %dma_start3A_197] : memref<2560x128xi32, #tpu.memory_space<hbm>> -> memref<8x128xi32, #tpu.memory_space<hbm>>
        %dma_start3A_199 = arith.constant 0 : i32
        %dma_start3A_200 = tpu.memref_slice %arg5[%add3A_25, %dma_start3A_199] : memref<2560x128xi32, #tpu.memory_space<hbm>> -> memref<8x128xi32, #tpu.memory_space<hbm>>
        tpu.enqueue_dma source(%dma_start3A_200 : memref<8x128xi32, #tpu.memory_space<hbm>>) target(%arg9 : memref<8x128xi32, #tpu.memory_space<vmem>>) target_semaphore(%run_scoped3A_196 : memref<!tpu.dma_semaphore, #tpu.memory_space<semaphore_mem>>)
        %dma_wait3A_201 = arith.constant 0 : i32
        %dma_wait3A_202 = tpu.memref_slice %arg5[%add3A_25, %dma_wait3A_201] : memref<2560x128xi32, #tpu.memory_space<hbm>> -> memref<8x128xi32, #tpu.memory_space<hbm>>
        %dma_wait3A_203 = arith.constant 0 : i32
        %dma_wait3A_204 = tpu.memref_slice %arg5[%add3A_25, %dma_wait3A_203] : memref<2560x128xi32, #tpu.memory_space<hbm>> -> memref<8x128xi32, #tpu.memory_space<hbm>>
        tpu.wait_dma2 semaphore(%run_scoped3A_196 : memref<!tpu.dma_semaphore, #tpu.memory_space<semaphore_mem>>) src(%dma_wait3A_204 : memref<8x128xi32, #tpu.memory_space<hbm>>) dst(%arg9 : memref<8x128xi32, #tpu.memory_space<vmem>>)
        tpu.yield
      }) : () -> ()
      "tpu.region"() ({
        %run_scoped3A_196 = tpu.sem_alloc : memref<!tpu.dma_semaphore, #tpu.memory_space<semaphore_mem>>
        %dma_start3A_197 = arith.constant 0 : i32
        %dma_start3A_198 = tpu.memref_slice %arg6[%add3A_25, %dma_start3A_197] : memref<2560x128xf32, #tpu.memory_space<hbm>> -> memref<8x128xf32, #tpu.memory_space<hbm>>
        %dma_start3A_199 = arith.constant 0 : i32
        %dma_start3A_200 = tpu.memref_slice %arg6[%add3A_25, %dma_start3A_199] : memref<2560x128xf32, #tpu.memory_space<hbm>> -> memref<8x128xf32, #tpu.memory_space<hbm>>
        tpu.enqueue_dma source(%dma_start3A_200 : memref<8x128xf32, #tpu.memory_space<hbm>>) target(%arg10 : memref<8x128xf32, #tpu.memory_space<vmem>>) target_semaphore(%run_scoped3A_196 : memref<!tpu.dma_semaphore, #tpu.memory_space<semaphore_mem>>)
        %dma_wait3A_201 = arith.constant 0 : i32
        %dma_wait3A_202 = tpu.memref_slice %arg6[%add3A_25, %dma_wait3A_201] : memref<2560x128xf32, #tpu.memory_space<hbm>> -> memref<8x128xf32, #tpu.memory_space<hbm>>
        %dma_wait3A_203 = arith.constant 0 : i32
        %dma_wait3A_204 = tpu.memref_slice %arg6[%add3A_25, %dma_wait3A_203] : memref<2560x128xf32, #tpu.memory_space<hbm>> -> memref<8x128xf32, #tpu.memory_space<hbm>>
        tpu.wait_dma2 semaphore(%run_scoped3A_196 : memref<!tpu.dma_semaphore, #tpu.memory_space<semaphore_mem>>) src(%dma_wait3A_204 : memref<8x128xf32, #tpu.memory_space<hbm>>) dst(%arg10 : memref<8x128xf32, #tpu.memory_space<vmem>>)
        tpu.yield
      }) : () -> ()
      %dma_start3A = arith.constant 0 : i32
      %dma_start3A_26 = arith.constant 0 : i32
      %dma_start3A_27 = arith.constant 0 : i32
      %dma_start3A_28 = tpu.memref_slice %arg11[%dma_start3A_26, %dma_start3A_27] : memref<1024x64xf32, #tpu.memory_space<vmem>> -> memref<128x64xf32, #tpu.memory_space<vmem>>
      %dma_start3A_29 = arith.constant 0 : i32
      %dma_start3A_30 = tpu.memref_slice %arg8[%dma_start3A, %dma_start3A_29] : memref<8x128xi32, #tpu.memory_space<vmem>> -> memref<1x128xi32, #tpu.memory_space<vmem>>
      %dma_start3A_31 = tpu.memref_squeeze %dma_start3A_30 : memref<1x128xi32, #tpu.memory_space<vmem>> -> memref<128xi32, #tpu.memory_space<vmem>>
      %dma_start3A_32 = arith.constant 0 : i32
      %dma_start3A_33 = arith.constant 0 : i32
      %dma_start3A_34 = tpu.memref_slice %arg2[%dma_start3A_32, %dma_start3A_33] : memref<10240x64xf32, #tpu.memory_space<hbm>> -> memref<10240x64xf32, #tpu.memory_space<hbm>>
      tpu.enqueue_indirect_dma source(%dma_start3A_34 : memref<10240x64xf32, #tpu.memory_space<hbm>>) target(%dma_start3A_28 : memref<128x64xf32, #tpu.memory_space<vmem>>) offsets(%dma_start3A_31 : memref<128xi32, #tpu.memory_space<vmem>>) semaphore(%arg12 : memref<!tpu.dma_semaphore, #tpu.memory_space<semaphore_mem>>)
      %dma_start3A_35 = arith.constant 1 : i32
      %dma_start3A_36 = arith.constant 128 : i32
      %dma_start3A_37 = arith.constant 0 : i32
      %dma_start3A_38 = tpu.memref_slice %arg11[%dma_start3A_36, %dma_start3A_37] : memref<1024x64xf32, #tpu.memory_space<vmem>> -> memref<128x64xf32, #tpu.memory_space<vmem>>
      %dma_start3A_39 = arith.constant 0 : i32
      %dma_start3A_40 = tpu.memref_slice %arg8[%dma_start3A_35, %dma_start3A_39] : memref<8x128xi32, #tpu.memory_space<vmem>> -> memref<1x128xi32, #tpu.memory_space<vmem>>
      %dma_start3A_41 = tpu.memref_squeeze %dma_start3A_40 : memref<1x128xi32, #tpu.memory_space<vmem>> -> memref<128xi32, #tpu.memory_space<vmem>>
      %dma_start3A_42 = arith.constant 0 : i32
      %dma_start3A_43 = arith.constant 0 : i32
      %dma_start3A_44 = tpu.memref_slice %arg2[%dma_start3A_42, %dma_start3A_43] : memref<10240x64xf32, #tpu.memory_space<hbm>> -> memref<10240x64xf32, #tpu.memory_space<hbm>>
      tpu.enqueue_indirect_dma source(%dma_start3A_44 : memref<10240x64xf32, #tpu.memory_space<hbm>>) target(%dma_start3A_38 : memref<128x64xf32, #tpu.memory_space<vmem>>) offsets(%dma_start3A_41 : memref<128xi32, #tpu.memory_space<vmem>>) semaphore(%arg12 : memref<!tpu.dma_semaphore, #tpu.memory_space<semaphore_mem>>)
      %dma_start3A_45 = arith.constant 2 : i32
      %dma_start3A_46 = arith.constant 256 : i32
      %dma_start3A_47 = arith.constant 0 : i32
      %dma_start3A_48 = tpu.memref_slice %arg11[%dma_start3A_46, %dma_start3A_47] : memref<1024x64xf32, #tpu.memory_space<vmem>> -> memref<128x64xf32, #tpu.memory_space<vmem>>
      %dma_start3A_49 = arith.constant 0 : i32
      %dma_start3A_50 = tpu.memref_slice %arg8[%dma_start3A_45, %dma_start3A_49] : memref<8x128xi32, #tpu.memory_space<vmem>> -> memref<1x128xi32, #tpu.memory_space<vmem>>
      %dma_start3A_51 = tpu.memref_squeeze %dma_start3A_50 : memref<1x128xi32, #tpu.memory_space<vmem>> -> memref<128xi32, #tpu.memory_space<vmem>>
      %dma_start3A_52 = arith.constant 0 : i32
      %dma_start3A_53 = arith.constant 0 : i32
      %dma_start3A_54 = tpu.memref_slice %arg2[%dma_start3A_52, %dma_start3A_53] : memref<10240x64xf32, #tpu.memory_space<hbm>> -> memref<10240x64xf32, #tpu.memory_space<hbm>>
      tpu.enqueue_indirect_dma source(%dma_start3A_54 : memref<10240x64xf32, #tpu.memory_space<hbm>>) target(%dma_start3A_48 : memref<128x64xf32, #tpu.memory_space<vmem>>) offsets(%dma_start3A_51 : memref<128xi32, #tpu.memory_space<vmem>>) semaphore(%arg12 : memref<!tpu.dma_semaphore, #tpu.memory_space<semaphore_mem>>)
      %dma_start3A_55 = arith.constant 3 : i32
      %dma_start3A_56 = arith.constant 384 : i32
      %dma_start3A_57 = arith.constant 0 : i32
      %dma_start3A_58 = tpu.memref_slice %arg11[%dma_start3A_56, %dma_start3A_57] : memref<1024x64xf32, #tpu.memory_space<vmem>> -> memref<128x64xf32, #tpu.memory_space<vmem>>
      %dma_start3A_59 = arith.constant 0 : i32
      %dma_start3A_60 = tpu.memref_slice %arg8[%dma_start3A_55, %dma_start3A_59] : memref<8x128xi32, #tpu.memory_space<vmem>> -> memref<1x128xi32, #tpu.memory_space<vmem>>
      %dma_start3A_61 = tpu.memref_squeeze %dma_start3A_60 : memref<1x128xi32, #tpu.memory_space<vmem>> -> memref<128xi32, #tpu.memory_space<vmem>>
      %dma_start3A_62 = arith.constant 0 : i32
      %dma_start3A_63 = arith.constant 0 : i32
      %dma_start3A_64 = tpu.memref_slice %arg2[%dma_start3A_62, %dma_start3A_63] : memref<10240x64xf32, #tpu.memory_space<hbm>> -> memref<10240x64xf32, #tpu.memory_space<hbm>>
      tpu.enqueue_indirect_dma source(%dma_start3A_64 : memref<10240x64xf32, #tpu.memory_space<hbm>>) target(%dma_start3A_58 : memref<128x64xf32, #tpu.memory_space<vmem>>) offsets(%dma_start3A_61 : memref<128xi32, #tpu.memory_space<vmem>>) semaphore(%arg12 : memref<!tpu.dma_semaphore, #tpu.memory_space<semaphore_mem>>)
      %dma_start3A_65 = arith.constant 4 : i32
      %dma_start3A_66 = arith.constant 512 : i32
      %dma_start3A_67 = arith.constant 0 : i32
      %dma_start3A_68 = tpu.memref_slice %arg11[%dma_start3A_66, %dma_start3A_67] : memref<1024x64xf32, #tpu.memory_space<vmem>> -> memref<128x64xf32, #tpu.memory_space<vmem>>
      %dma_start3A_69 = arith.constant 0 : i32
      %dma_start3A_70 = tpu.memref_slice %arg8[%dma_start3A_65, %dma_start3A_69] : memref<8x128xi32, #tpu.memory_space<vmem>> -> memref<1x128xi32, #tpu.memory_space<vmem>>
      %dma_start3A_71 = tpu.memref_squeeze %dma_start3A_70 : memref<1x128xi32, #tpu.memory_space<vmem>> -> memref<128xi32, #tpu.memory_space<vmem>>
      %dma_start3A_72 = arith.constant 0 : i32
      %dma_start3A_73 = arith.constant 0 : i32
      %dma_start3A_74 = tpu.memref_slice %arg2[%dma_start3A_72, %dma_start3A_73] : memref<10240x64xf32, #tpu.memory_space<hbm>> -> memref<10240x64xf32, #tpu.memory_space<hbm>>
      tpu.enqueue_indirect_dma source(%dma_start3A_74 : memref<10240x64xf32, #tpu.memory_space<hbm>>) target(%dma_start3A_68 : memref<128x64xf32, #tpu.memory_space<vmem>>) offsets(%dma_start3A_71 : memref<128xi32, #tpu.memory_space<vmem>>) semaphore(%arg12 : memref<!tpu.dma_semaphore, #tpu.memory_space<semaphore_mem>>)
      %dma_start3A_75 = arith.constant 5 : i32
      %dma_start3A_76 = arith.constant 640 : i32
      %dma_start3A_77 = arith.constant 0 : i32
      %dma_start3A_78 = tpu.memref_slice %arg11[%dma_start3A_76, %dma_start3A_77] : memref<1024x64xf32, #tpu.memory_space<vmem>> -> memref<128x64xf32, #tpu.memory_space<vmem>>
      %dma_start3A_79 = arith.constant 0 : i32
      %dma_start3A_80 = tpu.memref_slice %arg8[%dma_start3A_75, %dma_start3A_79] : memref<8x128xi32, #tpu.memory_space<vmem>> -> memref<1x128xi32, #tpu.memory_space<vmem>>
      %dma_start3A_81 = tpu.memref_squeeze %dma_start3A_80 : memref<1x128xi32, #tpu.memory_space<vmem>> -> memref<128xi32, #tpu.memory_space<vmem>>
      %dma_start3A_82 = arith.constant 0 : i32
      %dma_start3A_83 = arith.constant 0 : i32
      %dma_start3A_84 = tpu.memref_slice %arg2[%dma_start3A_82, %dma_start3A_83] : memref<10240x64xf32, #tpu.memory_space<hbm>> -> memref<10240x64xf32, #tpu.memory_space<hbm>>
      tpu.enqueue_indirect_dma source(%dma_start3A_84 : memref<10240x64xf32, #tpu.memory_space<hbm>>) target(%dma_start3A_78 : memref<128x64xf32, #tpu.memory_space<vmem>>) offsets(%dma_start3A_81 : memref<128xi32, #tpu.memory_space<vmem>>) semaphore(%arg12 : memref<!tpu.dma_semaphore, #tpu.memory_space<semaphore_mem>>)
      %dma_start3A_85 = arith.constant 6 : i32
      %dma_start3A_86 = arith.constant 768 : i32
      %dma_start3A_87 = arith.constant 0 : i32
      %dma_start3A_88 = tpu.memref_slice %arg11[%dma_start3A_86, %dma_start3A_87] : memref<1024x64xf32, #tpu.memory_space<vmem>> -> memref<128x64xf32, #tpu.memory_space<vmem>>
      %dma_start3A_89 = arith.constant 0 : i32
      %dma_start3A_90 = tpu.memref_slice %arg8[%dma_start3A_85, %dma_start3A_89] : memref<8x128xi32, #tpu.memory_space<vmem>> -> memref<1x128xi32, #tpu.memory_space<vmem>>
      %dma_start3A_91 = tpu.memref_squeeze %dma_start3A_90 : memref<1x128xi32, #tpu.memory_space<vmem>> -> memref<128xi32, #tpu.memory_space<vmem>>
      %dma_start3A_92 = arith.constant 0 : i32
      %dma_start3A_93 = arith.constant 0 : i32
      %dma_start3A_94 = tpu.memref_slice %arg2[%dma_start3A_92, %dma_start3A_93] : memref<10240x64xf32, #tpu.memory_space<hbm>> -> memref<10240x64xf32, #tpu.memory_space<hbm>>
      tpu.enqueue_indirect_dma source(%dma_start3A_94 : memref<10240x64xf32, #tpu.memory_space<hbm>>) target(%dma_start3A_88 : memref<128x64xf32, #tpu.memory_space<vmem>>) offsets(%dma_start3A_91 : memref<128xi32, #tpu.memory_space<vmem>>) semaphore(%arg12 : memref<!tpu.dma_semaphore, #tpu.memory_space<semaphore_mem>>)
      %dma_start3A_95 = arith.constant 7 : i32
      %dma_start3A_96 = arith.constant 896 : i32
      %dma_start3A_97 = arith.constant 0 : i32
      %dma_start3A_98 = tpu.memref_slice %arg11[%dma_start3A_96, %dma_start3A_97] : memref<1024x64xf32, #tpu.memory_space<vmem>> -> memref<128x64xf32, #tpu.memory_space<vmem>>
      %dma_start3A_99 = arith.constant 0 : i32
      %dma_start3A_100 = tpu.memref_slice %arg8[%dma_start3A_95, %dma_start3A_99] : memref<8x128xi32, #tpu.memory_space<vmem>> -> memref<1x128xi32, #tpu.memory_space<vmem>>
      %dma_start3A_101 = tpu.memref_squeeze %dma_start3A_100 : memref<1x128xi32, #tpu.memory_space<vmem>> -> memref<128xi32, #tpu.memory_space<vmem>>
      %dma_start3A_102 = arith.constant 0 : i32
      %dma_start3A_103 = arith.constant 0 : i32
      %dma_start3A_104 = tpu.memref_slice %arg2[%dma_start3A_102, %dma_start3A_103] : memref<10240x64xf32, #tpu.memory_space<hbm>> -> memref<10240x64xf32, #tpu.memory_space<hbm>>
      tpu.enqueue_indirect_dma source(%dma_start3A_104 : memref<10240x64xf32, #tpu.memory_space<hbm>>) target(%dma_start3A_98 : memref<128x64xf32, #tpu.memory_space<vmem>>) offsets(%dma_start3A_101 : memref<128xi32, #tpu.memory_space<vmem>>) semaphore(%arg12 : memref<!tpu.dma_semaphore, #tpu.memory_space<semaphore_mem>>)
      %dma_wait3A = arith.constant 0 : i32
      %dma_wait3A_105 = arith.constant 0 : i32
      %dma_wait3A_106 = arith.constant 0 : i32
      %dma_wait3A_107 = tpu.memref_slice %arg11[%dma_wait3A_105, %dma_wait3A_106] : memref<1024x64xf32, #tpu.memory_space<vmem>> -> memref<128x64xf32, #tpu.memory_space<vmem>>
      %dma_wait3A_108 = arith.constant 0 : i32
      %dma_wait3A_109 = tpu.memref_slice %arg8[%dma_wait3A, %dma_wait3A_108] : memref<8x128xi32, #tpu.memory_space<vmem>> -> memref<1x128xi32, #tpu.memory_space<vmem>>
      %dma_wait3A_110 = tpu.memref_squeeze %dma_wait3A_109 : memref<1x128xi32, #tpu.memory_space<vmem>> -> memref<128xi32, #tpu.memory_space<vmem>>
      %dma_wait3A_111 = arith.constant 0 : i32
      %dma_wait3A_112 = arith.constant 0 : i32
      %dma_wait3A_113 = tpu.memref_slice %arg2[%dma_wait3A_111, %dma_wait3A_112] : memref<10240x64xf32, #tpu.memory_space<hbm>> -> memref<10240x64xf32, #tpu.memory_space<hbm>>
      tpu.wait_indirect_dma semaphore(%arg12 : memref<!tpu.dma_semaphore, #tpu.memory_space<semaphore_mem>>) src(%dma_wait3A_113 : memref<10240x64xf32, #tpu.memory_space<hbm>>) dst(%dma_wait3A_107 : memref<128x64xf32, #tpu.memory_space<vmem>>)
      %dma_wait3A_114 = arith.constant 1 : i32
      %dma_wait3A_115 = arith.constant 128 : i32
      %dma_wait3A_116 = arith.constant 0 : i32
      %dma_wait3A_117 = tpu.memref_slice %arg11[%dma_wait3A_115, %dma_wait3A_116] : memref<1024x64xf32, #tpu.memory_space<vmem>> -> memref<128x64xf32, #tpu.memory_space<vmem>>
      %dma_wait3A_118 = arith.constant 0 : i32
      %dma_wait3A_119 = tpu.memref_slice %arg8[%dma_wait3A_114, %dma_wait3A_118] : memref<8x128xi32, #tpu.memory_space<vmem>> -> memref<1x128xi32, #tpu.memory_space<vmem>>
      %dma_wait3A_120 = tpu.memref_squeeze %dma_wait3A_119 : memref<1x128xi32, #tpu.memory_space<vmem>> -> memref<128xi32, #tpu.memory_space<vmem>>
      %dma_wait3A_121 = arith.constant 0 : i32
      %dma_wait3A_122 = arith.constant 0 : i32
      %dma_wait3A_123 = tpu.memref_slice %arg2[%dma_wait3A_121, %dma_wait3A_122] : memref<10240x64xf32, #tpu.memory_space<hbm>> -> memref<10240x64xf32, #tpu.memory_space<hbm>>
      tpu.wait_indirect_dma semaphore(%arg12 : memref<!tpu.dma_semaphore, #tpu.memory_space<semaphore_mem>>) src(%dma_wait3A_123 : memref<10240x64xf32, #tpu.memory_space<hbm>>) dst(%dma_wait3A_117 : memref<128x64xf32, #tpu.memory_space<vmem>>)
      %dma_wait3A_124 = arith.constant 2 : i32
      %dma_wait3A_125 = arith.constant 256 : i32
      %dma_wait3A_126 = arith.constant 0 : i32
      %dma_wait3A_127 = tpu.memref_slice %arg11[%dma_wait3A_125, %dma_wait3A_126] : memref<1024x64xf32, #tpu.memory_space<vmem>> -> memref<128x64xf32, #tpu.memory_space<vmem>>
      %dma_wait3A_128 = arith.constant 0 : i32
      %dma_wait3A_129 = tpu.memref_slice %arg8[%dma_wait3A_124, %dma_wait3A_128] : memref<8x128xi32, #tpu.memory_space<vmem>> -> memref<1x128xi32, #tpu.memory_space<vmem>>
      %dma_wait3A_130 = tpu.memref_squeeze %dma_wait3A_129 : memref<1x128xi32, #tpu.memory_space<vmem>> -> memref<128xi32, #tpu.memory_space<vmem>>
      %dma_wait3A_131 = arith.constant 0 : i32
      %dma_wait3A_132 = arith.constant 0 : i32
      %dma_wait3A_133 = tpu.memref_slice %arg2[%dma_wait3A_131, %dma_wait3A_132] : memref<10240x64xf32, #tpu.memory_space<hbm>> -> memref<10240x64xf32, #tpu.memory_space<hbm>>
      tpu.wait_indirect_dma semaphore(%arg12 : memref<!tpu.dma_semaphore, #tpu.memory_space<semaphore_mem>>) src(%dma_wait3A_133 : memref<10240x64xf32, #tpu.memory_space<hbm>>) dst(%dma_wait3A_127 : memref<128x64xf32, #tpu.memory_space<vmem>>)
      %dma_wait3A_134 = arith.constant 3 : i32
      %dma_wait3A_135 = arith.constant 384 : i32
      %dma_wait3A_136 = arith.constant 0 : i32
      %dma_wait3A_137 = tpu.memref_slice %arg11[%dma_wait3A_135, %dma_wait3A_136] : memref<1024x64xf32, #tpu.memory_space<vmem>> -> memref<128x64xf32, #tpu.memory_space<vmem>>
      %dma_wait3A_138 = arith.constant 0 : i32
      %dma_wait3A_139 = tpu.memref_slice %arg8[%dma_wait3A_134, %dma_wait3A_138] : memref<8x128xi32, #tpu.memory_space<vmem>> -> memref<1x128xi32, #tpu.memory_space<vmem>>
      %dma_wait3A_140 = tpu.memref_squeeze %dma_wait3A_139 : memref<1x128xi32, #tpu.memory_space<vmem>> -> memref<128xi32, #tpu.memory_space<vmem>>
      %dma_wait3A_141 = arith.constant 0 : i32
      %dma_wait3A_142 = arith.constant 0 : i32
      %dma_wait3A_143 = tpu.memref_slice %arg2[%dma_wait3A_141, %dma_wait3A_142] : memref<10240x64xf32, #tpu.memory_space<hbm>> -> memref<10240x64xf32, #tpu.memory_space<hbm>>
      tpu.wait_indirect_dma semaphore(%arg12 : memref<!tpu.dma_semaphore, #tpu.memory_space<semaphore_mem>>) src(%dma_wait3A_143 : memref<10240x64xf32, #tpu.memory_space<hbm>>) dst(%dma_wait3A_137 : memref<128x64xf32, #tpu.memory_space<vmem>>)
      %dma_wait3A_144 = arith.constant 4 : i32
      %dma_wait3A_145 = arith.constant 512 : i32
      %dma_wait3A_146 = arith.constant 0 : i32
      %dma_wait3A_147 = tpu.memref_slice %arg11[%dma_wait3A_145, %dma_wait3A_146] : memref<1024x64xf32, #tpu.memory_space<vmem>> -> memref<128x64xf32, #tpu.memory_space<vmem>>
      %dma_wait3A_148 = arith.constant 0 : i32
      %dma_wait3A_149 = tpu.memref_slice %arg8[%dma_wait3A_144, %dma_wait3A_148] : memref<8x128xi32, #tpu.memory_space<vmem>> -> memref<1x128xi32, #tpu.memory_space<vmem>>
      %dma_wait3A_150 = tpu.memref_squeeze %dma_wait3A_149 : memref<1x128xi32, #tpu.memory_space<vmem>> -> memref<128xi32, #tpu.memory_space<vmem>>
      %dma_wait3A_151 = arith.constant 0 : i32
      %dma_wait3A_152 = arith.constant 0 : i32
      %dma_wait3A_153 = tpu.memref_slice %arg2[%dma_wait3A_151, %dma_wait3A_152] : memref<10240x64xf32, #tpu.memory_space<hbm>> -> memref<10240x64xf32, #tpu.memory_space<hbm>>
      tpu.wait_indirect_dma semaphore(%arg12 : memref<!tpu.dma_semaphore, #tpu.memory_space<semaphore_mem>>) src(%dma_wait3A_153 : memref<10240x64xf32, #tpu.memory_space<hbm>>) dst(%dma_wait3A_147 : memref<128x64xf32, #tpu.memory_space<vmem>>)
      %dma_wait3A_154 = arith.constant 5 : i32
      %dma_wait3A_155 = arith.constant 640 : i32
      %dma_wait3A_156 = arith.constant 0 : i32
      %dma_wait3A_157 = tpu.memref_slice %arg11[%dma_wait3A_155, %dma_wait3A_156] : memref<1024x64xf32, #tpu.memory_space<vmem>> -> memref<128x64xf32, #tpu.memory_space<vmem>>
      %dma_wait3A_158 = arith.constant 0 : i32
      %dma_wait3A_159 = tpu.memref_slice %arg8[%dma_wait3A_154, %dma_wait3A_158] : memref<8x128xi32, #tpu.memory_space<vmem>> -> memref<1x128xi32, #tpu.memory_space<vmem>>
      %dma_wait3A_160 = tpu.memref_squeeze %dma_wait3A_159 : memref<1x128xi32, #tpu.memory_space<vmem>> -> memref<128xi32, #tpu.memory_space<vmem>>
      %dma_wait3A_161 = arith.constant 0 : i32
      %dma_wait3A_162 = arith.constant 0 : i32
      %dma_wait3A_163 = tpu.memref_slice %arg2[%dma_wait3A_161, %dma_wait3A_162] : memref<10240x64xf32, #tpu.memory_space<hbm>> -> memref<10240x64xf32, #tpu.memory_space<hbm>>
      tpu.wait_indirect_dma semaphore(%arg12 : memref<!tpu.dma_semaphore, #tpu.memory_space<semaphore_mem>>) src(%dma_wait3A_163 : memref<10240x64xf32, #tpu.memory_space<hbm>>) dst(%dma_wait3A_157 : memref<128x64xf32, #tpu.memory_space<vmem>>)
      %dma_wait3A_164 = arith.constant 6 : i32
      %dma_wait3A_165 = arith.constant 768 : i32
      %dma_wait3A_166 = arith.constant 0 : i32
      %dma_wait3A_167 = tpu.memref_slice %arg11[%dma_wait3A_165, %dma_wait3A_166] : memref<1024x64xf32, #tpu.memory_space<vmem>> -> memref<128x64xf32, #tpu.memory_space<vmem>>
      %dma_wait3A_168 = arith.constant 0 : i32
      %dma_wait3A_169 = tpu.memref_slice %arg8[%dma_wait3A_164, %dma_wait3A_168] : memref<8x128xi32, #tpu.memory_space<vmem>> -> memref<1x128xi32, #tpu.memory_space<vmem>>
      %dma_wait3A_170 = tpu.memref_squeeze %dma_wait3A_169 : memref<1x128xi32, #tpu.memory_space<vmem>> -> memref<128xi32, #tpu.memory_space<vmem>>
      %dma_wait3A_171 = arith.constant 0 : i32
      %dma_wait3A_172 = arith.constant 0 : i32
      %dma_wait3A_173 = tpu.memref_slice %arg2[%dma_wait3A_171, %dma_wait3A_172] : memref<10240x64xf32, #tpu.memory_space<hbm>> -> memref<10240x64xf32, #tpu.memory_space<hbm>>
      tpu.wait_indirect_dma semaphore(%arg12 : memref<!tpu.dma_semaphore, #tpu.memory_space<semaphore_mem>>) src(%dma_wait3A_173 : memref<10240x64xf32, #tpu.memory_space<hbm>>) dst(%dma_wait3A_167 : memref<128x64xf32, #tpu.memory_space<vmem>>)
      %dma_wait3A_174 = arith.constant 7 : i32
      %dma_wait3A_175 = arith.constant 896 : i32
      %dma_wait3A_176 = arith.constant 0 : i32
      %dma_wait3A_177 = tpu.memref_slice %arg11[%dma_wait3A_175, %dma_wait3A_176] : memref<1024x64xf32, #tpu.memory_space<vmem>> -> memref<128x64xf32, #tpu.memory_space<vmem>>
      %dma_wait3A_178 = arith.constant 0 : i32
      %dma_wait3A_179 = tpu.memref_slice %arg8[%dma_wait3A_174, %dma_wait3A_178] : memref<8x128xi32, #tpu.memory_space<vmem>> -> memref<1x128xi32, #tpu.memory_space<vmem>>
      %dma_wait3A_180 = tpu.memref_squeeze %dma_wait3A_179 : memref<1x128xi32, #tpu.memory_space<vmem>> -> memref<128xi32, #tpu.memory_space<vmem>>
      %dma_wait3A_181 = arith.constant 0 : i32
      %dma_wait3A_182 = arith.constant 0 : i32
      %dma_wait3A_183 = tpu.memref_slice %arg2[%dma_wait3A_181, %dma_wait3A_182] : memref<10240x64xf32, #tpu.memory_space<hbm>> -> memref<10240x64xf32, #tpu.memory_space<hbm>>
      tpu.wait_indirect_dma semaphore(%arg12 : memref<!tpu.dma_semaphore, #tpu.memory_space<semaphore_mem>>) src(%dma_wait3A_183 : memref<10240x64xf32, #tpu.memory_space<hbm>>) dst(%dma_wait3A_177 : memref<128x64xf32, #tpu.memory_space<vmem>>)
      %scan3A_184 = arith.constant 0 : i32
      %scan3A_185 = arith.constant 8 : i32
      %scan3A_186 = arith.addi %scan3A_184, %scan3A_185 : i32
      %scan3A_187 = arith.constant 1 : i32
      scf.for %scan3A_196 = %scan3A_184 to %scan3A_186 step %scan3A_187  : i32 {
        %mul3A_197 = arith.constant 1 : i32
        %mul3A_198 = arith.muli %scan3A_196, %mul3A_197 : i32
        %add3A_199 = arith.constant 0 : i32
        %add3A_200 = arith.addi %add3A_199, %mul3A_198 : i32
        %broadcast_in_dim3A = vector.broadcast %add3A_200 : i32 to vector<16xi32>
        %scan3A_201 = arith.constant 0 : i32
        %scan3A_202 = arith.constant 128 : i32
        %scan3A_203 = arith.addi %scan3A_201, %scan3A_202 : i32
        %scan3A_204 = arith.constant 1 : i32
        scf.for %scan3A_206 = %scan3A_201 to %scan3A_203 step %scan3A_204  : i32 {
          %mul3A_207 = arith.constant 1 : i32
          %mul3A_208 = arith.muli %scan3A_206, %mul3A_207 : i32
          %add3A_209 = arith.constant 0 : i32
          %add3A_210 = arith.addi %add3A_209, %mul3A_208 : i32
          %broadcast_in_dim3A_211 = vector.broadcast %add3A_210 : i32 to vector<16xi32>
          %gather3A = tpu.vector_load_idx %arg10[%broadcast_in_dim3A, %broadcast_in_dim3A_211] : memref<8x128xf32, #tpu.memory_space<vmem>>[vector<16xi32>, vector<16xi32>], vector<16xf32>,
          %mul3A_212 = arith.constant 128 : i32
          %mul3A_213 = arith.muli %add3A_200, %mul3A_212 : i32
          %add3A_214 = arith.addi %mul3A_213, %add3A_210 : i32
          %get3A = arith.index_cast %add3A_214 : i32 to index
          %get3A_215 = arith.constant 0 : index
          %get3A_216 = tpu.vector_load %arg11[%get3A, %get3A_215] {strides = array<i32>} : memref<1024x64xf32, #tpu.memory_space<vmem>>, vector<16xf32>,
          %mul3A_217 = arith.mulf %get3A_216, %gather3A : vector<16xf32>
          %swap3A = arith.index_cast %add3A_214 : i32 to index
          %swap3A_218 = arith.constant 0 : index
          %swap3A_219 = tpu.vector_load %arg11[%swap3A, %swap3A_218] {strides = array<i32>} : memref<1024x64xf32, #tpu.memory_space<vmem>>, vector<16xf32>,
          tpu.vector_store %arg11[%swap3A, %swap3A_218], %mul3A_217 {strides = array<i32>} : memref<1024x64xf32, #tpu.memory_space<vmem>>, vector<16xf32>,
          %get3A_220 = arith.index_cast %add3A_214 : i32 to index
          %get3A_221 = arith.constant 16 : index
          %get3A_222 = tpu.vector_load %arg11[%get3A_220, %get3A_221] {strides = array<i32>} : memref<1024x64xf32, #tpu.memory_space<vmem>>, vector<16xf32>,
          %mul3A_223 = arith.mulf %get3A_222, %gather3A : vector<16xf32>
          %swap3A_224 = arith.index_cast %add3A_214 : i32 to index
          %swap3A_225 = arith.constant 16 : index
          %swap3A_226 = tpu.vector_load %arg11[%swap3A_224, %swap3A_225] {strides = array<i32>} : memref<1024x64xf32, #tpu.memory_space<vmem>>, vector<16xf32>,
          tpu.vector_store %arg11[%swap3A_224, %swap3A_225], %mul3A_223 {strides = array<i32>} : memref<1024x64xf32, #tpu.memory_space<vmem>>, vector<16xf32>,
          %get3A_227 = arith.index_cast %add3A_214 : i32 to index
          %get3A_228 = arith.constant 32 : index
          %get3A_229 = tpu.vector_load %arg11[%get3A_227, %get3A_228] {strides = array<i32>} : memref<1024x64xf32, #tpu.memory_space<vmem>>, vector<16xf32>,
          %mul3A_230 = arith.mulf %get3A_229, %gather3A : vector<16xf32>
          %swap3A_231 = arith.index_cast %add3A_214 : i32 to index
          %swap3A_232 = arith.constant 32 : index
          %swap3A_233 = tpu.vector_load %arg11[%swap3A_231, %swap3A_232] {strides = array<i32>} : memref<1024x64xf32, #tpu.memory_space<vmem>>, vector<16xf32>,
          tpu.vector_store %arg11[%swap3A_231, %swap3A_232], %mul3A_230 {strides = array<i32>} : memref<1024x64xf32, #tpu.memory_space<vmem>>, vector<16xf32>,
          %get3A_234 = arith.index_cast %add3A_214 : i32 to index
          %get3A_235 = arith.constant 48 : index
          %get3A_236 = tpu.vector_load %arg11[%get3A_234, %get3A_235] {strides = array<i32>} : memref<1024x64xf32, #tpu.memory_space<vmem>>, vector<16xf32>,
          %mul3A_237 = arith.mulf %get3A_236, %gather3A : vector<16xf32>
          %swap3A_238 = arith.index_cast %add3A_214 : i32 to index
          %swap3A_239 = arith.constant 48 : index
          %swap3A_240 = tpu.vector_load %arg11[%swap3A_238, %swap3A_239] {strides = array<i32>} : memref<1024x64xf32, #tpu.memory_space<vmem>>, vector<16xf32>,
          tpu.vector_store %arg11[%swap3A_238, %swap3A_239], %mul3A_237 {strides = array<i32>} : memref<1024x64xf32, #tpu.memory_space<vmem>>, vector<16xf32>,
        }
        %scan3A_205 = arith.constant 128 : i32
      }
      %scan3A_188 = arith.constant 8 : i32
      %run_scoped3A = arith.constant 0 : i32
      "tpu.region"() ({
        %run_scoped3A_196 = tpu.sem_alloc : memref<!tpu.dma_semaphore, #tpu.memory_space<semaphore_mem>>
        %dma_start3A_197 = arith.constant 0 : i32
        %dma_start3A_198 = arith.constant 0 : i32
        %dma_start3A_199 = tpu.memref_slice %arg11[%dma_start3A_197, %dma_start3A_198] : memref<1024x64xf32, #tpu.memory_space<vmem>> -> memref<128x64xf32, #tpu.memory_space<vmem>>
        %dma_start3A_200 = arith.constant 0 : i32
        %dma_start3A_201 = tpu.memref_slice %arg9[%run_scoped3A, %dma_start3A_200] : memref<8x128xi32, #tpu.memory_space<vmem>> -> memref<1x128xi32, #tpu.memory_space<vmem>>
        %dma_start3A_202 = tpu.memref_squeeze %dma_start3A_201 : memref<1x128xi32, #tpu.memory_space<vmem>> -> memref<128xi32, #tpu.memory_space<vmem>>
        %dma_start3A_203 = arith.constant 0 : i32
        %dma_start3A_204 = arith.constant 0 : i32
        %dma_start3A_205 = tpu.memref_slice %arg13[%dma_start3A_203, %dma_start3A_204] : memref<10240x64xf32, #tpu.memory_space<vmem_shared>> -> memref<10240x64xf32, #tpu.memory_space<vmem_shared>>
        tpu.enqueue_indirect_dma source(%dma_start3A_199 : memref<128x64xf32, #tpu.memory_space<vmem>>) target(%dma_start3A_205 : memref<10240x64xf32, #tpu.memory_space<vmem_shared>>) offsets(%dma_start3A_202 : memref<128xi32, #tpu.memory_space<vmem>>) semaphore(%run_scoped3A_196 : memref<!tpu.dma_semaphore, #tpu.memory_space<semaphore_mem>>) {add = true}
        %dma_wait3A_206 = arith.constant 0 : i32
        %dma_wait3A_207 = arith.constant 0 : i32
        %dma_wait3A_208 = tpu.memref_slice %arg11[%dma_wait3A_206, %dma_wait3A_207] : memref<1024x64xf32, #tpu.memory_space<vmem>> -> memref<128x64xf32, #tpu.memory_space<vmem>>
        %dma_wait3A_209 = arith.constant 0 : i32
        %dma_wait3A_210 = tpu.memref_slice %arg9[%run_scoped3A, %dma_wait3A_209] : memref<8x128xi32, #tpu.memory_space<vmem>> -> memref<1x128xi32, #tpu.memory_space<vmem>>
        %dma_wait3A_211 = tpu.memref_squeeze %dma_wait3A_210 : memref<1x128xi32, #tpu.memory_space<vmem>> -> memref<128xi32, #tpu.memory_space<vmem>>
        %dma_wait3A_212 = arith.constant 0 : i32
        %dma_wait3A_213 = arith.constant 0 : i32
        %dma_wait3A_214 = tpu.memref_slice %arg13[%dma_wait3A_212, %dma_wait3A_213] : memref<10240x64xf32, #tpu.memory_space<vmem_shared>> -> memref<10240x64xf32, #tpu.memory_space<vmem_shared>>
        tpu.wait_indirect_dma semaphore(%run_scoped3A_196 : memref<!tpu.dma_semaphore, #tpu.memory_space<semaphore_mem>>) src(%dma_wait3A_208 : memref<128x64xf32, #tpu.memory_space<vmem>>) dst(%dma_wait3A_214 : memref<10240x64xf32, #tpu.memory_space<vmem_shared>>)
        tpu.yield
      }) : () -> ()
      %run_scoped3A_189 = arith.constant 1 : i32
      "tpu.region"() ({
        %run_scoped3A_196 = tpu.sem_alloc : memref<!tpu.dma_semaphore, #tpu.memory_space<semaphore_mem>>
        %dma_start3A_197 = arith.constant 128 : i32
        %dma_start3A_198 = arith.constant 0 : i32
        %dma_start3A_199 = tpu.memref_slice %arg11[%dma_start3A_197, %dma_start3A_198] : memref<1024x64xf32, #tpu.memory_space<vmem>> -> memref<128x64xf32, #tpu.memory_space<vmem>>
        %dma_start3A_200 = arith.constant 0 : i32
        %dma_start3A_201 = tpu.memref_slice %arg9[%run_scoped3A_189, %dma_start3A_200] : memref<8x128xi32, #tpu.memory_space<vmem>> -> memref<1x128xi32, #tpu.memory_space<vmem>>
        %dma_start3A_202 = tpu.memref_squeeze %dma_start3A_201 : memref<1x128xi32, #tpu.memory_space<vmem>> -> memref<128xi32, #tpu.memory_space<vmem>>
        %dma_start3A_203 = arith.constant 0 : i32
        %dma_start3A_204 = arith.constant 0 : i32
        %dma_start3A_205 = tpu.memref_slice %arg13[%dma_start3A_203, %dma_start3A_204] : memref<10240x64xf32, #tpu.memory_space<vmem_shared>> -> memref<10240x64xf32, #tpu.memory_space<vmem_shared>>
        tpu.enqueue_indirect_dma source(%dma_start3A_199 : memref<128x64xf32, #tpu.memory_space<vmem>>) target(%dma_start3A_205 : memref<10240x64xf32, #tpu.memory_space<vmem_shared>>) offsets(%dma_start3A_202 : memref<128xi32, #tpu.memory_space<vmem>>) semaphore(%run_scoped3A_196 : memref<!tpu.dma_semaphore, #tpu.memory_space<semaphore_mem>>) {add = true}
        %dma_wait3A_206 = arith.constant 128 : i32
        %dma_wait3A_207 = arith.constant 0 : i32
        %dma_wait3A_208 = tpu.memref_slice %arg11[%dma_wait3A_206, %dma_wait3A_207] : memref<1024x64xf32, #tpu.memory_space<vmem>> -> memref<128x64xf32, #tpu.memory_space<vmem>>
        %dma_wait3A_209 = arith.constant 0 : i32
        %dma_wait3A_210 = tpu.memref_slice %arg9[%run_scoped3A_189, %dma_wait3A_209] : memref<8x128xi32, #tpu.memory_space<vmem>> -> memref<1x128xi32, #tpu.memory_space<vmem>>
        %dma_wait3A_211 = tpu.memref_squeeze %dma_wait3A_210 : memref<1x128xi32, #tpu.memory_space<vmem>> -> memref<128xi32, #tpu.memory_space<vmem>>
        %dma_wait3A_212 = arith.constant 0 : i32
        %dma_wait3A_213 = arith.constant 0 : i32
        %dma_wait3A_214 = tpu.memref_slice %arg13[%dma_wait3A_212, %dma_wait3A_213] : memref<10240x64xf32, #tpu.memory_space<vmem_shared>> -> memref<10240x64xf32, #tpu.memory_space<vmem_shared>>
        tpu.wait_indirect_dma semaphore(%run_scoped3A_196 : memref<!tpu.dma_semaphore, #tpu.memory_space<semaphore_mem>>) src(%dma_wait3A_208 : memref<128x64xf32, #tpu.memory_space<vmem>>) dst(%dma_wait3A_214 : memref<10240x64xf32, #tpu.memory_space<vmem_shared>>)
        tpu.yield
      }) : () -> ()
      %run_scoped3A_190 = arith.constant 2 : i32
      "tpu.region"() ({
        %run_scoped3A_196 = tpu.sem_alloc : memref<!tpu.dma_semaphore, #tpu.memory_space<semaphore_mem>>
        %dma_start3A_197 = arith.constant 256 : i32
        %dma_start3A_198 = arith.constant 0 : i32
        %dma_start3A_199 = tpu.memref_slice %arg11[%dma_start3A_197, %dma_start3A_198] : memref<1024x64xf32, #tpu.memory_space<vmem>> -> memref<128x64xf32, #tpu.memory_space<vmem>>
        %dma_start3A_200 = arith.constant 0 : i32
        %dma_start3A_201 = tpu.memref_slice %arg9[%run_scoped3A_190, %dma_start3A_200] : memref<8x128xi32, #tpu.memory_space<vmem>> -> memref<1x128xi32, #tpu.memory_space<vmem>>
        %dma_start3A_202 = tpu.memref_squeeze %dma_start3A_201 : memref<1x128xi32, #tpu.memory_space<vmem>> -> memref<128xi32, #tpu.memory_space<vmem>>
        %dma_start3A_203 = arith.constant 0 : i32
        %dma_start3A_204 = arith.constant 0 : i32
        %dma_start3A_205 = tpu.memref_slice %arg13[%dma_start3A_203, %dma_start3A_204] : memref<10240x64xf32, #tpu.memory_space<vmem_shared>> -> memref<10240x64xf32, #tpu.memory_space<vmem_shared>>
        tpu.enqueue_indirect_dma source(%dma_start3A_199 : memref<128x64xf32, #tpu.memory_space<vmem>>) target(%dma_start3A_205 : memref<10240x64xf32, #tpu.memory_space<vmem_shared>>) offsets(%dma_start3A_202 : memref<128xi32, #tpu.memory_space<vmem>>) semaphore(%run_scoped3A_196 : memref<!tpu.dma_semaphore, #tpu.memory_space<semaphore_mem>>) {add = true}
        %dma_wait3A_206 = arith.constant 256 : i32
        %dma_wait3A_207 = arith.constant 0 : i32
        %dma_wait3A_208 = tpu.memref_slice %arg11[%dma_wait3A_206, %dma_wait3A_207] : memref<1024x64xf32, #tpu.memory_space<vmem>> -> memref<128x64xf32, #tpu.memory_space<vmem>>
        %dma_wait3A_209 = arith.constant 0 : i32
        %dma_wait3A_210 = tpu.memref_slice %arg9[%run_scoped3A_190, %dma_wait3A_209] : memref<8x128xi32, #tpu.memory_space<vmem>> -> memref<1x128xi32, #tpu.memory_space<vmem>>
        %dma_wait3A_211 = tpu.memref_squeeze %dma_wait3A_210 : memref<1x128xi32, #tpu.memory_space<vmem>> -> memref<128xi32, #tpu.memory_space<vmem>>
        %dma_wait3A_212 = arith.constant 0 : i32
        %dma_wait3A_213 = arith.constant 0 : i32
        %dma_wait3A_214 = tpu.memref_slice %arg13[%dma_wait3A_212, %dma_wait3A_213] : memref<10240x64xf32, #tpu.memory_space<vmem_shared>> -> memref<10240x64xf32, #tpu.memory_space<vmem_shared>>
        tpu.wait_indirect_dma semaphore(%run_scoped3A_196 : memref<!tpu.dma_semaphore, #tpu.memory_space<semaphore_mem>>) src(%dma_wait3A_208 : memref<128x64xf32, #tpu.memory_space<vmem>>) dst(%dma_wait3A_214 : memref<10240x64xf32, #tpu.memory_space<vmem_shared>>)
        tpu.yield
      }) : () -> ()
      %run_scoped3A_191 = arith.constant 3 : i32
      "tpu.region"() ({
        %run_scoped3A_196 = tpu.sem_alloc : memref<!tpu.dma_semaphore, #tpu.memory_space<semaphore_mem>>
        %dma_start3A_197 = arith.constant 384 : i32
        %dma_start3A_198 = arith.constant 0 : i32
        %dma_start3A_199 = tpu.memref_slice %arg11[%dma_start3A_197, %dma_start3A_198] : memref<1024x64xf32, #tpu.memory_space<vmem>> -> memref<128x64xf32, #tpu.memory_space<vmem>>
        %dma_start3A_200 = arith.constant 0 : i32
        %dma_start3A_201 = tpu.memref_slice %arg9[%run_scoped3A_191, %dma_start3A_200] : memref<8x128xi32, #tpu.memory_space<vmem>> -> memref<1x128xi32, #tpu.memory_space<vmem>>
        %dma_start3A_202 = tpu.memref_squeeze %dma_start3A_201 : memref<1x128xi32, #tpu.memory_space<vmem>> -> memref<128xi32, #tpu.memory_space<vmem>>
        %dma_start3A_203 = arith.constant 0 : i32
        %dma_start3A_204 = arith.constant 0 : i32
        %dma_start3A_205 = tpu.memref_slice %arg13[%dma_start3A_203, %dma_start3A_204] : memref<10240x64xf32, #tpu.memory_space<vmem_shared>> -> memref<10240x64xf32, #tpu.memory_space<vmem_shared>>
        tpu.enqueue_indirect_dma source(%dma_start3A_199 : memref<128x64xf32, #tpu.memory_space<vmem>>) target(%dma_start3A_205 : memref<10240x64xf32, #tpu.memory_space<vmem_shared>>) offsets(%dma_start3A_202 : memref<128xi32, #tpu.memory_space<vmem>>) semaphore(%run_scoped3A_196 : memref<!tpu.dma_semaphore, #tpu.memory_space<semaphore_mem>>) {add = true}
        %dma_wait3A_206 = arith.constant 384 : i32
        %dma_wait3A_207 = arith.constant 0 : i32
        %dma_wait3A_208 = tpu.memref_slice %arg11[%dma_wait3A_206, %dma_wait3A_207] : memref<1024x64xf32, #tpu.memory_space<vmem>> -> memref<128x64xf32, #tpu.memory_space<vmem>>
        %dma_wait3A_209 = arith.constant 0 : i32
        %dma_wait3A_210 = tpu.memref_slice %arg9[%run_scoped3A_191, %dma_wait3A_209] : memref<8x128xi32, #tpu.memory_space<vmem>> -> memref<1x128xi32, #tpu.memory_space<vmem>>
        %dma_wait3A_211 = tpu.memref_squeeze %dma_wait3A_210 : memref<1x128xi32, #tpu.memory_space<vmem>> -> memref<128xi32, #tpu.memory_space<vmem>>
        %dma_wait3A_212 = arith.constant 0 : i32
        %dma_wait3A_213 = arith.constant 0 : i32
        %dma_wait3A_214 = tpu.memref_slice %arg13[%dma_wait3A_212, %dma_wait3A_213] : memref<10240x64xf32, #tpu.memory_space<vmem_shared>> -> memref<10240x64xf32, #tpu.memory_space<vmem_shared>>
        tpu.wait_indirect_dma semaphore(%run_scoped3A_196 : memref<!tpu.dma_semaphore, #tpu.memory_space<semaphore_mem>>) src(%dma_wait3A_208 : memref<128x64xf32, #tpu.memory_space<vmem>>) dst(%dma_wait3A_214 : memref<10240x64xf32, #tpu.memory_space<vmem_shared>>)
        tpu.yield
      }) : () -> ()
      %run_scoped3A_192 = arith.constant 4 : i32
      "tpu.region"() ({
        %run_scoped3A_196 = tpu.sem_alloc : memref<!tpu.dma_semaphore, #tpu.memory_space<semaphore_mem>>
        %dma_start3A_197 = arith.constant 512 : i32
        %dma_start3A_198 = arith.constant 0 : i32
        %dma_start3A_199 = tpu.memref_slice %arg11[%dma_start3A_197, %dma_start3A_198] : memref<1024x64xf32, #tpu.memory_space<vmem>> -> memref<128x64xf32, #tpu.memory_space<vmem>>
        %dma_start3A_200 = arith.constant 0 : i32
        %dma_start3A_201 = tpu.memref_slice %arg9[%run_scoped3A_192, %dma_start3A_200] : memref<8x128xi32, #tpu.memory_space<vmem>> -> memref<1x128xi32, #tpu.memory_space<vmem>>
        %dma_start3A_202 = tpu.memref_squeeze %dma_start3A_201 : memref<1x128xi32, #tpu.memory_space<vmem>> -> memref<128xi32, #tpu.memory_space<vmem>>
        %dma_start3A_203 = arith.constant 0 : i32
        %dma_start3A_204 = arith.constant 0 : i32
        %dma_start3A_205 = tpu.memref_slice %arg13[%dma_start3A_203, %dma_start3A_204] : memref<10240x64xf32, #tpu.memory_space<vmem_shared>> -> memref<10240x64xf32, #tpu.memory_space<vmem_shared>>
        tpu.enqueue_indirect_dma source(%dma_start3A_199 : memref<128x64xf32, #tpu.memory_space<vmem>>) target(%dma_start3A_205 : memref<10240x64xf32, #tpu.memory_space<vmem_shared>>) offsets(%dma_start3A_202 : memref<128xi32, #tpu.memory_space<vmem>>) semaphore(%run_scoped3A_196 : memref<!tpu.dma_semaphore, #tpu.memory_space<semaphore_mem>>) {add = true}
        %dma_wait3A_206 = arith.constant 512 : i32
        %dma_wait3A_207 = arith.constant 0 : i32
        %dma_wait3A_208 = tpu.memref_slice %arg11[%dma_wait3A_206, %dma_wait3A_207] : memref<1024x64xf32, #tpu.memory_space<vmem>> -> memref<128x64xf32, #tpu.memory_space<vmem>>
        %dma_wait3A_209 = arith.constant 0 : i32
        %dma_wait3A_210 = tpu.memref_slice %arg9[%run_scoped3A_192, %dma_wait3A_209] : memref<8x128xi32, #tpu.memory_space<vmem>> -> memref<1x128xi32, #tpu.memory_space<vmem>>
        %dma_wait3A_211 = tpu.memref_squeeze %dma_wait3A_210 : memref<1x128xi32, #tpu.memory_space<vmem>> -> memref<128xi32, #tpu.memory_space<vmem>>
        %dma_wait3A_212 = arith.constant 0 : i32
        %dma_wait3A_213 = arith.constant 0 : i32
        %dma_wait3A_214 = tpu.memref_slice %arg13[%dma_wait3A_212, %dma_wait3A_213] : memref<10240x64xf32, #tpu.memory_space<vmem_shared>> -> memref<10240x64xf32, #tpu.memory_space<vmem_shared>>
        tpu.wait_indirect_dma semaphore(%run_scoped3A_196 : memref<!tpu.dma_semaphore, #tpu.memory_space<semaphore_mem>>) src(%dma_wait3A_208 : memref<128x64xf32, #tpu.memory_space<vmem>>) dst(%dma_wait3A_214 : memref<10240x64xf32, #tpu.memory_space<vmem_shared>>)
        tpu.yield
      }) : () -> ()
      %run_scoped3A_193 = arith.constant 5 : i32
      "tpu.region"() ({
        %run_scoped3A_196 = tpu.sem_alloc : memref<!tpu.dma_semaphore, #tpu.memory_space<semaphore_mem>>
        %dma_start3A_197 = arith.constant 640 : i32
        %dma_start3A_198 = arith.constant 0 : i32
        %dma_start3A_199 = tpu.memref_slice %arg11[%dma_start3A_197, %dma_start3A_198] : memref<1024x64xf32, #tpu.memory_space<vmem>> -> memref<128x64xf32, #tpu.memory_space<vmem>>
        %dma_start3A_200 = arith.constant 0 : i32
        %dma_start3A_201 = tpu.memref_slice %arg9[%run_scoped3A_193, %dma_start3A_200] : memref<8x128xi32, #tpu.memory_space<vmem>> -> memref<1x128xi32, #tpu.memory_space<vmem>>
        %dma_start3A_202 = tpu.memref_squeeze %dma_start3A_201 : memref<1x128xi32, #tpu.memory_space<vmem>> -> memref<128xi32, #tpu.memory_space<vmem>>
        %dma_start3A_203 = arith.constant 0 : i32
        %dma_start3A_204 = arith.constant 0 : i32
        %dma_start3A_205 = tpu.memref_slice %arg13[%dma_start3A_203, %dma_start3A_204] : memref<10240x64xf32, #tpu.memory_space<vmem_shared>> -> memref<10240x64xf32, #tpu.memory_space<vmem_shared>>
        tpu.enqueue_indirect_dma source(%dma_start3A_199 : memref<128x64xf32, #tpu.memory_space<vmem>>) target(%dma_start3A_205 : memref<10240x64xf32, #tpu.memory_space<vmem_shared>>) offsets(%dma_start3A_202 : memref<128xi32, #tpu.memory_space<vmem>>) semaphore(%run_scoped3A_196 : memref<!tpu.dma_semaphore, #tpu.memory_space<semaphore_mem>>) {add = true}
        %dma_wait3A_206 = arith.constant 640 : i32
        %dma_wait3A_207 = arith.constant 0 : i32
        %dma_wait3A_208 = tpu.memref_slice %arg11[%dma_wait3A_206, %dma_wait3A_207] : memref<1024x64xf32, #tpu.memory_space<vmem>> -> memref<128x64xf32, #tpu.memory_space<vmem>>
        %dma_wait3A_209 = arith.constant 0 : i32
        %dma_wait3A_210 = tpu.memref_slice %arg9[%run_scoped3A_193, %dma_wait3A_209] : memref<8x128xi32, #tpu.memory_space<vmem>> -> memref<1x128xi32, #tpu.memory_space<vmem>>
        %dma_wait3A_211 = tpu.memref_squeeze %dma_wait3A_210 : memref<1x128xi32, #tpu.memory_space<vmem>> -> memref<128xi32, #tpu.memory_space<vmem>>
        %dma_wait3A_212 = arith.constant 0 : i32
        %dma_wait3A_213 = arith.constant 0 : i32
        %dma_wait3A_214 = tpu.memref_slice %arg13[%dma_wait3A_212, %dma_wait3A_213] : memref<10240x64xf32, #tpu.memory_space<vmem_shared>> -> memref<10240x64xf32, #tpu.memory_space<vmem_shared>>
        tpu.wait_indirect_dma semaphore(%run_scoped3A_196 : memref<!tpu.dma_semaphore, #tpu.memory_space<semaphore_mem>>) src(%dma_wait3A_208 : memref<128x64xf32, #tpu.memory_space<vmem>>) dst(%dma_wait3A_214 : memref<10240x64xf32, #tpu.memory_space<vmem_shared>>)
        tpu.yield
      }) : () -> ()
      %run_scoped3A_194 = arith.constant 6 : i32
      "tpu.region"() ({
        %run_scoped3A_196 = tpu.sem_alloc : memref<!tpu.dma_semaphore, #tpu.memory_space<semaphore_mem>>
        %dma_start3A_197 = arith.constant 768 : i32
        %dma_start3A_198 = arith.constant 0 : i32
        %dma_start3A_199 = tpu.memref_slice %arg11[%dma_start3A_197, %dma_start3A_198] : memref<1024x64xf32, #tpu.memory_space<vmem>> -> memref<128x64xf32, #tpu.memory_space<vmem>>
        %dma_start3A_200 = arith.constant 0 : i32
        %dma_start3A_201 = tpu.memref_slice %arg9[%run_scoped3A_194, %dma_start3A_200] : memref<8x128xi32, #tpu.memory_space<vmem>> -> memref<1x128xi32, #tpu.memory_space<vmem>>
        %dma_start3A_202 = tpu.memref_squeeze %dma_start3A_201 : memref<1x128xi32, #tpu.memory_space<vmem>> -> memref<128xi32, #tpu.memory_space<vmem>>
        %dma_start3A_203 = arith.constant 0 : i32
        %dma_start3A_204 = arith.constant 0 : i32
        %dma_start3A_205 = tpu.memref_slice %arg13[%dma_start3A_203, %dma_start3A_204] : memref<10240x64xf32, #tpu.memory_space<vmem_shared>> -> memref<10240x64xf32, #tpu.memory_space<vmem_shared>>
        tpu.enqueue_indirect_dma source(%dma_start3A_199 : memref<128x64xf32, #tpu.memory_space<vmem>>) target(%dma_start3A_205 : memref<10240x64xf32, #tpu.memory_space<vmem_shared>>) offsets(%dma_start3A_202 : memref<128xi32, #tpu.memory_space<vmem>>) semaphore(%run_scoped3A_196 : memref<!tpu.dma_semaphore, #tpu.memory_space<semaphore_mem>>) {add = true}
        %dma_wait3A_206 = arith.constant 768 : i32
        %dma_wait3A_207 = arith.constant 0 : i32
        %dma_wait3A_208 = tpu.memref_slice %arg11[%dma_wait3A_206, %dma_wait3A_207] : memref<1024x64xf32, #tpu.memory_space<vmem>> -> memref<128x64xf32, #tpu.memory_space<vmem>>
        %dma_wait3A_209 = arith.constant 0 : i32
        %dma_wait3A_210 = tpu.memref_slice %arg9[%run_scoped3A_194, %dma_wait3A_209] : memref<8x128xi32, #tpu.memory_space<vmem>> -> memref<1x128xi32, #tpu.memory_space<vmem>>
        %dma_wait3A_211 = tpu.memref_squeeze %dma_wait3A_210 : memref<1x128xi32, #tpu.memory_space<vmem>> -> memref<128xi32, #tpu.memory_space<vmem>>
        %dma_wait3A_212 = arith.constant 0 : i32
        %dma_wait3A_213 = arith.constant 0 : i32
        %dma_wait3A_214 = tpu.memref_slice %arg13[%dma_wait3A_212, %dma_wait3A_213] : memref<10240x64xf32, #tpu.memory_space<vmem_shared>> -> memref<10240x64xf32, #tpu.memory_space<vmem_shared>>
        tpu.wait_indirect_dma semaphore(%run_scoped3A_196 : memref<!tpu.dma_semaphore, #tpu.memory_space<semaphore_mem>>) src(%dma_wait3A_208 : memref<128x64xf32, #tpu.memory_space<vmem>>) dst(%dma_wait3A_214 : memref<10240x64xf32, #tpu.memory_space<vmem_shared>>)
        tpu.yield
      }) : () -> ()
      %run_scoped3A_195 = arith.constant 7 : i32
      "tpu.region"() ({
        %run_scoped3A_196 = tpu.sem_alloc : memref<!tpu.dma_semaphore, #tpu.memory_space<semaphore_mem>>
        %dma_start3A_197 = arith.constant 896 : i32
        %dma_start3A_198 = arith.constant 0 : i32
        %dma_start3A_199 = tpu.memref_slice %arg11[%dma_start3A_197, %dma_start3A_198] : memref<1024x64xf32, #tpu.memory_space<vmem>> -> memref<128x64xf32, #tpu.memory_space<vmem>>
        %dma_start3A_200 = arith.constant 0 : i32
        %dma_start3A_201 = tpu.memref_slice %arg9[%run_scoped3A_195, %dma_start3A_200] : memref<8x128xi32, #tpu.memory_space<vmem>> -> memref<1x128xi32, #tpu.memory_space<vmem>>
        %dma_start3A_202 = tpu.memref_squeeze %dma_start3A_201 : memref<1x128xi32, #tpu.memory_space<vmem>> -> memref<128xi32, #tpu.memory_space<vmem>>
        %dma_start3A_203 = arith.constant 0 : i32
        %dma_start3A_204 = arith.constant 0 : i32
        %dma_start3A_205 = tpu.memref_slice %arg13[%dma_start3A_203, %dma_start3A_204] : memref<10240x64xf32, #tpu.memory_space<vmem_shared>> -> memref<10240x64xf32, #tpu.memory_space<vmem_shared>>
        tpu.enqueue_indirect_dma source(%dma_start3A_199 : memref<128x64xf32, #tpu.memory_space<vmem>>) target(%dma_start3A_205 : memref<10240x64xf32, #tpu.memory_space<vmem_shared>>) offsets(%dma_start3A_202 : memref<128xi32, #tpu.memory_space<vmem>>) semaphore(%run_scoped3A_196 : memref<!tpu.dma_semaphore, #tpu.memory_space<semaphore_mem>>) {add = true}
        %dma_wait3A_206 = arith.constant 896 : i32
        %dma_wait3A_207 = arith.constant 0 : i32
        %dma_wait3A_208 = tpu.memref_slice %arg11[%dma_wait3A_206, %dma_wait3A_207] : memref<1024x64xf32, #tpu.memory_space<vmem>> -> memref<128x64xf32, #tpu.memory_space<vmem>>
        %dma_wait3A_209 = arith.constant 0 : i32
        %dma_wait3A_210 = tpu.memref_slice %arg9[%run_scoped3A_195, %dma_wait3A_209] : memref<8x128xi32, #tpu.memory_space<vmem>> -> memref<1x128xi32, #tpu.memory_space<vmem>>
        %dma_wait3A_211 = tpu.memref_squeeze %dma_wait3A_210 : memref<1x128xi32, #tpu.memory_space<vmem>> -> memref<128xi32, #tpu.memory_space<vmem>>
        %dma_wait3A_212 = arith.constant 0 : i32
        %dma_wait3A_213 = arith.constant 0 : i32
        %dma_wait3A_214 = tpu.memref_slice %arg13[%dma_wait3A_212, %dma_wait3A_213] : memref<10240x64xf32, #tpu.memory_space<vmem_shared>> -> memref<10240x64xf32, #tpu.memory_space<vmem_shared>>
        tpu.wait_indirect_dma semaphore(%run_scoped3A_196 : memref<!tpu.dma_semaphore, #tpu.memory_space<semaphore_mem>>) src(%dma_wait3A_208 : memref<128x64xf32, #tpu.memory_space<vmem>>) dst(%dma_wait3A_214 : memref<10240x64xf32, #tpu.memory_space<vmem_shared>>)
        tpu.yield
      }) : () -> ()
    }
    %scan3A_12 = arith.constant 10 : i32
    %barrier3A_13 = arith.constant 0 : index
    tpu.barrier barrier_id(%barrier3A_13)
    %mul3A_14 = arith.constant 640 : i32
    %mul3A_15 = arith.muli %arg1, %mul3A_14 : i32
    %mul3A_16 = arith.constant 640 : i32
    %mul3A_17 = arith.muli %arg1, %mul3A_16 : i32
    "tpu.region"() ({
      %run_scoped3A = tpu.sem_alloc : memref<!tpu.dma_semaphore, #tpu.memory_space<semaphore_mem>>
      %dma_start3A = arith.constant 0 : i32
      %dma_start3A_18 = tpu.memref_slice %arg7[%arg0, %mul3A_17, %dma_start3A] : memref<2x10240x64xf32, #tpu.memory_space<hbm>> -> memref<1x640x64xf32, #tpu.memory_space<hbm>>
      %dma_start3A_19 = tpu.memref_squeeze %dma_start3A_18 : memref<1x640x64xf32, #tpu.memory_space<hbm>> -> memref<640x64xf32, #tpu.memory_space<hbm>>
      %dma_start3A_20 = arith.constant 0 : i32
      %dma_start3A_21 = tpu.memref_slice %arg13[%mul3A_15, %dma_start3A_20] : memref<10240x64xf32, #tpu.memory_space<vmem_shared>> -> memref<640x64xf32, #tpu.memory_space<vmem_shared>>
      tpu.enqueue_dma source(%dma_start3A_21 : memref<640x64xf32, #tpu.memory_space<vmem_shared>>) target(%dma_start3A_19 : memref<640x64xf32, #tpu.memory_space<hbm>>) target_semaphore(%run_scoped3A : memref<!tpu.dma_semaphore, #tpu.memory_space<semaphore_mem>>)
      %dma_wait3A = arith.constant 0 : i32
      %dma_wait3A_22 = tpu.memref_slice %arg7[%arg0, %mul3A_17, %dma_wait3A] : memref<2x10240x64xf32, #tpu.memory_space<hbm>> -> memref<1x640x64xf32, #tpu.memory_space<hbm>>
      %dma_wait3A_23 = tpu.memref_squeeze %dma_wait3A_22 : memref<1x640x64xf32, #tpu.memory_space<hbm>> -> memref<640x64xf32, #tpu.memory_space<hbm>>
      %dma_wait3A_24 = arith.constant 0 : i32
      %dma_wait3A_25 = tpu.memref_slice %arg13[%mul3A_15, %dma_wait3A_24] : memref<10240x64xf32, #tpu.memory_space<vmem_shared>> -> memref<640x64xf32, #tpu.memory_space<vmem_shared>>
      tpu.wait_dma2 semaphore(%run_scoped3A : memref<!tpu.dma_semaphore, #tpu.memory_space<semaphore_mem>>) src(%dma_wait3A_25 : memref<640x64xf32, #tpu.memory_space<vmem_shared>>) dst(%dma_wait3A_23 : memref<640x64xf32, #tpu.memory_space<hbm>>)
      tpu.yield
    }) : () -> ()
    return
  }
}

#map = affine_map<(d0, d1) -> (0, 0)>
#map1 = affine_map<(d0, d1) -> (0)>
module attributes {stable_mosaic.version = 14 : i64} {
  func.func @deg_kernel(%arg0: i32, %arg1: i32, %arg2: memref<2560x128xi32, #tpu.memory_space<hbm>>, %arg3: memref<2560x128xf32, #tpu.memory_space<hbm>>, %arg4: memref<10240xf32, #tpu.memory_space<hbm>>, %arg5: memref<2x10240xf32, #tpu.memory_space<hbm>>, %arg6: memref<8x128xi32, #tpu.memory_space<vmem>>, %arg7: memref<8x128xf32, #tpu.memory_space<vmem>>, %arg8: memref<10240xf32, #tpu.memory_space<vmem_shared>>) attributes {dimension_semantics = [#tpu.dimension_semantics<core_parallel>, #tpu.dimension_semantics<subcore_parallel>], iteration_bounds = array<i64: 2, 16>, scalar_prefetch = 0 : i64, scratch_operands = 3 : i64, tpu.core_type = #tpu.core_type<sc_vector_subcore>, window_params = [{transform_indices = #map}, {transform_indices = #map}, {transform_indices = #map1}, {transform_indices = #map}]} {
    %mul3A = arith.constant 16 : i32
    %mul3A_0 = arith.muli %arg0, %mul3A : i32
    %add3A = arith.addi %mul3A_0, %arg1 : i32
    %eq3A = arith.constant 0 : i32
    %eq3A_1 = arith.cmpi eq, %arg1, %eq3A : i32
    %convert_element_type3A = arith.extui %eq3A_1 : i1 to i32
    %cond3A = arith.constant 0 : i32
    %cond3A_2 = arith.cmpi ne, %convert_element_type3A, %cond3A : i32
    scf.if %cond3A_2 {
      "tpu.region"() ({
        %run_scoped3A = tpu.sem_alloc : memref<!tpu.dma_semaphore, #tpu.memory_space<semaphore_mem>>
        tpu.enqueue_dma source(%arg4 : memref<10240xf32, #tpu.memory_space<hbm>>) target(%arg8 : memref<10240xf32, #tpu.memory_space<vmem_shared>>) target_semaphore(%run_scoped3A : memref<!tpu.dma_semaphore, #tpu.memory_space<semaphore_mem>>)
        tpu.wait_dma2 semaphore(%run_scoped3A : memref<!tpu.dma_semaphore, #tpu.memory_space<semaphore_mem>>) src(%arg4 : memref<10240xf32, #tpu.memory_space<hbm>>) dst(%arg8 : memref<10240xf32, #tpu.memory_space<vmem_shared>>)
        tpu.yield
      }) : () -> ()
    } else {
    }
    %barrier3A = arith.constant 0 : index
    tpu.barrier barrier_id(%barrier3A)
    %mul3A_3 = arith.constant 80 : i32
    %mul3A_4 = arith.muli %add3A, %mul3A_3 : i32
    %scan3A = arith.constant 0 : i32
    %scan3A_5 = arith.constant 10 : i32
    %scan3A_6 = arith.addi %scan3A, %scan3A_5 : i32
    %scan3A_7 = arith.constant 1 : i32
    scf.for %scan3A_14 = %scan3A to %scan3A_6 step %scan3A_7  : i32 {
      %mul3A_15 = arith.constant 1 : i32
      %mul3A_16 = arith.muli %scan3A_14, %mul3A_15 : i32
      %add3A_17 = arith.constant 0 : i32
      %add3A_18 = arith.addi %add3A_17, %mul3A_16 : i32
      %mul3A_19 = arith.constant 8 : i32
      %mul3A_20 = arith.muli %add3A_18, %mul3A_19 : i32
      %add3A_21 = arith.addi %mul3A_4, %mul3A_20 : i32
      "tpu.region"() ({
        %run_scoped3A_37 = tpu.sem_alloc : memref<!tpu.dma_semaphore, #tpu.memory_space<semaphore_mem>>
        %dma_start3A = arith.constant 0 : i32
        %dma_start3A_38 = tpu.memref_slice %arg2[%add3A_21, %dma_start3A] : memref<2560x128xi32, #tpu.memory_space<hbm>> -> memref<8x128xi32, #tpu.memory_space<hbm>>
        %dma_start3A_39 = arith.constant 0 : i32
        %dma_start3A_40 = tpu.memref_slice %arg2[%add3A_21, %dma_start3A_39] : memref<2560x128xi32, #tpu.memory_space<hbm>> -> memref<8x128xi32, #tpu.memory_space<hbm>>
        tpu.enqueue_dma source(%dma_start3A_40 : memref<8x128xi32, #tpu.memory_space<hbm>>) target(%arg6 : memref<8x128xi32, #tpu.memory_space<vmem>>) target_semaphore(%run_scoped3A_37 : memref<!tpu.dma_semaphore, #tpu.memory_space<semaphore_mem>>)
        %dma_wait3A = arith.constant 0 : i32
        %dma_wait3A_41 = tpu.memref_slice %arg2[%add3A_21, %dma_wait3A] : memref<2560x128xi32, #tpu.memory_space<hbm>> -> memref<8x128xi32, #tpu.memory_space<hbm>>
        %dma_wait3A_42 = arith.constant 0 : i32
        %dma_wait3A_43 = tpu.memref_slice %arg2[%add3A_21, %dma_wait3A_42] : memref<2560x128xi32, #tpu.memory_space<hbm>> -> memref<8x128xi32, #tpu.memory_space<hbm>>
        tpu.wait_dma2 semaphore(%run_scoped3A_37 : memref<!tpu.dma_semaphore, #tpu.memory_space<semaphore_mem>>) src(%dma_wait3A_43 : memref<8x128xi32, #tpu.memory_space<hbm>>) dst(%arg6 : memref<8x128xi32, #tpu.memory_space<vmem>>)
        tpu.yield
      }) : () -> ()
      "tpu.region"() ({
        %run_scoped3A_37 = tpu.sem_alloc : memref<!tpu.dma_semaphore, #tpu.memory_space<semaphore_mem>>
        %dma_start3A = arith.constant 0 : i32
        %dma_start3A_38 = tpu.memref_slice %arg3[%add3A_21, %dma_start3A] : memref<2560x128xf32, #tpu.memory_space<hbm>> -> memref<8x128xf32, #tpu.memory_space<hbm>>
        %dma_start3A_39 = arith.constant 0 : i32
        %dma_start3A_40 = tpu.memref_slice %arg3[%add3A_21, %dma_start3A_39] : memref<2560x128xf32, #tpu.memory_space<hbm>> -> memref<8x128xf32, #tpu.memory_space<hbm>>
        tpu.enqueue_dma source(%dma_start3A_40 : memref<8x128xf32, #tpu.memory_space<hbm>>) target(%arg7 : memref<8x128xf32, #tpu.memory_space<vmem>>) target_semaphore(%run_scoped3A_37 : memref<!tpu.dma_semaphore, #tpu.memory_space<semaphore_mem>>)
        %dma_wait3A = arith.constant 0 : i32
        %dma_wait3A_41 = tpu.memref_slice %arg3[%add3A_21, %dma_wait3A] : memref<2560x128xf32, #tpu.memory_space<hbm>> -> memref<8x128xf32, #tpu.memory_space<hbm>>
        %dma_wait3A_42 = arith.constant 0 : i32
        %dma_wait3A_43 = tpu.memref_slice %arg3[%add3A_21, %dma_wait3A_42] : memref<2560x128xf32, #tpu.memory_space<hbm>> -> memref<8x128xf32, #tpu.memory_space<hbm>>
        tpu.wait_dma2 semaphore(%run_scoped3A_37 : memref<!tpu.dma_semaphore, #tpu.memory_space<semaphore_mem>>) src(%dma_wait3A_43 : memref<8x128xf32, #tpu.memory_space<hbm>>) dst(%arg7 : memref<8x128xf32, #tpu.memory_space<vmem>>)
        tpu.yield
      }) : () -> ()
      %run_scoped3A = arith.constant 0 : i32
      %run_scoped3A_22 = arith.constant 0 : i32
      "tpu.region"() ({
        %run_scoped3A_37 = tpu.sem_alloc : memref<!tpu.dma_semaphore, #tpu.memory_space<semaphore_mem>>
        %dma_start3A = arith.constant 0 : i32
        %dma_start3A_38 = tpu.memref_slice %arg7[%run_scoped3A, %dma_start3A] : memref<8x128xf32, #tpu.memory_space<vmem>> -> memref<1x128xf32, #tpu.memory_space<vmem>>
        %dma_start3A_39 = tpu.memref_squeeze %dma_start3A_38 : memref<1x128xf32, #tpu.memory_space<vmem>> -> memref<128xf32, #tpu.memory_space<vmem>>
        %dma_start3A_40 = arith.constant 0 : i32
        %dma_start3A_41 = tpu.memref_slice %arg6[%run_scoped3A_22, %dma_start3A_40] : memref<8x128xi32, #tpu.memory_space<vmem>> -> memref<1x128xi32, #tpu.memory_space<vmem>>
        %dma_start3A_42 = tpu.memref_squeeze %dma_start3A_41 : memref<1x128xi32, #tpu.memory_space<vmem>> -> memref<128xi32, #tpu.memory_space<vmem>>
        %dma_start3A_43 = arith.constant 0 : i32
        %dma_start3A_44 = tpu.memref_slice %arg8[%dma_start3A_43] : memref<10240xf32, #tpu.memory_space<vmem_shared>> -> memref<10240xf32, #tpu.memory_space<vmem_shared>>
        tpu.enqueue_indirect_dma source(%dma_start3A_39 : memref<128xf32, #tpu.memory_space<vmem>>) target(%dma_start3A_44 : memref<10240xf32, #tpu.memory_space<vmem_shared>>) offsets(%dma_start3A_42 : memref<128xi32, #tpu.memory_space<vmem>>) semaphore(%run_scoped3A_37 : memref<!tpu.dma_semaphore, #tpu.memory_space<semaphore_mem>>) {add = true}
        %dma_wait3A = arith.constant 0 : i32
        %dma_wait3A_45 = tpu.memref_slice %arg7[%run_scoped3A, %dma_wait3A] : memref<8x128xf32, #tpu.memory_space<vmem>> -> memref<1x128xf32, #tpu.memory_space<vmem>>
        %dma_wait3A_46 = tpu.memref_squeeze %dma_wait3A_45 : memref<1x128xf32, #tpu.memory_space<vmem>> -> memref<128xf32, #tpu.memory_space<vmem>>
        %dma_wait3A_47 = arith.constant 0 : i32
        %dma_wait3A_48 = tpu.memref_slice %arg6[%run_scoped3A_22, %dma_wait3A_47] : memref<8x128xi32, #tpu.memory_space<vmem>> -> memref<1x128xi32, #tpu.memory_space<vmem>>
        %dma_wait3A_49 = tpu.memref_squeeze %dma_wait3A_48 : memref<1x128xi32, #tpu.memory_space<vmem>> -> memref<128xi32, #tpu.memory_space<vmem>>
        %dma_wait3A_50 = arith.constant 0 : i32
        %dma_wait3A_51 = tpu.memref_slice %arg8[%dma_wait3A_50] : memref<10240xf32, #tpu.memory_space<vmem_shared>> -> memref<10240xf32, #tpu.memory_space<vmem_shared>>
        tpu.wait_indirect_dma semaphore(%run_scoped3A_37 : memref<!tpu.dma_semaphore, #tpu.memory_space<semaphore_mem>>) src(%dma_wait3A_46 : memref<128xf32, #tpu.memory_space<vmem>>) dst(%dma_wait3A_51 : memref<10240xf32, #tpu.memory_space<vmem_shared>>)
        tpu.yield
      }) : () -> ()
      %run_scoped3A_23 = arith.constant 1 : i32
      %run_scoped3A_24 = arith.constant 1 : i32
      "tpu.region"() ({
        %run_scoped3A_37 = tpu.sem_alloc : memref<!tpu.dma_semaphore, #tpu.memory_space<semaphore_mem>>
        %dma_start3A = arith.constant 0 : i32
        %dma_start3A_38 = tpu.memref_slice %arg7[%run_scoped3A_23, %dma_start3A] : memref<8x128xf32, #tpu.memory_space<vmem>> -> memref<1x128xf32, #tpu.memory_space<vmem>>
        %dma_start3A_39 = tpu.memref_squeeze %dma_start3A_38 : memref<1x128xf32, #tpu.memory_space<vmem>> -> memref<128xf32, #tpu.memory_space<vmem>>
        %dma_start3A_40 = arith.constant 0 : i32
        %dma_start3A_41 = tpu.memref_slice %arg6[%run_scoped3A_24, %dma_start3A_40] : memref<8x128xi32, #tpu.memory_space<vmem>> -> memref<1x128xi32, #tpu.memory_space<vmem>>
        %dma_start3A_42 = tpu.memref_squeeze %dma_start3A_41 : memref<1x128xi32, #tpu.memory_space<vmem>> -> memref<128xi32, #tpu.memory_space<vmem>>
        %dma_start3A_43 = arith.constant 0 : i32
        %dma_start3A_44 = tpu.memref_slice %arg8[%dma_start3A_43] : memref<10240xf32, #tpu.memory_space<vmem_shared>> -> memref<10240xf32, #tpu.memory_space<vmem_shared>>
        tpu.enqueue_indirect_dma source(%dma_start3A_39 : memref<128xf32, #tpu.memory_space<vmem>>) target(%dma_start3A_44 : memref<10240xf32, #tpu.memory_space<vmem_shared>>) offsets(%dma_start3A_42 : memref<128xi32, #tpu.memory_space<vmem>>) semaphore(%run_scoped3A_37 : memref<!tpu.dma_semaphore, #tpu.memory_space<semaphore_mem>>) {add = true}
        %dma_wait3A = arith.constant 0 : i32
        %dma_wait3A_45 = tpu.memref_slice %arg7[%run_scoped3A_23, %dma_wait3A] : memref<8x128xf32, #tpu.memory_space<vmem>> -> memref<1x128xf32, #tpu.memory_space<vmem>>
        %dma_wait3A_46 = tpu.memref_squeeze %dma_wait3A_45 : memref<1x128xf32, #tpu.memory_space<vmem>> -> memref<128xf32, #tpu.memory_space<vmem>>
        %dma_wait3A_47 = arith.constant 0 : i32
        %dma_wait3A_48 = tpu.memref_slice %arg6[%run_scoped3A_24, %dma_wait3A_47] : memref<8x128xi32, #tpu.memory_space<vmem>> -> memref<1x128xi32, #tpu.memory_space<vmem>>
        %dma_wait3A_49 = tpu.memref_squeeze %dma_wait3A_48 : memref<1x128xi32, #tpu.memory_space<vmem>> -> memref<128xi32, #tpu.memory_space<vmem>>
        %dma_wait3A_50 = arith.constant 0 : i32
        %dma_wait3A_51 = tpu.memref_slice %arg8[%dma_wait3A_50] : memref<10240xf32, #tpu.memory_space<vmem_shared>> -> memref<10240xf32, #tpu.memory_space<vmem_shared>>
        tpu.wait_indirect_dma semaphore(%run_scoped3A_37 : memref<!tpu.dma_semaphore, #tpu.memory_space<semaphore_mem>>) src(%dma_wait3A_46 : memref<128xf32, #tpu.memory_space<vmem>>) dst(%dma_wait3A_51 : memref<10240xf32, #tpu.memory_space<vmem_shared>>)
        tpu.yield
      }) : () -> ()
      %run_scoped3A_25 = arith.constant 2 : i32
      %run_scoped3A_26 = arith.constant 2 : i32
      "tpu.region"() ({
        %run_scoped3A_37 = tpu.sem_alloc : memref<!tpu.dma_semaphore, #tpu.memory_space<semaphore_mem>>
        %dma_start3A = arith.constant 0 : i32
        %dma_start3A_38 = tpu.memref_slice %arg7[%run_scoped3A_25, %dma_start3A] : memref<8x128xf32, #tpu.memory_space<vmem>> -> memref<1x128xf32, #tpu.memory_space<vmem>>
        %dma_start3A_39 = tpu.memref_squeeze %dma_start3A_38 : memref<1x128xf32, #tpu.memory_space<vmem>> -> memref<128xf32, #tpu.memory_space<vmem>>
        %dma_start3A_40 = arith.constant 0 : i32
        %dma_start3A_41 = tpu.memref_slice %arg6[%run_scoped3A_26, %dma_start3A_40] : memref<8x128xi32, #tpu.memory_space<vmem>> -> memref<1x128xi32, #tpu.memory_space<vmem>>
        %dma_start3A_42 = tpu.memref_squeeze %dma_start3A_41 : memref<1x128xi32, #tpu.memory_space<vmem>> -> memref<128xi32, #tpu.memory_space<vmem>>
        %dma_start3A_43 = arith.constant 0 : i32
        %dma_start3A_44 = tpu.memref_slice %arg8[%dma_start3A_43] : memref<10240xf32, #tpu.memory_space<vmem_shared>> -> memref<10240xf32, #tpu.memory_space<vmem_shared>>
        tpu.enqueue_indirect_dma source(%dma_start3A_39 : memref<128xf32, #tpu.memory_space<vmem>>) target(%dma_start3A_44 : memref<10240xf32, #tpu.memory_space<vmem_shared>>) offsets(%dma_start3A_42 : memref<128xi32, #tpu.memory_space<vmem>>) semaphore(%run_scoped3A_37 : memref<!tpu.dma_semaphore, #tpu.memory_space<semaphore_mem>>) {add = true}
        %dma_wait3A = arith.constant 0 : i32
        %dma_wait3A_45 = tpu.memref_slice %arg7[%run_scoped3A_25, %dma_wait3A] : memref<8x128xf32, #tpu.memory_space<vmem>> -> memref<1x128xf32, #tpu.memory_space<vmem>>
        %dma_wait3A_46 = tpu.memref_squeeze %dma_wait3A_45 : memref<1x128xf32, #tpu.memory_space<vmem>> -> memref<128xf32, #tpu.memory_space<vmem>>
        %dma_wait3A_47 = arith.constant 0 : i32
        %dma_wait3A_48 = tpu.memref_slice %arg6[%run_scoped3A_26, %dma_wait3A_47] : memref<8x128xi32, #tpu.memory_space<vmem>> -> memref<1x128xi32, #tpu.memory_space<vmem>>
        %dma_wait3A_49 = tpu.memref_squeeze %dma_wait3A_48 : memref<1x128xi32, #tpu.memory_space<vmem>> -> memref<128xi32, #tpu.memory_space<vmem>>
        %dma_wait3A_50 = arith.constant 0 : i32
        %dma_wait3A_51 = tpu.memref_slice %arg8[%dma_wait3A_50] : memref<10240xf32, #tpu.memory_space<vmem_shared>> -> memref<10240xf32, #tpu.memory_space<vmem_shared>>
        tpu.wait_indirect_dma semaphore(%run_scoped3A_37 : memref<!tpu.dma_semaphore, #tpu.memory_space<semaphore_mem>>) src(%dma_wait3A_46 : memref<128xf32, #tpu.memory_space<vmem>>) dst(%dma_wait3A_51 : memref<10240xf32, #tpu.memory_space<vmem_shared>>)
        tpu.yield
      }) : () -> ()
      %run_scoped3A_27 = arith.constant 3 : i32
      %run_scoped3A_28 = arith.constant 3 : i32
      "tpu.region"() ({
        %run_scoped3A_37 = tpu.sem_alloc : memref<!tpu.dma_semaphore, #tpu.memory_space<semaphore_mem>>
        %dma_start3A = arith.constant 0 : i32
        %dma_start3A_38 = tpu.memref_slice %arg7[%run_scoped3A_27, %dma_start3A] : memref<8x128xf32, #tpu.memory_space<vmem>> -> memref<1x128xf32, #tpu.memory_space<vmem>>
        %dma_start3A_39 = tpu.memref_squeeze %dma_start3A_38 : memref<1x128xf32, #tpu.memory_space<vmem>> -> memref<128xf32, #tpu.memory_space<vmem>>
        %dma_start3A_40 = arith.constant 0 : i32
        %dma_start3A_41 = tpu.memref_slice %arg6[%run_scoped3A_28, %dma_start3A_40] : memref<8x128xi32, #tpu.memory_space<vmem>> -> memref<1x128xi32, #tpu.memory_space<vmem>>
        %dma_start3A_42 = tpu.memref_squeeze %dma_start3A_41 : memref<1x128xi32, #tpu.memory_space<vmem>> -> memref<128xi32, #tpu.memory_space<vmem>>
        %dma_start3A_43 = arith.constant 0 : i32
        %dma_start3A_44 = tpu.memref_slice %arg8[%dma_start3A_43] : memref<10240xf32, #tpu.memory_space<vmem_shared>> -> memref<10240xf32, #tpu.memory_space<vmem_shared>>
        tpu.enqueue_indirect_dma source(%dma_start3A_39 : memref<128xf32, #tpu.memory_space<vmem>>) target(%dma_start3A_44 : memref<10240xf32, #tpu.memory_space<vmem_shared>>) offsets(%dma_start3A_42 : memref<128xi32, #tpu.memory_space<vmem>>) semaphore(%run_scoped3A_37 : memref<!tpu.dma_semaphore, #tpu.memory_space<semaphore_mem>>) {add = true}
        %dma_wait3A = arith.constant 0 : i32
        %dma_wait3A_45 = tpu.memref_slice %arg7[%run_scoped3A_27, %dma_wait3A] : memref<8x128xf32, #tpu.memory_space<vmem>> -> memref<1x128xf32, #tpu.memory_space<vmem>>
        %dma_wait3A_46 = tpu.memref_squeeze %dma_wait3A_45 : memref<1x128xf32, #tpu.memory_space<vmem>> -> memref<128xf32, #tpu.memory_space<vmem>>
        %dma_wait3A_47 = arith.constant 0 : i32
        %dma_wait3A_48 = tpu.memref_slice %arg6[%run_scoped3A_28, %dma_wait3A_47] : memref<8x128xi32, #tpu.memory_space<vmem>> -> memref<1x128xi32, #tpu.memory_space<vmem>>
        %dma_wait3A_49 = tpu.memref_squeeze %dma_wait3A_48 : memref<1x128xi32, #tpu.memory_space<vmem>> -> memref<128xi32, #tpu.memory_space<vmem>>
        %dma_wait3A_50 = arith.constant 0 : i32
        %dma_wait3A_51 = tpu.memref_slice %arg8[%dma_wait3A_50] : memref<10240xf32, #tpu.memory_space<vmem_shared>> -> memref<10240xf32, #tpu.memory_space<vmem_shared>>
        tpu.wait_indirect_dma semaphore(%run_scoped3A_37 : memref<!tpu.dma_semaphore, #tpu.memory_space<semaphore_mem>>) src(%dma_wait3A_46 : memref<128xf32, #tpu.memory_space<vmem>>) dst(%dma_wait3A_51 : memref<10240xf32, #tpu.memory_space<vmem_shared>>)
        tpu.yield
      }) : () -> ()
      %run_scoped3A_29 = arith.constant 4 : i32
      %run_scoped3A_30 = arith.constant 4 : i32
      "tpu.region"() ({
        %run_scoped3A_37 = tpu.sem_alloc : memref<!tpu.dma_semaphore, #tpu.memory_space<semaphore_mem>>
        %dma_start3A = arith.constant 0 : i32
        %dma_start3A_38 = tpu.memref_slice %arg7[%run_scoped3A_29, %dma_start3A] : memref<8x128xf32, #tpu.memory_space<vmem>> -> memref<1x128xf32, #tpu.memory_space<vmem>>
        %dma_start3A_39 = tpu.memref_squeeze %dma_start3A_38 : memref<1x128xf32, #tpu.memory_space<vmem>> -> memref<128xf32, #tpu.memory_space<vmem>>
        %dma_start3A_40 = arith.constant 0 : i32
        %dma_start3A_41 = tpu.memref_slice %arg6[%run_scoped3A_30, %dma_start3A_40] : memref<8x128xi32, #tpu.memory_space<vmem>> -> memref<1x128xi32, #tpu.memory_space<vmem>>
        %dma_start3A_42 = tpu.memref_squeeze %dma_start3A_41 : memref<1x128xi32, #tpu.memory_space<vmem>> -> memref<128xi32, #tpu.memory_space<vmem>>
        %dma_start3A_43 = arith.constant 0 : i32
        %dma_start3A_44 = tpu.memref_slice %arg8[%dma_start3A_43] : memref<10240xf32, #tpu.memory_space<vmem_shared>> -> memref<10240xf32, #tpu.memory_space<vmem_shared>>
        tpu.enqueue_indirect_dma source(%dma_start3A_39 : memref<128xf32, #tpu.memory_space<vmem>>) target(%dma_start3A_44 : memref<10240xf32, #tpu.memory_space<vmem_shared>>) offsets(%dma_start3A_42 : memref<128xi32, #tpu.memory_space<vmem>>) semaphore(%run_scoped3A_37 : memref<!tpu.dma_semaphore, #tpu.memory_space<semaphore_mem>>) {add = true}
        %dma_wait3A = arith.constant 0 : i32
        %dma_wait3A_45 = tpu.memref_slice %arg7[%run_scoped3A_29, %dma_wait3A] : memref<8x128xf32, #tpu.memory_space<vmem>> -> memref<1x128xf32, #tpu.memory_space<vmem>>
        %dma_wait3A_46 = tpu.memref_squeeze %dma_wait3A_45 : memref<1x128xf32, #tpu.memory_space<vmem>> -> memref<128xf32, #tpu.memory_space<vmem>>
        %dma_wait3A_47 = arith.constant 0 : i32
        %dma_wait3A_48 = tpu.memref_slice %arg6[%run_scoped3A_30, %dma_wait3A_47] : memref<8x128xi32, #tpu.memory_space<vmem>> -> memref<1x128xi32, #tpu.memory_space<vmem>>
        %dma_wait3A_49 = tpu.memref_squeeze %dma_wait3A_48 : memref<1x128xi32, #tpu.memory_space<vmem>> -> memref<128xi32, #tpu.memory_space<vmem>>
        %dma_wait3A_50 = arith.constant 0 : i32
        %dma_wait3A_51 = tpu.memref_slice %arg8[%dma_wait3A_50] : memref<10240xf32, #tpu.memory_space<vmem_shared>> -> memref<10240xf32, #tpu.memory_space<vmem_shared>>
        tpu.wait_indirect_dma semaphore(%run_scoped3A_37 : memref<!tpu.dma_semaphore, #tpu.memory_space<semaphore_mem>>) src(%dma_wait3A_46 : memref<128xf32, #tpu.memory_space<vmem>>) dst(%dma_wait3A_51 : memref<10240xf32, #tpu.memory_space<vmem_shared>>)
        tpu.yield
      }) : () -> ()
      %run_scoped3A_31 = arith.constant 5 : i32
      %run_scoped3A_32 = arith.constant 5 : i32
      "tpu.region"() ({
        %run_scoped3A_37 = tpu.sem_alloc : memref<!tpu.dma_semaphore, #tpu.memory_space<semaphore_mem>>
        %dma_start3A = arith.constant 0 : i32
        %dma_start3A_38 = tpu.memref_slice %arg7[%run_scoped3A_31, %dma_start3A] : memref<8x128xf32, #tpu.memory_space<vmem>> -> memref<1x128xf32, #tpu.memory_space<vmem>>
        %dma_start3A_39 = tpu.memref_squeeze %dma_start3A_38 : memref<1x128xf32, #tpu.memory_space<vmem>> -> memref<128xf32, #tpu.memory_space<vmem>>
        %dma_start3A_40 = arith.constant 0 : i32
        %dma_start3A_41 = tpu.memref_slice %arg6[%run_scoped3A_32, %dma_start3A_40] : memref<8x128xi32, #tpu.memory_space<vmem>> -> memref<1x128xi32, #tpu.memory_space<vmem>>
        %dma_start3A_42 = tpu.memref_squeeze %dma_start3A_41 : memref<1x128xi32, #tpu.memory_space<vmem>> -> memref<128xi32, #tpu.memory_space<vmem>>
        %dma_start3A_43 = arith.constant 0 : i32
        %dma_start3A_44 = tpu.memref_slice %arg8[%dma_start3A_43] : memref<10240xf32, #tpu.memory_space<vmem_shared>> -> memref<10240xf32, #tpu.memory_space<vmem_shared>>
        tpu.enqueue_indirect_dma source(%dma_start3A_39 : memref<128xf32, #tpu.memory_space<vmem>>) target(%dma_start3A_44 : memref<10240xf32, #tpu.memory_space<vmem_shared>>) offsets(%dma_start3A_42 : memref<128xi32, #tpu.memory_space<vmem>>) semaphore(%run_scoped3A_37 : memref<!tpu.dma_semaphore, #tpu.memory_space<semaphore_mem>>) {add = true}
        %dma_wait3A = arith.constant 0 : i32
        %dma_wait3A_45 = tpu.memref_slice %arg7[%run_scoped3A_31, %dma_wait3A] : memref<8x128xf32, #tpu.memory_space<vmem>> -> memref<1x128xf32, #tpu.memory_space<vmem>>
        %dma_wait3A_46 = tpu.memref_squeeze %dma_wait3A_45 : memref<1x128xf32, #tpu.memory_space<vmem>> -> memref<128xf32, #tpu.memory_space<vmem>>
        %dma_wait3A_47 = arith.constant 0 : i32
        %dma_wait3A_48 = tpu.memref_slice %arg6[%run_scoped3A_32, %dma_wait3A_47] : memref<8x128xi32, #tpu.memory_space<vmem>> -> memref<1x128xi32, #tpu.memory_space<vmem>>
        %dma_wait3A_49 = tpu.memref_squeeze %dma_wait3A_48 : memref<1x128xi32, #tpu.memory_space<vmem>> -> memref<128xi32, #tpu.memory_space<vmem>>
        %dma_wait3A_50 = arith.constant 0 : i32
        %dma_wait3A_51 = tpu.memref_slice %arg8[%dma_wait3A_50] : memref<10240xf32, #tpu.memory_space<vmem_shared>> -> memref<10240xf32, #tpu.memory_space<vmem_shared>>
        tpu.wait_indirect_dma semaphore(%run_scoped3A_37 : memref<!tpu.dma_semaphore, #tpu.memory_space<semaphore_mem>>) src(%dma_wait3A_46 : memref<128xf32, #tpu.memory_space<vmem>>) dst(%dma_wait3A_51 : memref<10240xf32, #tpu.memory_space<vmem_shared>>)
        tpu.yield
      }) : () -> ()
      %run_scoped3A_33 = arith.constant 6 : i32
      %run_scoped3A_34 = arith.constant 6 : i32
      "tpu.region"() ({
        %run_scoped3A_37 = tpu.sem_alloc : memref<!tpu.dma_semaphore, #tpu.memory_space<semaphore_mem>>
        %dma_start3A = arith.constant 0 : i32
        %dma_start3A_38 = tpu.memref_slice %arg7[%run_scoped3A_33, %dma_start3A] : memref<8x128xf32, #tpu.memory_space<vmem>> -> memref<1x128xf32, #tpu.memory_space<vmem>>
        %dma_start3A_39 = tpu.memref_squeeze %dma_start3A_38 : memref<1x128xf32, #tpu.memory_space<vmem>> -> memref<128xf32, #tpu.memory_space<vmem>>
        %dma_start3A_40 = arith.constant 0 : i32
        %dma_start3A_41 = tpu.memref_slice %arg6[%run_scoped3A_34, %dma_start3A_40] : memref<8x128xi32, #tpu.memory_space<vmem>> -> memref<1x128xi32, #tpu.memory_space<vmem>>
        %dma_start3A_42 = tpu.memref_squeeze %dma_start3A_41 : memref<1x128xi32, #tpu.memory_space<vmem>> -> memref<128xi32, #tpu.memory_space<vmem>>
        %dma_start3A_43 = arith.constant 0 : i32
        %dma_start3A_44 = tpu.memref_slice %arg8[%dma_start3A_43] : memref<10240xf32, #tpu.memory_space<vmem_shared>> -> memref<10240xf32, #tpu.memory_space<vmem_shared>>
        tpu.enqueue_indirect_dma source(%dma_start3A_39 : memref<128xf32, #tpu.memory_space<vmem>>) target(%dma_start3A_44 : memref<10240xf32, #tpu.memory_space<vmem_shared>>) offsets(%dma_start3A_42 : memref<128xi32, #tpu.memory_space<vmem>>) semaphore(%run_scoped3A_37 : memref<!tpu.dma_semaphore, #tpu.memory_space<semaphore_mem>>) {add = true}
        %dma_wait3A = arith.constant 0 : i32
        %dma_wait3A_45 = tpu.memref_slice %arg7[%run_scoped3A_33, %dma_wait3A] : memref<8x128xf32, #tpu.memory_space<vmem>> -> memref<1x128xf32, #tpu.memory_space<vmem>>
        %dma_wait3A_46 = tpu.memref_squeeze %dma_wait3A_45 : memref<1x128xf32, #tpu.memory_space<vmem>> -> memref<128xf32, #tpu.memory_space<vmem>>
        %dma_wait3A_47 = arith.constant 0 : i32
        %dma_wait3A_48 = tpu.memref_slice %arg6[%run_scoped3A_34, %dma_wait3A_47] : memref<8x128xi32, #tpu.memory_space<vmem>> -> memref<1x128xi32, #tpu.memory_space<vmem>>
        %dma_wait3A_49 = tpu.memref_squeeze %dma_wait3A_48 : memref<1x128xi32, #tpu.memory_space<vmem>> -> memref<128xi32, #tpu.memory_space<vmem>>
        %dma_wait3A_50 = arith.constant 0 : i32
        %dma_wait3A_51 = tpu.memref_slice %arg8[%dma_wait3A_50] : memref<10240xf32, #tpu.memory_space<vmem_shared>> -> memref<10240xf32, #tpu.memory_space<vmem_shared>>
        tpu.wait_indirect_dma semaphore(%run_scoped3A_37 : memref<!tpu.dma_semaphore, #tpu.memory_space<semaphore_mem>>) src(%dma_wait3A_46 : memref<128xf32, #tpu.memory_space<vmem>>) dst(%dma_wait3A_51 : memref<10240xf32, #tpu.memory_space<vmem_shared>>)
        tpu.yield
      }) : () -> ()
      %run_scoped3A_35 = arith.constant 7 : i32
      %run_scoped3A_36 = arith.constant 7 : i32
      "tpu.region"() ({
        %run_scoped3A_37 = tpu.sem_alloc : memref<!tpu.dma_semaphore, #tpu.memory_space<semaphore_mem>>
        %dma_start3A = arith.constant 0 : i32
        %dma_start3A_38 = tpu.memref_slice %arg7[%run_scoped3A_35, %dma_start3A] : memref<8x128xf32, #tpu.memory_space<vmem>> -> memref<1x128xf32, #tpu.memory_space<vmem>>
        %dma_start3A_39 = tpu.memref_squeeze %dma_start3A_38 : memref<1x128xf32, #tpu.memory_space<vmem>> -> memref<128xf32, #tpu.memory_space<vmem>>
        %dma_start3A_40 = arith.constant 0 : i32
        %dma_start3A_41 = tpu.memref_slice %arg6[%run_scoped3A_36, %dma_start3A_40] : memref<8x128xi32, #tpu.memory_space<vmem>> -> memref<1x128xi32, #tpu.memory_space<vmem>>
        %dma_start3A_42 = tpu.memref_squeeze %dma_start3A_41 : memref<1x128xi32, #tpu.memory_space<vmem>> -> memref<128xi32, #tpu.memory_space<vmem>>
        %dma_start3A_43 = arith.constant 0 : i32
        %dma_start3A_44 = tpu.memref_slice %arg8[%dma_start3A_43] : memref<10240xf32, #tpu.memory_space<vmem_shared>> -> memref<10240xf32, #tpu.memory_space<vmem_shared>>
        tpu.enqueue_indirect_dma source(%dma_start3A_39 : memref<128xf32, #tpu.memory_space<vmem>>) target(%dma_start3A_44 : memref<10240xf32, #tpu.memory_space<vmem_shared>>) offsets(%dma_start3A_42 : memref<128xi32, #tpu.memory_space<vmem>>) semaphore(%run_scoped3A_37 : memref<!tpu.dma_semaphore, #tpu.memory_space<semaphore_mem>>) {add = true}
        %dma_wait3A = arith.constant 0 : i32
        %dma_wait3A_45 = tpu.memref_slice %arg7[%run_scoped3A_35, %dma_wait3A] : memref<8x128xf32, #tpu.memory_space<vmem>> -> memref<1x128xf32, #tpu.memory_space<vmem>>
        %dma_wait3A_46 = tpu.memref_squeeze %dma_wait3A_45 : memref<1x128xf32, #tpu.memory_space<vmem>> -> memref<128xf32, #tpu.memory_space<vmem>>
        %dma_wait3A_47 = arith.constant 0 : i32
        %dma_wait3A_48 = tpu.memref_slice %arg6[%run_scoped3A_36, %dma_wait3A_47] : memref<8x128xi32, #tpu.memory_space<vmem>> -> memref<1x128xi32, #tpu.memory_space<vmem>>
        %dma_wait3A_49 = tpu.memref_squeeze %dma_wait3A_48 : memref<1x128xi32, #tpu.memory_space<vmem>> -> memref<128xi32, #tpu.memory_space<vmem>>
        %dma_wait3A_50 = arith.constant 0 : i32
        %dma_wait3A_51 = tpu.memref_slice %arg8[%dma_wait3A_50] : memref<10240xf32, #tpu.memory_space<vmem_shared>> -> memref<10240xf32, #tpu.memory_space<vmem_shared>>
        tpu.wait_indirect_dma semaphore(%run_scoped3A_37 : memref<!tpu.dma_semaphore, #tpu.memory_space<semaphore_mem>>) src(%dma_wait3A_46 : memref<128xf32, #tpu.memory_space<vmem>>) dst(%dma_wait3A_51 : memref<10240xf32, #tpu.memory_space<vmem_shared>>)
        tpu.yield
      }) : () -> ()
    }
    %scan3A_8 = arith.constant 10 : i32
    %barrier3A_9 = arith.constant 0 : index
    tpu.barrier barrier_id(%barrier3A_9)
    %mul3A_10 = arith.constant 640 : i32
    %mul3A_11 = arith.muli %arg1, %mul3A_10 : i32
    %mul3A_12 = arith.constant 640 : i32
    %mul3A_13 = arith.muli %arg1, %mul3A_12 : i32
    "tpu.region"() ({
      %run_scoped3A = tpu.sem_alloc : memref<!tpu.dma_semaphore, #tpu.memory_space<semaphore_mem>>
      %dma_start3A = tpu.memref_slice %arg5[%arg0, %mul3A_13] : memref<2x10240xf32, #tpu.memory_space<hbm>> -> memref<1x640xf32, #tpu.memory_space<hbm>>
      %dma_start3A_14 = tpu.memref_squeeze %dma_start3A : memref<1x640xf32, #tpu.memory_space<hbm>> -> memref<640xf32, #tpu.memory_space<hbm>>
      %dma_start3A_15 = tpu.memref_slice %arg8[%mul3A_11] : memref<10240xf32, #tpu.memory_space<vmem_shared>> -> memref<640xf32, #tpu.memory_space<vmem_shared>>
      tpu.enqueue_dma source(%dma_start3A_15 : memref<640xf32, #tpu.memory_space<vmem_shared>>) target(%dma_start3A_14 : memref<640xf32, #tpu.memory_space<hbm>>) target_semaphore(%run_scoped3A : memref<!tpu.dma_semaphore, #tpu.memory_space<semaphore_mem>>)
      %dma_wait3A = tpu.memref_slice %arg5[%arg0, %mul3A_13] : memref<2x10240xf32, #tpu.memory_space<hbm>> -> memref<1x640xf32, #tpu.memory_space<hbm>>
      %dma_wait3A_16 = tpu.memref_squeeze %dma_wait3A : memref<1x640xf32, #tpu.memory_space<hbm>> -> memref<640xf32, #tpu.memory_space<hbm>>
      %dma_wait3A_17 = tpu.memref_slice %arg8[%mul3A_11] : memref<10240xf32, #tpu.memory_space<vmem_shared>> -> memref<640xf32, #tpu.memory_space<vmem_shared>>
      tpu.wait_dma2 semaphore(%run_scoped3A : memref<!tpu.dma_semaphore, #tpu.memory_space<semaphore_mem>>) src(%dma_wait3A_17 : memref<640xf32, #tpu.memory_space<vmem_shared>>) dst(%dma_wait3A_16 : memref<640xf32, #tpu.memory_space<hbm>>)
      tpu.yield
    }) : () -> ()
    return
  }
}

module attributes {stable_mosaic.version = 14 : i64} {
  func.func @body(%arg0: memref<10240x64xf32, #tpu.memory_space<vmem>>, %arg1: memref<10240x2xf32, #tpu.memory_space<vmem>>, %arg2: memref<10240x64xf32, #tpu.memory_space<vmem>>, %arg3: memref<10240x1xf32, #tpu.memory_space<vmem>>) attributes {dimension_semantics = [], scalar_prefetch = 0 : i64, scratch_operands = 0 : i64, tpu.core_type = #tpu.core_type<tc>} {
    %get3A = arith.constant 0 : index
    %get3A_0 = arith.constant 0 : index
    %get3A_1 = vector.load %arg1[%get3A, %get3A_0] : memref<10240x2xf32, #tpu.memory_space<vmem>>, vector<10240x1xf32>
    %get3A_2 = arith.constant 0 : index
    %get3A_3 = arith.constant 1 : index
    %get3A_4 = vector.load %arg1[%get3A_2, %get3A_3] : memref<10240x2xf32, #tpu.memory_space<vmem>>, vector<10240x1xf32>
    %add3A = arith.addf %get3A_1, %get3A_4 : vector<10240x1xf32>
    %add3A_5 = arith.constant 1.000000e+00 : f32
    %add3A_6 = vector.broadcast %add3A_5 : f32 to vector<10240x1xf32>
    %add3A_7 = arith.addf %add3A, %add3A_6 : vector<10240x1xf32>
    %rsqrt3A = math.rsqrt %add3A_7 : vector<10240x1xf32>
    %swap3A = arith.constant 0 : index
    %swap3A_8 = arith.constant 0 : index
    %swap3A_9 = vector.load %arg3[%swap3A, %swap3A_8] : memref<10240x1xf32, #tpu.memory_space<vmem>>, vector<10240x1xf32>
    tpu.vector_store %arg3[%swap3A, %swap3A_8], %rsqrt3A {strides = array<i32>} : memref<10240x1xf32, #tpu.memory_space<vmem>>, vector<10240x1xf32>,
    %get3A_10 = arith.constant 0 : index
    %get3A_11 = arith.constant 0 : index
    %get3A_12 = vector.load %arg0[%get3A_10, %get3A_11] : memref<10240x64xf32, #tpu.memory_space<vmem>>, vector<10240x64xf32>
    %mul3A = vector.broadcast %rsqrt3A : vector<10240x1xf32> to vector<10240x64xf32>
    %mul3A_13 = arith.mulf %get3A_12, %mul3A : vector<10240x64xf32>
    %swap3A_14 = arith.constant 0 : index
    %swap3A_15 = arith.constant 0 : index
    %swap3A_16 = vector.load %arg2[%swap3A_14, %swap3A_15] : memref<10240x64xf32, #tpu.memory_space<vmem>>, vector<10240x64xf32>
    tpu.vector_store %arg2[%swap3A_14, %swap3A_15], %mul3A_13 {strides = array<i32>} : memref<10240x64xf32, #tpu.memory_space<vmem>>, vector<10240x64xf32>,
    return
  }
}

module attributes {stable_mosaic.version = 14 : i64} {
  func.func @body(%arg0: memref<10240x128xf32, #tpu.memory_space<vmem>>, %arg1: memref<128x64xf32, #tpu.memory_space<vmem>>, %arg2: memref<10240x64xf32, #tpu.memory_space<vmem>>) attributes {dimension_semantics = [], scalar_prefetch = 0 : i64, scratch_operands = 0 : i64, tpu.core_type = #tpu.core_type<tc>} {
    %get3A = arith.constant 0 : index
    %get3A_0 = arith.constant 0 : index
    %get3A_1 = vector.load %arg0[%get3A, %get3A_0] : memref<10240x128xf32, #tpu.memory_space<vmem>>, vector<10240x128xf32>
    %get3A_2 = arith.constant 0 : index
    %get3A_3 = arith.constant 0 : index
    %get3A_4 = vector.load %arg1[%get3A_2, %get3A_3] : memref<128x64xf32, #tpu.memory_space<vmem>>, vector<128x64xf32>
    %dot_general3A = arith.constant dense<0.000000e+00> : vector<10240x64xf32>
    %dot_general3A_5 = tpu.matmul %get3A_1, %get3A_4, %dot_general3A {dimension_numbers = #tpu.dot_dimension_numbers<[1], [0], [0], [1], [0, 0, 1, 1], [], []>, transpose_lhs_hint = false} : vector<10240x128xf32>, vector<128x64xf32>, vector<10240x64xf32> -> vector<10240x64xf32>
    %swap3A = arith.constant 0 : index
    %swap3A_6 = arith.constant 0 : index
    %swap3A_7 = vector.load %arg2[%swap3A, %swap3A_6] : memref<10240x64xf32, #tpu.memory_space<vmem>>, vector<10240x64xf32>
    tpu.vector_store %arg2[%swap3A, %swap3A_6], %dot_general3A_5 {strides = array<i32>} : memref<10240x64xf32, #tpu.memory_space<vmem>>, vector<10240x64xf32>,
    return
  }
}

module attributes {stable_mosaic.version = 14 : i64} {
  func.func @body(%arg0: memref<10240x64xf32, #tpu.memory_space<vmem>>, %arg1: memref<10240x64xf32, #tpu.memory_space<vmem>>, %arg2: memref<10240x1xf32, #tpu.memory_space<vmem>>, %arg3: memref<1x64xf32, #tpu.memory_space<vmem>>, %arg4: memref<64x16xf32, #tpu.memory_space<vmem>>, %arg5: memref<10240x16xf32, #tpu.memory_space<vmem>>) attributes {dimension_semantics = [], scalar_prefetch = 0 : i64, scratch_operands = 0 : i64, tpu.core_type = #tpu.core_type<tc>} {
    %get3A = arith.constant 0 : index
    %get3A_0 = arith.constant 0 : index
    %get3A_1 = vector.load %arg0[%get3A, %get3A_0] : memref<10240x64xf32, #tpu.memory_space<vmem>>, vector<10240x64xf32>
    %get3A_2 = arith.constant 0 : index
    %get3A_3 = arith.constant 0 : index
    %get3A_4 = vector.load %arg1[%get3A_2, %get3A_3] : memref<10240x64xf32, #tpu.memory_space<vmem>>, vector<10240x64xf32>
    %add3A = arith.addf %get3A_1, %get3A_4 : vector<10240x64xf32>
    %get3A_5 = arith.constant 0 : index
    %get3A_6 = arith.constant 0 : index
    %get3A_7 = vector.load %arg2[%get3A_5, %get3A_6] : memref<10240x1xf32, #tpu.memory_space<vmem>>, vector<10240x1xf32>
    %mul3A = vector.broadcast %get3A_7 : vector<10240x1xf32> to vector<10240x64xf32>
    %mul3A_8 = arith.mulf %add3A, %mul3A : vector<10240x64xf32>
    %get3A_9 = arith.constant 0 : index
    %get3A_10 = arith.constant 0 : index
    %get3A_11 = vector.load %arg3[%get3A_9, %get3A_10] : memref<1x64xf32, #tpu.memory_space<vmem>>, vector<1x64xf32>
    %add3A_12 = vector.broadcast %get3A_11 : vector<1x64xf32> to vector<10240x64xf32>
    %add3A_13 = arith.addf %mul3A_8, %add3A_12 : vector<10240x64xf32>
    %max3A = arith.constant 0.000000e+00 : f32
    %max3A_14 = vector.broadcast %max3A : f32 to vector<10240x64xf32>
    %max3A_15 = arith.maximumf %add3A_13, %max3A_14 : vector<10240x64xf32>
    %get3A_16 = arith.constant 0 : index
    %get3A_17 = arith.constant 0 : index
    %get3A_18 = vector.load %arg4[%get3A_16, %get3A_17] : memref<64x16xf32, #tpu.memory_space<vmem>>, vector<64x16xf32>
    %dot_general3A = arith.constant dense<0.000000e+00> : vector<10240x16xf32>
    %dot_general3A_19 = tpu.matmul %max3A_15, %get3A_18, %dot_general3A {dimension_numbers = #tpu.dot_dimension_numbers<[1], [0], [0], [1], [0, 0, 1, 1], [], []>, transpose_lhs_hint = false} : vector<10240x64xf32>, vector<64x16xf32>, vector<10240x16xf32> -> vector<10240x16xf32>
    %get3A_20 = arith.constant 0 : index
    %get3A_21 = arith.constant 0 : index
    %get3A_22 = vector.load %arg2[%get3A_20, %get3A_21] : memref<10240x1xf32, #tpu.memory_space<vmem>>, vector<10240x1xf32>
    %mul3A_23 = vector.broadcast %get3A_22 : vector<10240x1xf32> to vector<10240x16xf32>
    %mul3A_24 = arith.mulf %dot_general3A_19, %mul3A_23 : vector<10240x16xf32>
    %swap3A = arith.constant 0 : index
    %swap3A_25 = arith.constant 0 : index
    %swap3A_26 = vector.load %arg5[%swap3A, %swap3A_25] : memref<10240x16xf32, #tpu.memory_space<vmem>>, vector<10240x16xf32>
    tpu.vector_store %arg5[%swap3A, %swap3A_25], %mul3A_24 {strides = array<i32>} : memref<10240x16xf32, #tpu.memory_space<vmem>>, vector<10240x16xf32>,
    return
  }
}

module attributes {stable_mosaic.version = 14 : i64} {
  func.func @body(%arg0: memref<10240x16xf32, #tpu.memory_space<vmem>>, %arg1: memref<10240x16xf32, #tpu.memory_space<vmem>>, %arg2: memref<10240x1xf32, #tpu.memory_space<vmem>>, %arg3: memref<1x16xf32, #tpu.memory_space<vmem>>, %arg4: memref<10240x16xf32, #tpu.memory_space<vmem>>) attributes {dimension_semantics = [], scalar_prefetch = 0 : i64, scratch_operands = 0 : i64, tpu.core_type = #tpu.core_type<tc>} {
    %get3A = arith.constant 0 : index
    %get3A_0 = arith.constant 0 : index
    %get3A_1 = vector.load %arg0[%get3A, %get3A_0] : memref<10240x16xf32, #tpu.memory_space<vmem>>, vector<10240x16xf32>
    %get3A_2 = arith.constant 0 : index
    %get3A_3 = arith.constant 0 : index
    %get3A_4 = vector.load %arg1[%get3A_2, %get3A_3] : memref<10240x16xf32, #tpu.memory_space<vmem>>, vector<10240x16xf32>
    %add3A = arith.addf %get3A_1, %get3A_4 : vector<10240x16xf32>
    %get3A_5 = arith.constant 0 : index
    %get3A_6 = arith.constant 0 : index
    %get3A_7 = vector.load %arg2[%get3A_5, %get3A_6] : memref<10240x1xf32, #tpu.memory_space<vmem>>, vector<10240x1xf32>
    %mul3A = vector.broadcast %get3A_7 : vector<10240x1xf32> to vector<10240x16xf32>
    %mul3A_8 = arith.mulf %add3A, %mul3A : vector<10240x16xf32>
    %get3A_9 = arith.constant 0 : index
    %get3A_10 = arith.constant 0 : index
    %get3A_11 = vector.load %arg3[%get3A_9, %get3A_10] : memref<1x16xf32, #tpu.memory_space<vmem>>, vector<1x16xf32>
    %add3A_12 = vector.broadcast %get3A_11 : vector<1x16xf32> to vector<10240x16xf32>
    %add3A_13 = arith.addf %mul3A_8, %add3A_12 : vector<10240x16xf32>
    %reduce_max3A = arith.constant dense<0xFF800000> : vector<10240xf32>
    %reduce_max3A_14 = vector.multi_reduction <maximumf>, %add3A_13, %reduce_max3A [1] : vector<10240x16xf32> to vector<10240xf32>
    %broadcast_in_dim3A = vector.shape_cast %reduce_max3A_14 : vector<10240xf32> to vector<10240x1xf32>
    %sub3A = vector.broadcast %broadcast_in_dim3A : vector<10240x1xf32> to vector<10240x16xf32>
    %sub3A_15 = arith.subf %add3A_13, %sub3A : vector<10240x16xf32>
    %exp3A = math.exp %sub3A_15 : vector<10240x16xf32>
    %reduce_sum3A = arith.constant dense<0.000000e+00> : vector<10240xf32>
    %reduce_sum3A_16 = vector.multi_reduction <add>, %exp3A, %reduce_sum3A [1] : vector<10240x16xf32> to vector<10240xf32>
    %broadcast_in_dim3A_17 = vector.shape_cast %reduce_sum3A_16 : vector<10240xf32> to vector<10240x1xf32>
    %log3A = math.log %broadcast_in_dim3A_17 : vector<10240x1xf32>
    %add3A_18 = arith.addf %log3A, %broadcast_in_dim3A : vector<10240x1xf32>
    %sub3A_19 = vector.broadcast %add3A_18 : vector<10240x1xf32> to vector<10240x16xf32>
    %sub3A_20 = arith.subf %add3A_13, %sub3A_19 : vector<10240x16xf32>
    %swap3A = arith.constant 0 : index
    %swap3A_21 = arith.constant 0 : index
    %swap3A_22 = vector.load %arg4[%swap3A, %swap3A_21] : memref<10240x16xf32, #tpu.memory_space<vmem>>, vector<10240x16xf32>
    tpu.vector_store %arg4[%swap3A, %swap3A_21], %sub3A_20 {strides = array<i32>} : memref<10240x16xf32, #tpu.memory_space<vmem>>, vector<10240x16xf32>,
    return
  }
}

</mosaic_0001>

<sc_bundles>
// kernel: kernel.12.cloned.1.call-start
scs
__scs_entry_jumppad:
0x0: {  	(pc) =	sbr.rel $0x88, $3  }
0x1: {  	(tag) =	ssettag $0x0;
	lr =	simm.s32 $0x1  }
0x2: {  	[smem:$0x3F9A] =	sst lr;
	_ =	strace $0xD0000000  }
0x3: {  	_ = 	snop  }
0x4: {  	_ = 	snop  }
0x5: {  	_ = 	snop  }
0x6: {  	_ = 	snop  }
0x7: {  	_ = 	snop  }
__scs_overlays_trampoline_lowered:
0x8: {  	[smem:$0x3FA9] =	sst s0  }
0x9: {  	[smem:$0x3FAA] =	sst s1  }
0xa: {  	[smem:$0x3FAB] =	sst s2  }
0xb: {  	[smem:$0x3FAC] =	sst s3  }
0xc: {  	[smem:$0x3FAD] =	sst s4  }
0xd: {  	[smem:$0x3FAE] =	sst s5  }
0xe: {  	[smem:$0x3FAF] =	sst s6  }
0xf: {  	[smem:$0x3FB0] =	sst s7  }
0x10: {  	[smem:$0x3FB1] =	sst s8  }
0x11: {  	[smem:$0x3FB2] =	sst s9;
	s0 =	simm.s32 @!p0 $0x0  }
0x12: {  	s1 =	sld [smem:$0x3F98];
	s0 =	simm.s32 @p0 $0x1  }
0x13: {  	[smem:$0x3FB3] =	sst s0;
	s0 =	simm.s32 @!p1 $0x0  }
0x14: {  	s2 =	sld [smem:$0x3F97];
	s0 =	simm.s32 @p1 $0x1  }
0x15: {  	[smem:$0x3FB4] =	sst s0;
	s0 =	simm.s32 @!p2 $0x0  }
0x16: {  	s3 =	sld [smem:$0x3FDB];
	s0 =	simm.s32 @p2 $0x1  }
0x17: {  	s4 =	simm.s32 $0x1BF5;
	[smem:$0x3FB6] =	sst s0  }
0x18: {  	s0 =	sld [smem:$0x3F99];
	_ =	swait.ge [sflag:s4], $0x0  }
0x19: {  	s7 =	sld [smem:$0x3F9A]  }
0x1a: {  	s8 =	sadd.s32 $0xFFFFE003, lr  }
0x1b: {  	s9 =	sadd.s32 $0xFFFFFEF7, lr;
	s5 =	simm.s32 $0xFFFFFFFF;
	p2 =	slt.u32 s8, $0xFFFFF086  }
0x1c: {  	p1 =	slt.u32 s9, $0xF7A;
	s5 =	simm.s32 @!p2 $0x0  }
0x1d: {  	s5 =	simm.s32 @p1 $0x1;
	p0 =	seq.s32 s7, s2  }
0x1e: {  	s7 =	smul.u32 @!p0 $0xF7A, s2;
	p2 =	seq.s32 @!p0 s5, $0x0  }
0x1f: {  	s9 =	smul.u32 $0xF7A, s1;
	s8 =	simm.s32 @!p0 $0x1BF5;
	p2 =	por !p2, p0  }
0x20: {  	[sflag:s8] =	ssyncset.s32 @!p0 $0xFFFFF086;
	s6 =	sadd.s32 @!p0 s3, s7;
	s7 =	simm.s32 @!p0 $0x108  }
0x21: {  	s3 =	sadd.s32 s3, s9;
	s6 =	sadd.s32 @!p0 $0x88, s6;
	s7 =	simm.s32 @p2 $0x1082  }
0x22: {  	[simem:s7], [sflag:s8] =	dma.local @!p0 [hbm:s6], $0xF7A  }
0x23: {  	s9 =	sor.u32 $0xD0000000, s2;
	s6 =	simm.s32 $0x108;
	_ =	swait.ge @!p0 [sflag:s8], $0x0  }
0x24: {  	s3 =	sadd.s32 $0x88, s3;
	s6 =	simm.s32 @!p1 $0x1082;
	[sflag:s4] =	ssyncset.s32 $0xFFFFF086  }
0x25: {  	[simem:s6], [sflag:s4] =	dma.local [hbm:s3], $0xF7A  }
0x26: {  	[smem:$0x3F9A] =	sst s1;
	(tag) =	ssettag s2;
	_ =	strace s9  }
0x27: {  	s1 =	sld [smem:$0x3FAA]  }
0x28: {  	s2 =	sld [smem:$0x3FAB]  }
0x29: {  	s4 =	sld [smem:$0x3FAD]  }
0x2a: {  	p0 =	seq.s32 s5, $0x0;
	s5 =	sld [smem:$0x3FAE]  }
0x2b: {  	s6 =	sld [smem:$0x3FAF]  }
0x2c: {  	s7 =	sld [smem:$0x3FB0]  }
0x2d: {  	s3 =	simm.s32 $0x108;
	s8 =	sld [smem:$0x3FB1]  }
0x2e: {  	s3 =	simm.s32 @!p0 $0x1082;
	s9 =	sld [smem:$0x3FB2]  }
0x2f: {  	lr =	sadd.s32 s0, s3;
	s0 =	sld [smem:$0x3FA9]  }
0x30: {  	s3 =	sld [smem:$0x3FAC]  }
0x31: {  	[smem:$0x3FB5] =	sst s10  }
0x32: {  	s10 =	sld [smem:$0x3FB3];
	_ =	sdelay $0x3  }
0x33: {  	p0 =	seq.s32 s10, $0x1;
	s10 =	sld [smem:$0x3FB5];
	_ =	sdelay $0x3  }
0x34: {  	[smem:$0x3FB5] =	sst s10  }
0x35: {  	s10 =	sld [smem:$0x3FB4];
	_ =	sdelay $0x3  }
0x36: {  	p1 =	seq.s32 s10, $0x1;
	s10 =	sld [smem:$0x3FB5];
	_ =	sdelay $0x3  }
0x37: {  	[smem:$0x3FB5] =	sst s10  }
0x38: {  	s10 =	sld [smem:$0x3FB6]  }
0x39: {  	_ = 	snop;
	(pc) =	sbr.ind lr, $3  }
0x3a: {  	_ = 	snop  }
0x3b: {  	_ = 	snop  }
0x3c: {  	p2 =	seq.s32 s10, $0x1;
	s10 =	sld [smem:$0x3FB5]  }
0x3d: {  	_ =	shalt  }
0x3e: {  	_ =	shalt  }
0x3f: {  	_ =	shalt  }
0x40: {  	_ =	shalt  }
0x41: {  	_ =	shalt  }
0x42: {  	_ =	shalt  }
0x43: {  	_ =	shalt  }
0x44: {  	_ =	shalt  }
0x45: {  	_ =	shalt  }
0x46: {  	_ =	shalt  }
0x47: {  	_ =	shalt  }
0x48: {  	_ =	shalt  }
0x49: {  	_ =	shalt  }
0x4a: {  	_ =	shalt  }
0x4b: {  	_ =	shalt  }
0x4c: {  	_ =	shalt  }
0x4d: {  	_ =	shalt  }
0x4e: {  	_ =	shalt  }
0x4f: {  	_ =	shalt  }
0x50: {  	_ =	shalt  }
0x51: {  	_ =	shalt  }
0x52: {  	_ =	shalt  }
0x53: {  	_ =	shalt  }
0x54: {  	_ =	shalt  }
0x55: {  	_ =	shalt  }
0x56: {  	_ =	shalt  }
0x57: {  	_ =	shalt  }
0x58: {  	_ =	shalt  }
0x59: {  	_ =	shalt  }
0x5a: {  	_ =	shalt  }
0x5b: {  	_ =	shalt  }
0x5c: {  	_ =	shalt  }
0x5d: {  	_ =	shalt  }
0x5e: {  	_ =	shalt  }
0x5f: {  	_ =	shalt  }
0x60: {  	_ =	shalt  }
0x61: {  	_ =	shalt  }
0x62: {  	_ =	shalt  }
0x63: {  	_ =	shalt  }
0x64: {  	_ =	shalt  }
0x65: {  	_ =	shalt  }
0x66: {  	_ =	shalt  }
0x67: {  	_ =	shalt  }
0x68: {  	_ =	shalt  }
0x69: {  	_ =	shalt  }
0x6a: {  	_ =	shalt  }
0x6b: {  	_ =	shalt  }
0x6c: {  	_ =	shalt  }
0x6d: {  	_ =	shalt  }
0x6e: {  	_ =	shalt  }
0x6f: {  	_ =	shalt  }
0x70: {  	_ =	shalt  }
0x71: {  	_ =	shalt  }
0x72: {  	_ =	shalt  }
0x73: {  	_ =	shalt  }
0x74: {  	_ =	shalt  }
0x75: {  	_ =	shalt  }
0x76: {  	_ =	shalt  }
0x77: {  	_ =	shalt  }
0x78: {  	_ =	shalt  }
0x79: {  	_ =	shalt  }
0x7a: {  	_ =	shalt  }
0x7b: {  	_ =	shalt  }
0x7c: {  	_ =	shalt  }
0x7d: {  	_ =	shalt  }
0x7e: {  	_ =	shalt  }
0x7f: {  	_ =	shalt  }
0x80: {  	_ =	shalt  }
0x81: {  	_ =	shalt  }
0x82: {  	_ =	shalt  }
0x83: {  	_ =	shalt  }
0x84: {  	_ =	shalt  }
0x85: {  	_ =	shalt  }
0x86: {  	_ =	shalt  }
0x87: {  	_ =	shalt  }
.Lfunc_end0:
.L_simem_size_0:
called_computation.1_lowered:
.L_overlay_start_0:
0x88: {  	s2 =	sld [smem:$0x3FD9]  }
0x89: {  	s3 =	sld [smem:$0x3FFE];
	_ =	sdelay $0x1  }
0x8a: {  	s1 =	srdreg.scid  }
0x8b: {  	s0 =	sand.u32 $0x1, s1  }
0x8c: {  	s16 =	sshll.u32 s0, $0xA;
	s2 =	sadd.s32 s3, s2  }
0x8d: {  	s2 =	sadd.s32 s2, s16  }
0x8e: {  	[smem:$0x3FC1] =	sst s2  }
0x8f: {  	_ = 	snop  }
0x90: {  	(tm) =	ssettm $0x1  }
0x91: {  	s17 =	sld [smem:$0x3FFB];
	_ =	sdelay $0x3  }
0x92: {  	_ =	strace s17  }
0x93: {  	s2 =	sld [smem:$0x3FFC];
	_ =	sdelay $0x3  }
0x94: {  	_ =	strace s2  }
0x95: {  	s2 =	sld [smem:$0x3FFD];
	_ =	sdelay $0x3  }
0x96: {  	_ =	strace s2  }
0x97: {  	_ =	strace $0x8FFFFFFF  }
0x98: {  	s18 =	sld [smem:$0x3FDB];
	_ =	sdelay $0x1  }
0x99: {  	s19 =	simm.s32 $_scs_section_size  }
0x9a: {  	s4 =	simm.s32 $_size__tile_overlayer_lowered;
	s5 =	simm.s32 $_tile_overlayer_lowered  }
0x9b: {  	s22 =	simm.s32 $0x1BFF;
	s21 =	sshll.u32 s5, $0x1;
	s2 =	sadd.s32 s19, s18  }
0x9c: {  	s6 =	simm.s32 $0x0;
	s20 =	sshll.u32 s4, $0x1;
	s4 =	sadd.s32 s21, s2  }
0x9d: {  	[timem:s6], [sflag:s22] =	dma.local [hbm:s4], s20  }
0x9e: {  	_ =	swait.ge [sflag:s22], s20  }
0x9f: {  	s3 =	ssub.s32 $0x0, s20;
	[sflag:s22] =	ssyncset.done $0x0  }
0xa0: {  	[sflag:s22] =	ssyncadd.s32 s3;
	_ =	sdelay $0x1  }
0xa1: {  	s23 =	simm.s32 $0x1B8B  }
0xa2: {  	_ =	swait.ge [sflag:s23], $0x1  }
0xa3: {  	[sflag:s23] =	ssyncset.done $0x0  }
0xa4: {  	s25 =	simm.s32 $0x1B8E;
	s24 =	sld [smem:$0x3FFE];
	[sflag:s23] =	ssyncadd.s32 $0xFFFFFFFF  }
0xa5: {  	s26 =	simm.s32 $execute0_lowered;
	[smem:$0x3FD2] =	sst s25  }
0xa6: {  	s4 =	sshll.u32 s26, $0x1;
	_ =	strace $0x80000049;
	[dreg:$0x1] =	wrdreg $0xFFFFFFFF  }
0xa7: {  	s28 =	simm.s32 $_size_execute0_lowered;
	s2 =	sadd.s32 s2, s4;
	[dreg:$0x0] =	wrdreg $0x0  }
0xa8: {  	s4 =	sshll.u32 s28, $0x1;
	[dreg:$0x2] =	wrdreg s2  }
0xa9: {  	[dreg:$0x3] =	wrdreg s4  }
0xaa: {  	[dreg:$0x4] =	wrdreg $0xC0  }
0xab: {  	_ =	task [dreg:s6], $0x5FFFF  }
0xac: {  	[dreg:$0x1] =	wrdreg $0xFFFFFFFF  }
0xad: {  	[dreg:$0x0] =	wrdreg $0x60  }
0xae: {  	[dreg:$0x2] =	wrdreg s24  }
0xaf: {  	[dreg:$0x3] =	wrdreg $0x10C000  }
0xb0: {  	[dreg:$0x4] =	wrdreg $0x9  }
0xb1: {  	_ =	task.clear_ibuf [dreg:s6], $0x5FFFF;
	_ =	strace $0x90000049  }
0xb2: {  	s29 =	simm.s32 $0x9;
	_ =	strace $0x8000004B  }
0xb3: {  	_ =	swait.ge [sflag:s29], $0x1  }
0xb4: {  	[sflag:s29] =	ssyncadd.s32 $0xFFFFFFFF  }
0xb5: {  	_ =	strace $0x9000004B  }
0xb6: {  	_ =	sfence  }
0xb7: {  	s30 =	sld [smem:$0x0];
	_ =	sdelay $0x2  }
0xb8: {  	s31 =	sshll.u32 s1, $0xD;
	s1 =	sshrl.u32 s1, $0x2  }
0xb9: {  	s3 =	sand.u32 $0x4000, s31;
	s1 =	sadd.s32 s1, s30  }
0xba: {  	s0 =	sor.u32 s3, s0;
	s1 =	sshll.u32 s1, $0x11  }
0xbb: {  	s0 =	sor.u32 s1, s0  }
0xbc: {  	s0 =	sadd.s32 $0x8F2B, s0  }
0xbd: {  	[sflag:s0] =	ssyncadd.remote.s32 $0x1  }
0xbe: {  	_ =	sfence.sel $0xFFFF  }
0xbf: {  	[dreg:$0x0] =	wrdreg $0xFFFFFFFF;
	(pc) =	sbr.abs _section_cstart, $3  }
0xc0: {  	[dreg:$0x1] =	wrdreg $0xFFFFFFFF  }
0xc1: {  	_ =	task.clear_ibuf [dreg:s6], $0x2FFFF;
	_ =	strace $0x9FFFFFFF  }
0xc2: {  	(tm) =	ssettm $0x7FFFFFFF  }
0xc3: {  	_ =	shalt  }
tec
execute0_lowered:
.L_overlay_start_1:
0x0: {  	(tag) =	ssettag $0x1  }
0x1: {  	s0 =	rddreg [dreg:$0x0]  }
0x2: {  	s2 =	rddreg [dreg:$0x1];
	s1 =	srdreg.scid  }
0x3: {  	s12 =	stileid.u32;
	s22 =	simm.s32 $0x0;
	s14 =	simm.s32 $0x2  }
0x4: {  	s15 =	simm.s32 $0x400;
	s16 =	simm.s32 $0x800;
	s17 =	simm.s32 $0x80  }
0x5: {  	s18 =	simm.s32 $0xC00;
	s19 =	simm.s32 $0x2C00;
	s21 =	simm.s32 $0x4C00  }
0x6: {  	s23 =	simm.s32 $0x6C00;
	s28 =	simm.s32 $0xAC00;
	s30 =	simm.s32 $0xCC00  }
0x7: {  	s13 =	simm.s32 $0x680;
	s20 =	simm.s32 $0x780;
	s24 =	simm.s32 $0x0  }
0x8: {  	s1 =	sand.u32 $0x1, s1;
	s3 =	smul.u32 $0xA000, s12;
	[smem:$0x7FF] =	sst s22  }
0x9: {  	s4 =	sadd.s32 $0x2A000, s0;
	s9 =	sadd.s32 $0x3E000, s0;
	s5 =	sadd.s32 $0x16000, s0  }
0xa: {  	s6 =	sadd.s32 $0x20000, s0;
	s31 =	sshll.u32 s12, $0x6;
	s7 =	smul.u32 $0xA0000, s1  }
0xb: {  	_ =	strace $0x8000004A;
	s10 =	ssub.s32 $0x2, s1;
	s11 =	sshll.u32 s1, $0x4  }
0xc: {  	p0 =	seq.s32 s1, $0x0;
	s1 =	simm.s32 $0x1;
	s25 =	sshrl.u32 s10, $0x1  }
0xd: {  	s26 =	sor.u32 s12, s11;
	s29 =	sadd.s32 s3, s2;
	s9 =	smov.u32 @p0 s4  }
0xe: {  	s12 =	simm.s32 $0x600;
	s8 =	sadd.s32 s3, s7;
	s7 =	sadd.s32 $0xC000, s0  }
0xf: {  	s10 =	ssub.s32 s10, s25;
	s3 =	sshrl.u32 s3, $0x3;
	s11 =	sshrl.u32 s29, $0x3  }
0x10: {  	s25 =	simm.s32 $0x8C00;
	s10 =	smax.u32 s10, $0x1;
	[dreg:$0x8] =	wrdreg s11  }
0x11: {  	s8 =	sshrl.u32 s8, $0x3;
	s3 =	sadd.s32 s9, s3;
	[dreg:$0x5] =	wrdreg s10  }
0x12: {  	s0 =	sadd.s32 s8, s0;
	[dreg:$0x6] =	wrdreg s3;
	s10 =	sor.u32 $0x1C02, s31  }
0x13: {  	s8 =	smul.u32 $0x2800, s26;
	s0 =	sadd.s32 $0x52000, s0;
	[dreg:$0x7] =	wrdreg s10  }
0x14: {  	s3 =	simm.s32 $0x700;
	[dreg:$0x4] =	wrdreg s0;
	s0 =	simm.s32 $0xEC00  }
.LBB2_1:
0x15: {  	[dreg:$0x3] =	wrdreg s22  }
0x16: {  	s9 =	rddreg [dreg:$0x6]  }
0x17: {  	[spmem:s11], [sflag:s10] =	dma.local [hbm:s9], $0x1400  }
0x18: {  	_ =	swait.ge [sflag:s14], $0x1400  }
0x19: {  	[sflag:s14] =	ssyncset.done $0x0  }
0x1a: {  	[sflag:s14] =	ssyncadd.s32 $0xFFFFEC00  }
0x1b: {  	s22 =	simm.s32 $0x0;
	[bflag:$0x0] =	sbarrier.arrive $0xFFFF  }
.LBB2_2:
0x1c: {  	s9 =	sshll.u32 s22, $0xA  }
0x1d: {  	s9 =	sadd.s32 s8, s9  }
0x1e: {  	s9 =	sshrl.u32 s9, $0x3  }
0x1f: {  	s10 =	sadd.s32 s5, s9  }
0x20: {  	[tilespmem:s24], [sflag:$0x2] =	stream.linear.gather [hbm4b:s10+s24], $0x400, $0x38;
	[tilespmem:$0x1AC00] =	vst v63  }
0x21: {  	_ =	swait.ge [sflag:s14], $0x400  }
0x22: {  	[sflag:s14] =	ssyncset.done $0x0  }
0x23: {  	s11 =	sadd.s32 s6, s9;
	[sflag:s14] =	ssyncadd.s32 $0xFFFFFC00  }
0x24: {  	[tilespmem:s15], [sflag:$0x2] =	stream.linear.gather [hbm4b:s11+s24], $0x400, $0x38;
	[tilespmem:$0x1AC00] =	vst v63  }
0x25: {  	_ =	swait.ge [sflag:s14], $0x400  }
0x26: {  	[sflag:s14] =	ssyncset.done $0x0  }
0x27: {  	s9 =	sadd.s32 s7, s9;
	[sflag:s14] =	ssyncadd.s32 $0xFFFFFC00  }
0x28: {  	[tilespmem:s16], [sflag:$0x2] =	stream.linear.gather [hbm4b:s9+s24], $0x400, $0x38;
	[tilespmem:$0x1AC00] =	vst v63  }
0x29: {  	_ =	swait.ge [sflag:s14], $0x400  }
0x2a: {  	[sflag:s14] =	ssyncset.done $0x0  }
0x2b: {  	[sflag:s14] =	ssyncadd.s32 $0xFFFFFC00  }
0x2c: {  	[tilespmem:s18], [sflag:$0x1] =	stream.indirect.gather [hbm4b:s4+s17], $0x40, s24, s17, $0xb8;
	[tilespmem:$0x1AC00] =	vst v63  }
0x2d: {  	_ = 	snop  }
0x2e: {  	[tilespmem:s19], [sflag:$0x1] =	stream.indirect.gather [hbm4b:s4+s17], $0x40, s17, s17, $0xb8;
	[tilespmem:$0x1AC00] =	vst v63  }
0x2f: {  	s26 =	simm.s32 $0x100  }
0x30: {  	[tilespmem:s21], [sflag:$0x1] =	stream.indirect.gather [hbm4b:s4+s17], $0x40, s26, s17, $0xb8;
	[tilespmem:$0x1AC00] =	vst v63  }
0x31: {  	s31 =	simm.s32 $0x180  }
0x32: {  	[tilespmem:s23], [sflag:$0x1] =	stream.indirect.gather [hbm4b:s4+s17], $0x40, s31, s17, $0xb8;
	[tilespmem:$0x1AC00] =	vst v63  }
0x33: {  	s10 =	simm.s32 $0x200  }
0x34: {  	[tilespmem:s25], [sflag:$0x1] =	stream.indirect.gather [hbm4b:s4+s17], $0x40, s10, s17, $0xb8;
	[tilespmem:$0x1AC00] =	vst v63  }
0x35: {  	s11 =	simm.s32 $0x280  }
0x36: {  	[tilespmem:s28], [sflag:$0x1] =	stream.indirect.gather [hbm4b:s4+s17], $0x40, s11, s17, $0xb8;
	[tilespmem:$0x1AC00] =	vst v63  }
0x37: {  	s26 =	simm.s32 $0x300  }
0x38: {  	[tilespmem:s30], [sflag:$0x1] =	stream.indirect.gather [hbm4b:s4+s17], $0x40, s26, s17, $0xb8;
	[tilespmem:$0x1AC00] =	vst v63  }
0x39: {  	s31 =	simm.s32 $0x380  }
0x3a: {  	[tilespmem:s0], [sflag:$0x1] =	stream.indirect.gather [hbm4b:s4+s17], $0x40, s31, s17, $0xb8;
	[tilespmem:$0x1AC00] =	vst v63  }
0x3b: {  	_ =	swait.ge [sflag:s1], $0x2000  }
0x3c: {  	[sflag:s1] =	ssyncset.done $0x0  }
0x3d: {  	[sflag:s1] =	ssyncadd.s32 $0xFFFFE000  }
0x3e: {  	_ =	swait.ge [sflag:s1], $0x2000  }
0x3f: {  	[sflag:s1] =	ssyncset.done $0x0  }
0x40: {  	[sflag:s1] =	ssyncadd.s32 $0xFFFFE000  }
0x41: {  	_ =	swait.ge [sflag:s1], $0x2000  }
0x42: {  	[sflag:s1] =	ssyncset.done $0x0  }
0x43: {  	[sflag:s1] =	ssyncadd.s32 $0xFFFFE000  }
0x44: {  	_ =	swait.ge [sflag:s1], $0x2000  }
0x45: {  	[sflag:s1] =	ssyncset.done $0x0  }
0x46: {  	[sflag:s1] =	ssyncadd.s32 $0xFFFFE000  }
0x47: {  	_ =	swait.ge [sflag:s1], $0x2000  }
0x48: {  	[sflag:s1] =	ssyncset.done $0x0  }
0x49: {  	[sflag:s1] =	ssyncadd.s32 $0xFFFFE000  }
0x4a: {  	_ =	swait.ge [sflag:s1], $0x2000  }
0x4b: {  	[sflag:s1] =	ssyncset.done $0x0  }
0x4c: {  	[sflag:s1] =	ssyncadd.s32 $0xFFFFE000  }
0x4d: {  	_ =	swait.ge [sflag:s1], $0x2000  }
0x4e: {  	[sflag:s1] =	ssyncset.done $0x0  }
0x4f: {  	[sflag:s1] =	ssyncadd.s32 $0xFFFFE000  }
0x50: {  	_ =	swait.ge [sflag:s1], $0x2000  }
0x51: {  	[sflag:s1] =	ssyncset.done $0x0  }
0x52: {  	s29 =	simm.s32 $0x0;
	s10 =	simm.s32 $0xC20;
	[sflag:s1] =	ssyncadd.s32 $0xFFFFE000  }
.LBB2_3:
0x53: {  	s9 =	sshll.u32 s29, $0x7;
	v1 =	vmov s24  }
0x54: {  	v0 =	vmov s9;
	v1 =	vand.u32 $0x7F, v1  }
0x55: {  	v1 =	vor.u32 v0, v1  }
0x56: {  	v1 =	vbroadcast v1, $0x0;
	_ =	sdelay $0x4  }
0x57: {  	v4 =	vld [tilespmem:s10+$0x10]  }
0x58: {  	v2 =	vld.idx.msk [tilespmem:v1+s16+$0x0], $0xffff;
	_ =	sdelay $0x1  }
0x59: {  	v3 =	vld [tilespmem:s10+$0xFFFFFFF0]  }
0x5a: {  	s26 =	simm.s32 $0x1;
	v6 =	vld [tilespmem:s10+$0x0]  }
0x5b: {  	v1 =	vmov s26  }
0x5c: {  	v1 =	vand.u32 $0x7F, v1;
	v5 =	vmul.f32 v4, v2;
	v4 =	vld [tilespmem:s10+$0xFFFFFFE0]  }
0x5d: {  	v1 =	vor.u32 v0, v1  }
0x5e: {  	v1 =	vbroadcast v1, $0x0  }
0x5f: {  	s31 =	smov.u32 s10;
	s9 =	simm.s32 $0x2;
	s26 =	smov.u32 s10;
	v3 =	vmul.f32 v3, v2;
	v6 =	vmul.f32 v6, v2  }
.LBB2_4:
0x60: {  	p0 =	sne.s32 s9, $0x7F  }
0x61: {  	v2 =	vmul.f32 v4, v2;
	[tilespmem:s26+$0x10] =	vst v5;
	s31 =	sadd.s32 $0x40, s31;
	s11 =	smov.u32 s9;
	s9 =	sadd.s32 $0x1, s9  }
0x62: {  	[tilespmem:s26+$0x0] =	vst v6  }
0x63: {  	[tilespmem:s26+$0xFFFFFFE0] =	vst v2  }
0x64: {  	v6 =	vld [tilespmem:s31+$0xFFFFFFF0];
	[tilespmem:s26+$0xFFFFFFF0] =	vst v3;
	s26 =	smov.u32 s31  }
0x65: {  	v2 =	vld.idx.msk [tilespmem:v1+s16+$0x0], $0xffff  }
0x66: {  	v3 =	vld [tilespmem:s31+$0x10]  }
0x67: {  	v7 =	vld [tilespmem:s31+$0x0]  }
.Ltmp0:
0x68: {  	v1 =	vmov s11;
	v4 =	vld [tilespmem:s31+$0xFFFFFFE0];
	(pc) =	sbr.rel @p0 .LBB2_4-.Ltmp0, $4  }
0x69: {  	v1 =	vand.u32 $0x7F, v1  }
0x6a: {  	v1 =	vor.u32 v0, v1  }
0x6b: {  	v1 =	vbroadcast v1, $0x0;
	v5 =	vmul.f32 v3, v2  }
0x6c: {  	v3 =	vmul.f32 v6, v2;
	v6 =	vmul.f32 v7, v2  }
0x6d: {  	v0 =	vmul.f32 v4, v2;
	[tilespmem:s26+$0x10] =	vst v5  }
0x6e: {  	[tilespmem:s26+$0x0] =	vst v6  }
0x6f: {  	s9 =	sadd.s32 $0x40, s31;
	[tilespmem:s26+$0xFFFFFFE0] =	vst v0  }
0x70: {  	v0 =	vld [tilespmem:s9+$0xFFFFFFF0];
	[tilespmem:s26+$0xFFFFFFF0] =	vst v3  }
0x71: {  	v1 =	vld.idx.msk [tilespmem:v1+s16+$0x0], $0xffff  }
0x72: {  	v62 =	vld [tilespmem:s9+$0x10]  }
0x73: {  	v3 =	vld [tilespmem:s9+$0x0]  }
0x74: {  	v63 =	vld [tilespmem:s9+$0xFFFFFFE0];
	_ =	sdelay $0x1  }
0x75: {  	s29 =	sadd.s32 $0x1, s29  }
0x76: {  	p0 =	sne.s32 s29, $0x8;
	v2 =	vmul.f32 v62, v1  }
.Ltmp1:
0x77: {  	v3 =	vmul.f32 v3, v1;
	(pc) =	sbr.rel @p0 .LBB2_3-.Ltmp1, $4  }
0x78: {  	v4 =	vmul.f32 v63, v1;
	[tilespmem:s9+$0x10] =	vst v2  }
0x79: {  	v0 =	vmul.f32 v0, v1;
	[tilespmem:s9+$0x0] =	vst v3  }
0x7a: {  	[tilespmem:s9+$0xFFFFFFE0] =	vst v4  }
0x7b: {  	s10 =	sadd.s32 $0x2000, s10;
	[tilespmem:s9+$0xFFFFFFF0] =	vst v0  }
0x7c: {  	[spmem:s2] =	stream.indirect.scatter.add.f32 [tilespmem:s18], [sflag:$0x2], $0x40, s15, s17, $0xb8;
	[tilespmem:$0x1AC00] =	vst v63  }
0x7d: {  	_ =	swait.ge [sflag:s14], $0x2000  }
0x7e: {  	[sflag:s14] =	ssyncset.done $0x0  }
0x7f: {  	s9 =	simm.s32 $0x480;
	[sflag:s14] =	ssyncadd.s32 $0xFFFFE000  }
0x80: {  	[spmem:s2] =	stream.indirect.scatter.add.f32 [tilespmem:s19], [sflag:$0x2], $0x40, s9, s17, $0xb8;
	[tilespmem:$0x1AC00] =	vst v63  }
0x81: {  	_ =	swait.ge [sflag:s14], $0x2000  }
0x82: {  	[sflag:s14] =	ssyncset.done $0x0  }
0x83: {  	s29 =	simm.s32 $0x500;
	[sflag:s14] =	ssyncadd.s32 $0xFFFFE000  }
0x84: {  	[spmem:s2] =	stream.indirect.scatter.add.f32 [tilespmem:s21], [sflag:$0x2], $0x40, s29, s17, $0xb8;
	[tilespmem:$0x1AC00] =	vst v63  }
0x85: {  	_ =	swait.ge [sflag:s14], $0x2000  }
0x86: {  	[sflag:s14] =	ssyncset.done $0x0  }
0x87: {  	s31 =	simm.s32 $0x580;
	[sflag:s14] =	ssyncadd.s32 $0xFFFFE000  }
0x88: {  	[spmem:s2] =	stream.indirect.scatter.add.f32 [tilespmem:s23], [sflag:$0x2], $0x40, s31, s17, $0xb8;
	[tilespmem:$0x1AC00] =	vst v63  }
0x89: {  	_ =	swait.ge [sflag:s14], $0x2000  }
0x8a: {  	[sflag:s14] =	ssyncset.done $0x0  }
0x8b: {  	[sflag:s14] =	ssyncadd.s32 $0xFFFFE000  }
0x8c: {  	[spmem:s2] =	stream.indirect.scatter.add.f32 [tilespmem:s25], [sflag:$0x2], $0x40, s12, s17, $0xb8;
	[tilespmem:$0x1AC00] =	vst v63  }
0x8d: {  	_ =	swait.ge [sflag:s14], $0x2000  }
0x8e: {  	[sflag:s14] =	ssyncset.done $0x0  }
0x8f: {  	[sflag:s14] =	ssyncadd.s32 $0xFFFFE000  }
0x90: {  	[spmem:s2] =	stream.indirect.scatter.add.f32 [tilespmem:s28], [sflag:$0x2], $0x40, s13, s17, $0xb8;
	[tilespmem:$0x1AC00] =	vst v63  }
0x91: {  	_ =	swait.ge [sflag:s14], $0x2000  }
0x92: {  	[sflag:s14] =	ssyncset.done $0x0  }
0x93: {  	[sflag:s14] =	ssyncadd.s32 $0xFFFFE000  }
0x94: {  	[spmem:s2] =	stream.indirect.scatter.add.f32 [tilespmem:s30], [sflag:$0x2], $0x40, s3, s17, $0xb8;
	[tilespmem:$0x1AC00] =	vst v63  }
0x95: {  	s22 =	sadd.s32 $0x1, s22;
	_ =	swait.ge [sflag:s14], $0x2000  }
0x96: {  	p0 =	sne.s32 s22, $0xA;
	[sflag:s14] =	ssyncset.done $0x0  }
.Ltmp2:
0x97: {  	[sflag:s14] =	ssyncadd.s32 $0xFFFFE000;
	(pc) =	sbr.rel @p0 .LBB2_2-.Ltmp2, $4  }
0x98: {  	[spmem:s2] =	stream.indirect.scatter.add.f32 [tilespmem:s0], [sflag:$0x2], $0x40, s20, s17, $0xb8;
	[tilespmem:$0x1AC00] =	vst v63  }
0x99: {  	_ =	swait.ge [sflag:s14], $0x2000  }
0x9a: {  	[sflag:s14] =	ssyncset.done $0x0  }
0x9b: {  	[sflag:s14] =	ssyncadd.s32 $0xFFFFE000  }
0x9c: {  	[bflag:$0x0] =	sbarrier.arrive $0xFFFF  }
0x9d: {  	s9 =	rddreg [dreg:$0x4]  }
0x9e: {  	s10 =	rddreg [dreg:$0x7]  }
0x9f: {  	s11 =	rddreg [dreg:$0x8]  }
0xa0: {  	[hbm:s9], [sflag:s10] =	dma.local [spmem:s11], $0x1400  }
0xa1: {  	_ =	swait.ge [sflag:s14], $0x1400  }
0xa2: {  	s22 =	rddreg [dreg:$0x3]  }
0xa3: {  	s31 =	rddreg [dreg:$0x5];
	s22 =	sadd.s32 $0x1, s22  }
0xa4: {  	p0 =	sne.s32 s22, s31  }
.Ltmp3:
0xa5: {  	_ = 	snop;
	(pc) =	sbr.rel @p0 .LBB2_1-.Ltmp3, $3  }
0xa6: {  	_ =	sdelay $0x1  }
0xa7: {  	[sflag:s14] =	ssyncset.done $0x0  }
0xa8: {  	[sflag:s14] =	ssyncadd.s32 $0xFFFFEC00  }
0xa9: {  	_ =	sfence.sel $0x180000  }
0xaa: {  	[bflag:$0x0] =	sbarrier.arrive $0xFFFF  }
0xab: {  	_ =	strace $0x9000004A  }
0xac: {  	s0 =	stileid.u32;
	[bflag:$0x2] =	sbarrier.arrive $0xFFFF  }
0xad: {  	p0 =	sne.s32 s0, $0x0;
	s0 =	rddreg [dreg:$0x2]  }
0xae: {  	s0 =	sadd.s32 @!p0 $0x100000, s0  }
0xaf: {  	[sflag:s0] =	ssyncadd.tile.s32 @!p0 $0x1;
	_ =	shalt  }
.Lfunc_end2:
_tile_overlayer_lowered:
.L_overlay_start_2:
0xb0: {  	(tag) =	ssettag $0x2  }
0xb1: {  	s0 =	rddreg [dreg:$0x0];
	s2 =	stileid.u32  }
0xb2: {  	s1 =	rddreg [dreg:$0x1];
	p0 =	sne.s32 s2, $0x0  }
0xb3: {  	s3 =	rddreg [dreg:$0x2];
	[bflag:$0x3] =	sbarrier.arrive $0xFFFF;
	s2 =	simm.s32 @!p0 $0x1C02  }
0xb4: {  	[timem:s3], [sflag:s2] =	dma.local @!p0 [hbm:s0], s1  }
0xb5: {  	s0 =	simm.s32 @!p0 $0x2  }
0xb6: {  	_ =	swait.ge @!p0 [sflag:s0], s1  }
0xb7: {  	s1 =	ssub.s32 @!p0 $0x0, s1;
	[sflag:s0] =	ssyncset.done @!p0 $0x0  }
0xb8: {  	[sflag:s0] =	ssyncadd.s32 @!p0 s1  }
0xb9: {  	[bflag:$0x3] =	sbarrier.arrive $0xFFFF  }
0xba: {  	_ =	shalt  }

// kernel: kernel.15.cloned.1.call-start
scs
__scs_entry_jumppad:
0x0: {  	(pc) =	sbr.rel $0x88, $3  }
0x1: {  	(tag) =	ssettag $0x0;
	lr =	simm.s32 $0x1  }
0x2: {  	[smem:$0x3F9A] =	sst lr;
	_ =	strace $0xD0000000  }
0x3: {  	_ = 	snop  }
0x4: {  	_ = 	snop  }
0x5: {  	_ = 	snop  }
0x6: {  	_ = 	snop  }
0x7: {  	_ = 	snop  }
__scs_overlays_trampoline_lowered:
0x8: {  	[smem:$0x3FA9] =	sst s0  }
0x9: {  	[smem:$0x3FAA] =	sst s1  }
0xa: {  	[smem:$0x3FAB] =	sst s2  }
0xb: {  	[smem:$0x3FAC] =	sst s3  }
0xc: {  	[smem:$0x3FAD] =	sst s4  }
0xd: {  	[smem:$0x3FAE] =	sst s5  }
0xe: {  	[smem:$0x3FAF] =	sst s6  }
0xf: {  	[smem:$0x3FB0] =	sst s7  }
0x10: {  	[smem:$0x3FB1] =	sst s8  }
0x11: {  	[smem:$0x3FB2] =	sst s9;
	s0 =	simm.s32 @!p0 $0x0  }
0x12: {  	s1 =	sld [smem:$0x3F98];
	s0 =	simm.s32 @p0 $0x1  }
0x13: {  	[smem:$0x3FB3] =	sst s0;
	s0 =	simm.s32 @!p1 $0x0  }
0x14: {  	s2 =	sld [smem:$0x3F97];
	s0 =	simm.s32 @p1 $0x1  }
0x15: {  	[smem:$0x3FB4] =	sst s0;
	s0 =	simm.s32 @!p2 $0x0  }
0x16: {  	s3 =	sld [smem:$0x3FDB];
	s0 =	simm.s32 @p2 $0x1  }
0x17: {  	s4 =	simm.s32 $0x1BF5;
	[smem:$0x3FB6] =	sst s0  }
0x18: {  	s0 =	sld [smem:$0x3F99];
	_ =	swait.ge [sflag:s4], $0x0  }
0x19: {  	s7 =	sld [smem:$0x3F9A]  }
0x1a: {  	s8 =	sadd.s32 $0xFFFFE003, lr  }
0x1b: {  	s9 =	sadd.s32 $0xFFFFFEF7, lr;
	s5 =	simm.s32 $0xFFFFFFFF;
	p2 =	slt.u32 s8, $0xFFFFF086  }
0x1c: {  	p1 =	slt.u32 s9, $0xF7A;
	s5 =	simm.s32 @!p2 $0x0  }
0x1d: {  	s5 =	simm.s32 @p1 $0x1;
	p0 =	seq.s32 s7, s2  }
0x1e: {  	s7 =	smul.u32 @!p0 $0xF7A, s2;
	p2 =	seq.s32 @!p0 s5, $0x0  }
0x1f: {  	s9 =	smul.u32 $0xF7A, s1;
	s8 =	simm.s32 @!p0 $0x1BF5;
	p2 =	por !p2, p0  }
0x20: {  	[sflag:s8] =	ssyncset.s32 @!p0 $0xFFFFF086;
	s6 =	sadd.s32 @!p0 s3, s7;
	s7 =	simm.s32 @!p0 $0x108  }
0x21: {  	s3 =	sadd.s32 s3, s9;
	s6 =	sadd.s32 @!p0 $0x88, s6;
	s7 =	simm.s32 @p2 $0x1082  }
0x22: {  	[simem:s7], [sflag:s8] =	dma.local @!p0 [hbm:s6], $0xF7A  }
0x23: {  	s9 =	sor.u32 $0xD0000000, s2;
	s6 =	simm.s32 $0x108;
	_ =	swait.ge @!p0 [sflag:s8], $0x0  }
0x24: {  	s3 =	sadd.s32 $0x88, s3;
	s6 =	simm.s32 @!p1 $0x1082;
	[sflag:s4] =	ssyncset.s32 $0xFFFFF086  }
0x25: {  	[simem:s6], [sflag:s4] =	dma.local [hbm:s3], $0xF7A  }
0x26: {  	[smem:$0x3F9A] =	sst s1;
	(tag) =	ssettag s2;
	_ =	strace s9  }
0x27: {  	s1 =	sld [smem:$0x3FAA]  }
0x28: {  	s2 =	sld [smem:$0x3FAB]  }
0x29: {  	s4 =	sld [smem:$0x3FAD]  }
0x2a: {  	p0 =	seq.s32 s5, $0x0;
	s5 =	sld [smem:$0x3FAE]  }
0x2b: {  	s6 =	sld [smem:$0x3FAF]  }
0x2c: {  	s7 =	sld [smem:$0x3FB0]  }
0x2d: {  	s3 =	simm.s32 $0x108;
	s8 =	sld [smem:$0x3FB1]  }
0x2e: {  	s3 =	simm.s32 @!p0 $0x1082;
	s9 =	sld [smem:$0x3FB2]  }
0x2f: {  	lr =	sadd.s32 s0, s3;
	s0 =	sld [smem:$0x3FA9]  }
0x30: {  	s3 =	sld [smem:$0x3FAC]  }
0x31: {  	[smem:$0x3FB5] =	sst s10  }
0x32: {  	s10 =	sld [smem:$0x3FB3];
	_ =	sdelay $0x3  }
0x33: {  	p0 =	seq.s32 s10, $0x1;
	s10 =	sld [smem:$0x3FB5];
	_ =	sdelay $0x3  }
0x34: {  	[smem:$0x3FB5] =	sst s10  }
0x35: {  	s10 =	sld [smem:$0x3FB4];
	_ =	sdelay $0x3  }
0x36: {  	p1 =	seq.s32 s10, $0x1;
	s10 =	sld [smem:$0x3FB5];
	_ =	sdelay $0x3  }
0x37: {  	[smem:$0x3FB5] =	sst s10  }
0x38: {  	s10 =	sld [smem:$0x3FB6]  }
0x39: {  	_ = 	snop;
	(pc) =	sbr.ind lr, $3  }
0x3a: {  	_ = 	snop  }
0x3b: {  	_ = 	snop  }
0x3c: {  	p2 =	seq.s32 s10, $0x1;
	s10 =	sld [smem:$0x3FB5]  }
0x3d: {  	_ =	shalt  }
0x3e: {  	_ =	shalt  }
0x3f: {  	_ =	shalt  }
0x40: {  	_ =	shalt  }
0x41: {  	_ =	shalt  }
0x42: {  	_ =	shalt  }
0x43: {  	_ =	shalt  }
0x44: {  	_ =	shalt  }
0x45: {  	_ =	shalt  }
0x46: {  	_ =	shalt  }
0x47: {  	_ =	shalt  }
0x48: {  	_ =	shalt  }
0x49: {  	_ =	shalt  }
0x4a: {  	_ =	shalt  }
0x4b: {  	_ =	shalt  }
0x4c: {  	_ =	shalt  }
0x4d: {  	_ =	shalt  }
0x4e: {  	_ =	shalt  }
0x4f: {  	_ =	shalt  }
0x50: {  	_ =	shalt  }
0x51: {  	_ =	shalt  }
0x52: {  	_ =	shalt  }
0x53: {  	_ =	shalt  }
0x54: {  	_ =	shalt  }
0x55: {  	_ =	shalt  }
0x56: {  	_ =	shalt  }
0x57: {  	_ =	shalt  }
0x58: {  	_ =	shalt  }
0x59: {  	_ =	shalt  }
0x5a: {  	_ =	shalt  }
0x5b: {  	_ =	shalt  }
0x5c: {  	_ =	shalt  }
0x5d: {  	_ =	shalt  }
0x5e: {  	_ =	shalt  }
0x5f: {  	_ =	shalt  }
0x60: {  	_ =	shalt  }
0x61: {  	_ =	shalt  }
0x62: {  	_ =	shalt  }
0x63: {  	_ =	shalt  }
0x64: {  	_ =	shalt  }
0x65: {  	_ =	shalt  }
0x66: {  	_ =	shalt  }
0x67: {  	_ =	shalt  }
0x68: {  	_ =	shalt  }
0x69: {  	_ =	shalt  }
0x6a: {  	_ =	shalt  }
0x6b: {  	_ =	shalt  }
0x6c: {  	_ =	shalt  }
0x6d: {  	_ =	shalt  }
0x6e: {  	_ =	shalt  }
0x6f: {  	_ =	shalt  }
0x70: {  	_ =	shalt  }
0x71: {  	_ =	shalt  }
0x72: {  	_ =	shalt  }
0x73: {  	_ =	shalt  }
0x74: {  	_ =	shalt  }
0x75: {  	_ =	shalt  }
0x76: {  	_ =	shalt  }
0x77: {  	_ =	shalt  }
0x78: {  	_ =	shalt  }
0x79: {  	_ =	shalt  }
0x7a: {  	_ =	shalt  }
0x7b: {  	_ =	shalt  }
0x7c: {  	_ =	shalt  }
0x7d: {  	_ =	shalt  }
0x7e: {  	_ =	shalt  }
0x7f: {  	_ =	shalt  }
0x80: {  	_ =	shalt  }
0x81: {  	_ =	shalt  }
0x82: {  	_ =	shalt  }
0x83: {  	_ =	shalt  }
0x84: {  	_ =	shalt  }
0x85: {  	_ =	shalt  }
0x86: {  	_ =	shalt  }
0x87: {  	_ =	shalt  }
.Lfunc_end0:
.L_simem_size_0:
called_computation.2_lowered:
.L_overlay_start_0:
0x88: {  	s2 =	sld [smem:$0x3FD9]  }
0x89: {  	s3 =	sld [smem:$0x3FFE];
	_ =	sdelay $0x1  }
0x8a: {  	s1 =	srdreg.scid  }
0x8b: {  	s0 =	sand.u32 $0x1, s1  }
0x8c: {  	s16 =	sshll.u32 s0, $0xA;
	s2 =	sadd.s32 s3, s2  }
0x8d: {  	s2 =	sadd.s32 s2, s16  }
0x8e: {  	[smem:$0x3FC1] =	sst s2  }
0x8f: {  	_ = 	snop  }
0x90: {  	(tm) =	ssettm $0x1  }
0x91: {  	s17 =	sld [smem:$0x3FFB];
	_ =	sdelay $0x3  }
0x92: {  	_ =	strace s17  }
0x93: {  	s2 =	sld [smem:$0x3FFC];
	_ =	sdelay $0x3  }
0x94: {  	_ =	strace s2  }
0x95: {  	s2 =	sld [smem:$0x3FFD];
	_ =	sdelay $0x3  }
0x96: {  	_ =	strace s2  }
0x97: {  	_ =	strace $0x8FFFFFFF  }
0x98: {  	s18 =	sld [smem:$0x3FDB];
	_ =	sdelay $0x1  }
0x99: {  	s19 =	simm.s32 $_scs_section_size  }
0x9a: {  	s4 =	simm.s32 $_size__tile_overlayer_lowered;
	s5 =	simm.s32 $_tile_overlayer_lowered  }
0x9b: {  	s22 =	simm.s32 $0x1BFF;
	s21 =	sshll.u32 s5, $0x1;
	s2 =	sadd.s32 s19, s18  }
0x9c: {  	s6 =	simm.s32 $0x0;
	s20 =	sshll.u32 s4, $0x1;
	s4 =	sadd.s32 s21, s2  }
0x9d: {  	[timem:s6], [sflag:s22] =	dma.local [hbm:s4], s20  }
0x9e: {  	_ =	swait.ge [sflag:s22], s20  }
0x9f: {  	s3 =	ssub.s32 $0x0, s20;
	[sflag:s22] =	ssyncset.done $0x0  }
0xa0: {  	[sflag:s22] =	ssyncadd.s32 s3;
	_ =	sdelay $0x1  }
0xa1: {  	s23 =	simm.s32 $0x1B8B  }
0xa2: {  	_ =	swait.ge [sflag:s23], $0x1  }
0xa3: {  	[sflag:s23] =	ssyncset.done $0x0  }
0xa4: {  	s25 =	simm.s32 $0x1B8E;
	s24 =	sld [smem:$0x3FFE];
	[sflag:s23] =	ssyncadd.s32 $0xFFFFFFFF  }
0xa5: {  	s26 =	simm.s32 $execute0_lowered;
	[smem:$0x3FD2] =	sst s25  }
0xa6: {  	s4 =	sshll.u32 s26, $0x1;
	_ =	strace $0x8000004C;
	[dreg:$0x1] =	wrdreg $0xFFFFFFFF  }
0xa7: {  	s28 =	simm.s32 $_size_execute0_lowered;
	s2 =	sadd.s32 s2, s4;
	[dreg:$0x0] =	wrdreg $0x0  }
0xa8: {  	s4 =	sshll.u32 s28, $0x1;
	[dreg:$0x2] =	wrdreg s2  }
0xa9: {  	[dreg:$0x3] =	wrdreg s4  }
0xaa: {  	[dreg:$0x4] =	wrdreg $0xC0  }
0xab: {  	_ =	task [dreg:s6], $0x5FFFF  }
0xac: {  	[dreg:$0x1] =	wrdreg $0xFFFFFFFF  }
0xad: {  	[dreg:$0x0] =	wrdreg $0x60  }
0xae: {  	[dreg:$0x2] =	wrdreg s24  }
0xaf: {  	[dreg:$0x3] =	wrdreg $0x4C000  }
0xb0: {  	[dreg:$0x4] =	wrdreg $0x9  }
0xb1: {  	_ =	task.clear_ibuf [dreg:s6], $0x5FFFF;
	_ =	strace $0x9000004C  }
0xb2: {  	s29 =	simm.s32 $0x9;
	_ =	strace $0x8000004E  }
0xb3: {  	_ =	swait.ge [sflag:s29], $0x1  }
0xb4: {  	[sflag:s29] =	ssyncadd.s32 $0xFFFFFFFF  }
0xb5: {  	_ =	strace $0x9000004E  }
0xb6: {  	_ =	sfence  }
0xb7: {  	s30 =	sld [smem:$0x0];
	_ =	sdelay $0x2  }
0xb8: {  	s31 =	sshll.u32 s1, $0xD;
	s1 =	sshrl.u32 s1, $0x2  }
0xb9: {  	s3 =	sand.u32 $0x4000, s31;
	s1 =	sadd.s32 s1, s30  }
0xba: {  	s0 =	sor.u32 s3, s0;
	s1 =	sshll.u32 s1, $0x11  }
0xbb: {  	s0 =	sor.u32 s1, s0  }
0xbc: {  	s0 =	sadd.s32 $0x8F2B, s0  }
0xbd: {  	[sflag:s0] =	ssyncadd.remote.s32 $0x1  }
0xbe: {  	_ =	sfence.sel $0xFFFF  }
0xbf: {  	[dreg:$0x0] =	wrdreg $0xFFFFFFFF;
	(pc) =	sbr.abs _section_cstart, $3  }
0xc0: {  	[dreg:$0x1] =	wrdreg $0xFFFFFFFF  }
0xc1: {  	_ =	task.clear_ibuf [dreg:s6], $0x2FFFF;
	_ =	strace $0x9FFFFFFF  }
0xc2: {  	(tm) =	ssettm $0x7FFFFFFF  }
0xc3: {  	_ =	shalt  }
tec
execute0_lowered:
.L_overlay_start_1:
0x0: {  	(tag) =	ssettag $0x1  }
0x1: {  	s0 =	rddreg [dreg:$0x0]  }
0x2: {  	s2 =	rddreg [dreg:$0x1]  }
0x3: {  	s1 =	srdreg.scid;
	s12 =	stileid.u32  }
0x4: {  	s21 =	simm.s32 $0x0;
	s14 =	simm.s32 $0x2;
	s15 =	simm.s32 $0x400  }
0x5: {  	s16 =	simm.s32 $0x800;
	s17 =	simm.s32 $0x80;
	s18 =	simm.s32 $0x1400  }
0x6: {  	s20 =	simm.s32 $0x1C00;
	s22 =	simm.s32 $0x2400;
	s24 =	simm.s32 $0x2C00  }
0x7: {  	s29 =	simm.s32 $0x3C00;
	s31 =	simm.s32 $0x4400;
	s13 =	simm.s32 $0x680  }
0x8: {  	s19 =	simm.s32 $0x780;
	s1 =	sand.u32 $0x1, s1;
	s3 =	smul.u32 $0x2800, s12  }
0x9: {  	[smem:$0x7FF] =	sst s21;
	s4 =	sadd.s32 $0x2000, s0;
	s9 =	sadd.s32 $0x7000, s0  }
0xa: {  	s5 =	sadd.s32 $0x16000, s0;
	s6 =	sadd.s32 $0x20000, s0;
	s30 =	sshll.u32 s12, $0x6  }
0xb: {  	s7 =	smul.u32 $0x28000, s1;
	_ =	strace $0x8000004D;
	s10 =	ssub.s32 $0x2, s1  }
0xc: {  	s11 =	sshll.u32 s1, $0x4;
	p0 =	seq.s32 s1, $0x0;
	s23 =	sor.u32 $0x1C02, s30  }
0xd: {  	s25 =	sshrl.u32 s10, $0x1;
	s26 =	sor.u32 s12, s11;
	s28 =	sadd.s32 s3, s2  }
0xe: {  	s9 =	smov.u32 @p0 s4;
	s11 =	simm.s32 $0x580;
	s12 =	simm.s32 $0x600  }
0xf: {  	[dreg:$0x7] =	wrdreg s23;
	s8 =	sadd.s32 s3, s7;
	s7 =	sadd.s32 $0xC000, s0  }
0x10: {  	s10 =	ssub.s32 s10, s25;
	s3 =	sshrl.u32 s3, $0x3;
	s25 =	sshrl.u32 s28, $0x3  }
0x11: {  	s8 =	sshrl.u32 s8, $0x3;
	s10 =	smax.u32 s10, $0x1;
	[dreg:$0x8] =	wrdreg s25  }
0x12: {  	s3 =	sadd.s32 s9, s3;
	s9 =	simm.s32 $0x480;
	[dreg:$0x5] =	wrdreg s10  }
0x13: {  	s0 =	sadd.s32 s8, s0;
	s8 =	smul.u32 $0x2800, s26;
	[dreg:$0x6] =	wrdreg s3  }
0x14: {  	s26 =	simm.s32 $0x3400;
	s10 =	simm.s32 $0x500;
	s0 =	sadd.s32 $0x2A000, s0  }
0x15: {  	s3 =	simm.s32 $0x700;
	[dreg:$0x4] =	wrdreg s0;
	s0 =	simm.s32 $0x1  }
.LBB2_1:
0x16: {  	[dreg:$0x3] =	wrdreg s21  }
0x17: {  	s1 =	rddreg [dreg:$0x6]  }
0x18: {  	[spmem:s25], [sflag:s23] =	dma.local [hbm:s1], $0x500  }
0x19: {  	_ =	swait.ge [sflag:s14], $0x500  }
0x1a: {  	[sflag:s14] =	ssyncset.done $0x0  }
0x1b: {  	[sflag:s14] =	ssyncadd.s32 $0xFFFFFB00  }
0x1c: {  	s21 =	simm.s32 $0x0;
	[bflag:$0x0] =	sbarrier.arrive $0xFFFF  }
.LBB2_2:
0x1d: {  	s1 =	sshll.u32 s21, $0xA  }
0x1e: {  	s1 =	sadd.s32 s8, s1  }
0x1f: {  	s1 =	sshrl.u32 s1, $0x3  }
0x20: {  	s23 =	simm.s32 $0x0;
	s25 =	sadd.s32 s5, s1  }
0x21: {  	[tilespmem:s23], [sflag:$0x2] =	stream.linear.gather [hbm4b:s25+s23], $0x400, $0x38;
	[tilespmem:$0x7400] =	vst v63  }
0x22: {  	_ =	swait.ge [sflag:s14], $0x400  }
0x23: {  	[sflag:s14] =	ssyncset.done $0x0  }
0x24: {  	s25 =	sadd.s32 s6, s1;
	[sflag:s14] =	ssyncadd.s32 $0xFFFFFC00  }
0x25: {  	[tilespmem:s15], [sflag:$0x2] =	stream.linear.gather [hbm4b:s25+s23], $0x400, $0x38;
	[tilespmem:$0x7400] =	vst v63  }
0x26: {  	_ =	swait.ge [sflag:s14], $0x400  }
0x27: {  	[sflag:s14] =	ssyncset.done $0x0  }
0x28: {  	s1 =	sadd.s32 s7, s1;
	[sflag:s14] =	ssyncadd.s32 $0xFFFFFC00  }
0x29: {  	[tilespmem:s16], [sflag:$0x2] =	stream.linear.gather [hbm4b:s1+s23], $0x400, $0x38;
	[tilespmem:$0x7400] =	vst v63  }
0x2a: {  	_ =	swait.ge [sflag:s14], $0x400  }
0x2b: {  	[sflag:s14] =	ssyncset.done $0x0  }
0x2c: {  	s30 =	simm.s32 $0xC00;
	[sflag:s14] =	ssyncadd.s32 $0xFFFFFC00  }
0x2d: {  	[tilespmem:s30], [sflag:$0x1] =	stream.indirect.gather [hbm4b:s4+s17], $0x10, s23, s17, $0xb8;
	[tilespmem:$0x7400] =	vst v63  }
0x2e: {  	_ = 	snop  }
0x2f: {  	[tilespmem:s18], [sflag:$0x1] =	stream.indirect.gather [hbm4b:s4+s17], $0x10, s17, s17, $0xb8;
	[tilespmem:$0x7400] =	vst v63  }
0x30: {  	s25 =	simm.s32 $0x100  }
0x31: {  	[tilespmem:s20], [sflag:$0x1] =	stream.indirect.gather [hbm4b:s4+s17], $0x10, s25, s17, $0xb8;
	[tilespmem:$0x7400] =	vst v63  }
0x32: {  	s25 =	simm.s32 $0x180  }
0x33: {  	[tilespmem:s22], [sflag:$0x1] =	stream.indirect.gather [hbm4b:s4+s17], $0x10, s25, s17, $0xb8;
	[tilespmem:$0x7400] =	vst v63  }
0x34: {  	s25 =	simm.s32 $0x200  }
0x35: {  	[tilespmem:s24], [sflag:$0x1] =	stream.indirect.gather [hbm4b:s4+s17], $0x10, s25, s17, $0xb8;
	[tilespmem:$0x7400] =	vst v63  }
0x36: {  	s25 =	simm.s32 $0x280  }
0x37: {  	[tilespmem:s26], [sflag:$0x1] =	stream.indirect.gather [hbm4b:s4+s17], $0x10, s25, s17, $0xb8;
	[tilespmem:$0x7400] =	vst v63  }
0x38: {  	s25 =	simm.s32 $0x300  }
0x39: {  	[tilespmem:s29], [sflag:$0x1] =	stream.indirect.gather [hbm4b:s4+s17], $0x10, s25, s17, $0xb8;
	[tilespmem:$0x7400] =	vst v63  }
0x3a: {  	s25 =	simm.s32 $0x380  }
0x3b: {  	[tilespmem:s31], [sflag:$0x1] =	stream.indirect.gather [hbm4b:s4+s17], $0x10, s25, s17, $0xb8;
	[tilespmem:$0x7400] =	vst v63  }
0x3c: {  	_ =	swait.ge [sflag:s0], $0x800  }
0x3d: {  	[sflag:s0] =	ssyncset.done $0x0  }
0x3e: {  	[sflag:s0] =	ssyncadd.s32 $0xFFFFF800  }
0x3f: {  	_ =	swait.ge [sflag:s0], $0x800  }
0x40: {  	[sflag:s0] =	ssyncset.done $0x0  }
0x41: {  	[sflag:s0] =	ssyncadd.s32 $0xFFFFF800  }
0x42: {  	_ =	swait.ge [sflag:s0], $0x800  }
0x43: {  	[sflag:s0] =	ssyncset.done $0x0  }
0x44: {  	[sflag:s0] =	ssyncadd.s32 $0xFFFFF800  }
0x45: {  	_ =	swait.ge [sflag:s0], $0x800  }
0x46: {  	[sflag:s0] =	ssyncset.done $0x0  }
0x47: {  	[sflag:s0] =	ssyncadd.s32 $0xFFFFF800  }
0x48: {  	_ =	swait.ge [sflag:s0], $0x800  }
0x49: {  	[sflag:s0] =	ssyncset.done $0x0  }
0x4a: {  	[sflag:s0] =	ssyncadd.s32 $0xFFFFF800  }
0x4b: {  	_ =	swait.ge [sflag:s0], $0x800  }
0x4c: {  	[sflag:s0] =	ssyncset.done $0x0  }
0x4d: {  	[sflag:s0] =	ssyncadd.s32 $0xFFFFF800  }
0x4e: {  	_ =	swait.ge [sflag:s0], $0x800  }
0x4f: {  	[sflag:s0] =	ssyncset.done $0x0  }
0x50: {  	[sflag:s0] =	ssyncadd.s32 $0xFFFFF800  }
0x51: {  	_ =	swait.ge [sflag:s0], $0x800  }
0x52: {  	[sflag:s0] =	ssyncset.done $0x0  }
0x53: {  	s28 =	simm.s32 $0x0;
	[sflag:s0] =	ssyncadd.s32 $0xFFFFF800  }
.LBB2_3:
0x54: {  	s1 =	sshll.u32 s28, $0x7;
	v1 =	vmov s23  }
0x55: {  	v0 =	vmov s1;
	v1 =	vand.u32 $0x7F, v1  }
0x56: {  	v1 =	vor.u32 v0, v1  }
0x57: {  	v1 =	vbroadcast v1, $0x0;
	_ =	sdelay $0x4  }
0x58: {  	s25 =	simm.s32 $0x1  }
0x59: {  	v2 =	vmov s25;
	s1 =	simm.s32 $0x2;
	s25 =	smov.u32 s30;
	v1 =	vld.idx.msk [tilespmem:v1+s16+$0x0], $0xffff  }
.LBB2_4:
0x5a: {  	p0 =	sne.s32 s1, $0x7F;
	v2 =	vand.u32 $0x7F, v2;
	v3 =	vld [tilespmem:s25+$0x0]  }
0x5b: {  	v2 =	vor.u32 v0, v2  }
0x5c: {  	v4 =	vbroadcast v2, $0x0;
	_ =	sdelay $0x1  }
.Ltmp0:
0x5d: {  	(pc) =	sbr.rel @p0 .LBB2_4-.Ltmp0, $3  }
0x5e: {  	v1 =	vmul.f32 v3, v1;
	_ =	sdelay $0x1  }
0x5f: {  	[tilespmem:s25+$0x0] =	vst v1  }
0x60: {  	v2 =	vmov s1;
	s1 =	sadd.s32 $0x1, s1;
	s25 =	sadd.s32 $0x10, s25;
	v1 =	vld.idx.msk [tilespmem:v4+s16+$0x0], $0xffff  }
0x61: {  	v2 =	vand.u32 $0x7F, v2;
	v3 =	vld [tilespmem:s25+$0x0]  }
0x62: {  	v0 =	vor.u32 v0, v2  }
0x63: {  	v0 =	vbroadcast v0, $0x0;
	_ =	sdelay $0x2  }
0x64: {  	v1 =	vmul.f32 v3, v1;
	_ =	sdelay $0x1  }
0x65: {  	[tilespmem:s25+$0x0] =	vst v1  }
0x66: {  	s1 =	sadd.s32 $0x10, s25;
	v0 =	vld.idx.msk [tilespmem:v0+s16+$0x0], $0xffff  }
0x67: {  	v1 =	vld [tilespmem:s1+$0x0]  }
0x68: {  	s28 =	sadd.s32 $0x1, s28  }
0x69: {  	p0 =	sne.s32 s28, $0x8  }
.Ltmp1:
0x6a: {  	_ = 	snop;
	(pc) =	sbr.rel @p0 .LBB2_3-.Ltmp1, $3  }
0x6b: {  	_ = 	snop  }
0x6c: {  	v0 =	vmul.f32 v1, v0;
	_ =	sdelay $0x1  }
0x6d: {  	s30 =	sadd.s32 $0x800, s30;
	[tilespmem:s1+$0x0] =	vst v0  }
0x6e: {  	s1 =	simm.s32 $0xC00  }
0x6f: {  	[spmem:s2] =	stream.indirect.scatter.add.f32 [tilespmem:s1], [sflag:$0x2], $0x10, s15, s17, $0xb8;
	[tilespmem:$0x7400] =	vst v63  }
0x70: {  	_ =	swait.ge [sflag:s14], $0x800  }
0x71: {  	[sflag:s14] =	ssyncset.done $0x0  }
0x72: {  	[sflag:s14] =	ssyncadd.s32 $0xFFFFF800  }
0x73: {  	[spmem:s2] =	stream.indirect.scatter.add.f32 [tilespmem:s18], [sflag:$0x2], $0x10, s9, s17, $0xb8;
	[tilespmem:$0x7400] =	vst v63  }
0x74: {  	_ =	swait.ge [sflag:s14], $0x800  }
0x75: {  	[sflag:s14] =	ssyncset.done $0x0  }
0x76: {  	[sflag:s14] =	ssyncadd.s32 $0xFFFFF800  }
0x77: {  	[spmem:s2] =	stream.indirect.scatter.add.f32 [tilespmem:s20], [sflag:$0x2], $0x10, s10, s17, $0xb8;
	[tilespmem:$0x7400] =	vst v63  }
0x78: {  	_ =	swait.ge [sflag:s14], $0x800  }
0x79: {  	[sflag:s14] =	ssyncset.done $0x0  }
0x7a: {  	[sflag:s14] =	ssyncadd.s32 $0xFFFFF800  }
0x7b: {  	[spmem:s2] =	stream.indirect.scatter.add.f32 [tilespmem:s22], [sflag:$0x2], $0x10, s11, s17, $0xb8;
	[tilespmem:$0x7400] =	vst v63  }
0x7c: {  	_ =	swait.ge [sflag:s14], $0x800  }
0x7d: {  	[sflag:s14] =	ssyncset.done $0x0  }
0x7e: {  	[sflag:s14] =	ssyncadd.s32 $0xFFFFF800  }
0x7f: {  	[spmem:s2] =	stream.indirect.scatter.add.f32 [tilespmem:s24], [sflag:$0x2], $0x10, s12, s17, $0xb8;
	[tilespmem:$0x7400] =	vst v63  }
0x80: {  	_ =	swait.ge [sflag:s14], $0x800  }
0x81: {  	[sflag:s14] =	ssyncset.done $0x0  }
0x82: {  	[sflag:s14] =	ssyncadd.s32 $0xFFFFF800  }
0x83: {  	[spmem:s2] =	stream.indirect.scatter.add.f32 [tilespmem:s26], [sflag:$0x2], $0x10, s13, s17, $0xb8;
	[tilespmem:$0x7400] =	vst v63  }
0x84: {  	_ =	swait.ge [sflag:s14], $0x800  }
0x85: {  	[sflag:s14] =	ssyncset.done $0x0  }
0x86: {  	[sflag:s14] =	ssyncadd.s32 $0xFFFFF800  }
0x87: {  	[spmem:s2] =	stream.indirect.scatter.add.f32 [tilespmem:s29], [sflag:$0x2], $0x10, s3, s17, $0xb8;
	[tilespmem:$0x7400] =	vst v63  }
0x88: {  	s21 =	sadd.s32 $0x1, s21;
	_ =	swait.ge [sflag:s14], $0x800  }
0x89: {  	p0 =	sne.s32 s21, $0xA;
	[sflag:s14] =	ssyncset.done $0x0  }
.Ltmp2:
0x8a: {  	[sflag:s14] =	ssyncadd.s32 $0xFFFFF800;
	(pc) =	sbr.rel @p0 .LBB2_2-.Ltmp2, $4  }
0x8b: {  	[spmem:s2] =	stream.indirect.scatter.add.f32 [tilespmem:s31], [sflag:$0x2], $0x10, s19, s17, $0xb8;
	[tilespmem:$0x7400] =	vst v63  }
0x8c: {  	_ =	swait.ge [sflag:s14], $0x800  }
0x8d: {  	[sflag:s14] =	ssyncset.done $0x0  }
0x8e: {  	[sflag:s14] =	ssyncadd.s32 $0xFFFFF800  }
0x8f: {  	[bflag:$0x0] =	sbarrier.arrive $0xFFFF  }
0x90: {  	s1 =	rddreg [dreg:$0x4]  }
0x91: {  	s23 =	rddreg [dreg:$0x7]  }
0x92: {  	s25 =	rddreg [dreg:$0x8]  }
0x93: {  	[hbm:s1], [sflag:s23] =	dma.local [spmem:s25], $0x500  }
0x94: {  	_ =	swait.ge [sflag:s14], $0x500  }
0x95: {  	s21 =	rddreg [dreg:$0x3]  }
0x96: {  	s30 =	rddreg [dreg:$0x5];
	s21 =	sadd.s32 $0x1, s21  }
0x97: {  	p0 =	sne.s32 s21, s30  }
.Ltmp3:
0x98: {  	_ = 	snop;
	(pc) =	sbr.rel @p0 .LBB2_1-.Ltmp3, $3  }
0x99: {  	_ =	sdelay $0x1  }
0x9a: {  	[sflag:s14] =	ssyncset.done $0x0  }
0x9b: {  	[sflag:s14] =	ssyncadd.s32 $0xFFFFFB00  }
0x9c: {  	_ =	sfence.sel $0x180000  }
0x9d: {  	[bflag:$0x0] =	sbarrier.arrive $0xFFFF  }
0x9e: {  	_ =	strace $0x9000004D  }
0x9f: {  	s0 =	stileid.u32;
	[bflag:$0x2] =	sbarrier.arrive $0xFFFF  }
0xa0: {  	p0 =	sne.s32 s0, $0x0;
	s0 =	rddreg [dreg:$0x2]  }
0xa1: {  	s0 =	sadd.s32 @!p0 $0x100000, s0  }
0xa2: {  	[sflag:s0] =	ssyncadd.tile.s32 @!p0 $0x1;
	_ =	shalt  }
.Lfunc_end2:
_tile_overlayer_lowered:
.L_overlay_start_2:
0xa3: {  	(tag) =	ssettag $0x2  }
0xa4: {  	s0 =	rddreg [dreg:$0x0];
	s2 =	stileid.u32  }
0xa5: {  	s1 =	rddreg [dreg:$0x1];
	p0 =	sne.s32 s2, $0x0  }
0xa6: {  	s3 =	rddreg [dreg:$0x2];
	[bflag:$0x3] =	sbarrier.arrive $0xFFFF;
	s2 =	simm.s32 @!p0 $0x1C02  }
0xa7: {  	[timem:s3], [sflag:s2] =	dma.local @!p0 [hbm:s0], s1  }
0xa8: {  	s0 =	simm.s32 @!p0 $0x2  }
0xa9: {  	_ =	swait.ge @!p0 [sflag:s0], s1  }
0xaa: {  	s1 =	ssub.s32 @!p0 $0x0, s1;
	[sflag:s0] =	ssyncset.done @!p0 $0x0  }
0xab: {  	[sflag:s0] =	ssyncadd.s32 @!p0 s1  }
0xac: {  	[bflag:$0x3] =	sbarrier.arrive $0xFFFF  }
0xad: {  	_ =	shalt  }

// kernel: kernel.9.cloned.1.call-start
scs
__scs_entry_jumppad:
0x0: {  	(pc) =	sbr.rel $0x88, $3  }
0x1: {  	(tag) =	ssettag $0x0;
	lr =	simm.s32 $0x1  }
0x2: {  	[smem:$0x3F9A] =	sst lr;
	_ =	strace $0xD0000000  }
0x3: {  	_ = 	snop  }
0x4: {  	_ = 	snop  }
0x5: {  	_ = 	snop  }
0x6: {  	_ = 	snop  }
0x7: {  	_ = 	snop  }
__scs_overlays_trampoline_lowered:
0x8: {  	[smem:$0x3FA9] =	sst s0  }
0x9: {  	[smem:$0x3FAA] =	sst s1  }
0xa: {  	[smem:$0x3FAB] =	sst s2  }
0xb: {  	[smem:$0x3FAC] =	sst s3  }
0xc: {  	[smem:$0x3FAD] =	sst s4  }
0xd: {  	[smem:$0x3FAE] =	sst s5  }
0xe: {  	[smem:$0x3FAF] =	sst s6  }
0xf: {  	[smem:$0x3FB0] =	sst s7  }
0x10: {  	[smem:$0x3FB1] =	sst s8  }
0x11: {  	[smem:$0x3FB2] =	sst s9;
	s0 =	simm.s32 @!p0 $0x0  }
0x12: {  	s1 =	sld [smem:$0x3F98];
	s0 =	simm.s32 @p0 $0x1  }
0x13: {  	[smem:$0x3FB3] =	sst s0;
	s0 =	simm.s32 @!p1 $0x0  }
0x14: {  	s2 =	sld [smem:$0x3F97];
	s0 =	simm.s32 @p1 $0x1  }
0x15: {  	[smem:$0x3FB4] =	sst s0;
	s0 =	simm.s32 @!p2 $0x0  }
0x16: {  	s3 =	sld [smem:$0x3FDB];
	s0 =	simm.s32 @p2 $0x1  }
0x17: {  	s4 =	simm.s32 $0x1BF5;
	[smem:$0x3FB6] =	sst s0  }
0x18: {  	s0 =	sld [smem:$0x3F99];
	_ =	swait.ge [sflag:s4], $0x0  }
0x19: {  	s7 =	sld [smem:$0x3F9A]  }
0x1a: {  	s8 =	sadd.s32 $0xFFFFE003, lr  }
0x1b: {  	s9 =	sadd.s32 $0xFFFFFEF7, lr;
	s5 =	simm.s32 $0xFFFFFFFF;
	p2 =	slt.u32 s8, $0xFFFFF086  }
0x1c: {  	p1 =	slt.u32 s9, $0xF7A;
	s5 =	simm.s32 @!p2 $0x0  }
0x1d: {  	s5 =	simm.s32 @p1 $0x1;
	p0 =	seq.s32 s7, s2  }
0x1e: {  	s7 =	smul.u32 @!p0 $0xF7A, s2;
	p2 =	seq.s32 @!p0 s5, $0x0  }
0x1f: {  	s9 =	smul.u32 $0xF7A, s1;
	s8 =	simm.s32 @!p0 $0x1BF5;
	p2 =	por !p2, p0  }
0x20: {  	[sflag:s8] =	ssyncset.s32 @!p0 $0xFFFFF086;
	s6 =	sadd.s32 @!p0 s3, s7;
	s7 =	simm.s32 @!p0 $0x108  }
0x21: {  	s3 =	sadd.s32 s3, s9;
	s6 =	sadd.s32 @!p0 $0x88, s6;
	s7 =	simm.s32 @p2 $0x1082  }
0x22: {  	[simem:s7], [sflag:s8] =	dma.local @!p0 [hbm:s6], $0xF7A  }
0x23: {  	s9 =	sor.u32 $0xD0000000, s2;
	s6 =	simm.s32 $0x108;
	_ =	swait.ge @!p0 [sflag:s8], $0x0  }
0x24: {  	s3 =	sadd.s32 $0x88, s3;
	s6 =	simm.s32 @!p1 $0x1082;
	[sflag:s4] =	ssyncset.s32 $0xFFFFF086  }
0x25: {  	[simem:s6], [sflag:s4] =	dma.local [hbm:s3], $0xF7A  }
0x26: {  	[smem:$0x3F9A] =	sst s1;
	(tag) =	ssettag s2;
	_ =	strace s9  }
0x27: {  	s1 =	sld [smem:$0x3FAA]  }
0x28: {  	s2 =	sld [smem:$0x3FAB]  }
0x29: {  	s4 =	sld [smem:$0x3FAD]  }
0x2a: {  	p0 =	seq.s32 s5, $0x0;
	s5 =	sld [smem:$0x3FAE]  }
0x2b: {  	s6 =	sld [smem:$0x3FAF]  }
0x2c: {  	s7 =	sld [smem:$0x3FB0]  }
0x2d: {  	s3 =	simm.s32 $0x108;
	s8 =	sld [smem:$0x3FB1]  }
0x2e: {  	s3 =	simm.s32 @!p0 $0x1082;
	s9 =	sld [smem:$0x3FB2]  }
0x2f: {  	lr =	sadd.s32 s0, s3;
	s0 =	sld [smem:$0x3FA9]  }
0x30: {  	s3 =	sld [smem:$0x3FAC]  }
0x31: {  	[smem:$0x3FB5] =	sst s10  }
0x32: {  	s10 =	sld [smem:$0x3FB3];
	_ =	sdelay $0x3  }
0x33: {  	p0 =	seq.s32 s10, $0x1;
	s10 =	sld [smem:$0x3FB5];
	_ =	sdelay $0x3  }
0x34: {  	[smem:$0x3FB5] =	sst s10  }
0x35: {  	s10 =	sld [smem:$0x3FB4];
	_ =	sdelay $0x3  }
0x36: {  	p1 =	seq.s32 s10, $0x1;
	s10 =	sld [smem:$0x3FB5];
	_ =	sdelay $0x3  }
0x37: {  	[smem:$0x3FB5] =	sst s10  }
0x38: {  	s10 =	sld [smem:$0x3FB6]  }
0x39: {  	_ = 	snop;
	(pc) =	sbr.ind lr, $3  }
0x3a: {  	_ = 	snop  }
0x3b: {  	_ = 	snop  }
0x3c: {  	p2 =	seq.s32 s10, $0x1;
	s10 =	sld [smem:$0x3FB5]  }
0x3d: {  	_ =	shalt  }
0x3e: {  	_ =	shalt  }
0x3f: {  	_ =	shalt  }
0x40: {  	_ =	shalt  }
0x41: {  	_ =	shalt  }
0x42: {  	_ =	shalt  }
0x43: {  	_ =	shalt  }
0x44: {  	_ =	shalt  }
0x45: {  	_ =	shalt  }
0x46: {  	_ =	shalt  }
0x47: {  	_ =	shalt  }
0x48: {  	_ =	shalt  }
0x49: {  	_ =	shalt  }
0x4a: {  	_ =	shalt  }
0x4b: {  	_ =	shalt  }
0x4c: {  	_ =	shalt  }
0x4d: {  	_ =	shalt  }
0x4e: {  	_ =	shalt  }
0x4f: {  	_ =	shalt  }
0x50: {  	_ =	shalt  }
0x51: {  	_ =	shalt  }
0x52: {  	_ =	shalt  }
0x53: {  	_ =	shalt  }
0x54: {  	_ =	shalt  }
0x55: {  	_ =	shalt  }
0x56: {  	_ =	shalt  }
0x57: {  	_ =	shalt  }
0x58: {  	_ =	shalt  }
0x59: {  	_ =	shalt  }
0x5a: {  	_ =	shalt  }
0x5b: {  	_ =	shalt  }
0x5c: {  	_ =	shalt  }
0x5d: {  	_ =	shalt  }
0x5e: {  	_ =	shalt  }
0x5f: {  	_ =	shalt  }
0x60: {  	_ =	shalt  }
0x61: {  	_ =	shalt  }
0x62: {  	_ =	shalt  }
0x63: {  	_ =	shalt  }
0x64: {  	_ =	shalt  }
0x65: {  	_ =	shalt  }
0x66: {  	_ =	shalt  }
0x67: {  	_ =	shalt  }
0x68: {  	_ =	shalt  }
0x69: {  	_ =	shalt  }
0x6a: {  	_ =	shalt  }
0x6b: {  	_ =	shalt  }
0x6c: {  	_ =	shalt  }
0x6d: {  	_ =	shalt  }
0x6e: {  	_ =	shalt  }
0x6f: {  	_ =	shalt  }
0x70: {  	_ =	shalt  }
0x71: {  	_ =	shalt  }
0x72: {  	_ =	shalt  }
0x73: {  	_ =	shalt  }
0x74: {  	_ =	shalt  }
0x75: {  	_ =	shalt  }
0x76: {  	_ =	shalt  }
0x77: {  	_ =	shalt  }
0x78: {  	_ =	shalt  }
0x79: {  	_ =	shalt  }
0x7a: {  	_ =	shalt  }
0x7b: {  	_ =	shalt  }
0x7c: {  	_ =	shalt  }
0x7d: {  	_ =	shalt  }
0x7e: {  	_ =	shalt  }
0x7f: {  	_ =	shalt  }
0x80: {  	_ =	shalt  }
0x81: {  	_ =	shalt  }
0x82: {  	_ =	shalt  }
0x83: {  	_ =	shalt  }
0x84: {  	_ =	shalt  }
0x85: {  	_ =	shalt  }
0x86: {  	_ =	shalt  }
0x87: {  	_ =	shalt  }
.Lfunc_end0:
.L_simem_size_0:
called_computation_lowered:
.L_overlay_start_0:
0x88: {  	s2 =	sld [smem:$0x3FD9]  }
0x89: {  	s3 =	sld [smem:$0x3FFE];
	_ =	sdelay $0x1  }
0x8a: {  	s1 =	srdreg.scid  }
0x8b: {  	s0 =	sand.u32 $0x1, s1  }
0x8c: {  	s17 =	sshll.u32 s0, $0xA;
	s2 =	sadd.s32 s3, s2  }
0x8d: {  	s2 =	sadd.s32 s2, s17  }
0x8e: {  	[smem:$0x3FC1] =	sst s2  }
0x8f: {  	_ = 	snop  }
0x90: {  	s2 =	sld [smem:$0x3FD0];
	(tm) =	ssettm $0x1  }
0x91: {  	s18 =	sld [smem:$0x3FFB];
	_ =	sdelay $0x3  }
0x92: {  	_ =	strace s18  }
0x93: {  	s3 =	sld [smem:$0x3FFC];
	_ =	sdelay $0x3  }
0x94: {  	_ =	strace s3  }
0x95: {  	s3 =	sld [smem:$0x3FFD];
	_ =	sdelay $0x3  }
0x96: {  	_ =	strace s3  }
0x97: {  	_ =	strace $0x8FFFFFFF  }
0x98: {  	s19 =	sld [smem:$0x3FDB];
	_ =	sdelay $0x1  }
0x99: {  	s4 =	simm.s32 $_scs_section_size  }
0x9a: {  	s5 =	simm.s32 $_size__tile_overlayer_lowered;
	s6 =	simm.s32 $_tile_overlayer_lowered  }
0x9b: {  	s22 =	simm.s32 $0x1BFF;
	s21 =	sshll.u32 s6, $0x1;
	s3 =	sadd.s32 s4, s19  }
0x9c: {  	s7 =	simm.s32 $0x0;
	s20 =	sshll.u32 s5, $0x1;
	s5 =	sadd.s32 s21, s3  }
0x9d: {  	[timem:s7], [sflag:s22] =	dma.local [hbm:s5], s20  }
0x9e: {  	_ =	swait.ge [sflag:s22], s20  }
0x9f: {  	s4 =	ssub.s32 $0x0, s20;
	[sflag:s22] =	ssyncset.done $0x0  }
0xa0: {  	[sflag:s22] =	ssyncadd.s32 s4;
	_ =	sdelay $0x1  }
0xa1: {  	s23 =	simm.s32 $0x1B8B  }
0xa2: {  	_ =	swait.ge [sflag:s23], $0x1  }
0xa3: {  	[sflag:s23] =	ssyncset.done $0x0  }
0xa4: {  	s25 =	simm.s32 $0x1B8E;
	s24 =	sld [smem:$0x3FFE];
	[sflag:s23] =	ssyncadd.s32 $0xFFFFFFFF  }
0xa5: {  	s26 =	simm.s32 $execute0_lowered;
	[smem:$0x3FD2] =	sst s25  }
0xa6: {  	s5 =	sshll.u32 s26, $0x1;
	_ =	strace $0x80000046;
	[dreg:$0x1] =	wrdreg $0xFFFFFFFF  }
0xa7: {  	s28 =	simm.s32 $_size_execute0_lowered;
	s3 =	sadd.s32 s3, s5;
	[dreg:$0x0] =	wrdreg $0x0  }
0xa8: {  	s5 =	sshll.u32 s28, $0x1;
	[dreg:$0x2] =	wrdreg s3  }
0xa9: {  	[dreg:$0x3] =	wrdreg s5  }
0xaa: {  	[dreg:$0x4] =	wrdreg $0xC0  }
0xab: {  	_ =	task [dreg:s7], $0x5FFFF  }
0xac: {  	[dreg:$0x1] =	wrdreg $0xFFFFFFFF  }
0xad: {  	[dreg:$0x0] =	wrdreg $0x60  }
0xae: {  	[dreg:$0x2] =	wrdreg s24  }
0xaf: {  	[dreg:$0x3] =	wrdreg s2  }
0xb0: {  	[dreg:$0x4] =	wrdreg $0x8000  }
0xb1: {  	[dreg:$0x5] =	wrdreg $0x9  }
0xb2: {  	_ =	task.clear_ibuf [dreg:s7], $0x6FFFF;
	_ =	strace $0x90000046  }
0xb3: {  	s29 =	simm.s32 $0x9;
	_ =	strace $0x80000048  }
0xb4: {  	_ =	swait.ge [sflag:s29], $0x1  }
0xb5: {  	[sflag:s29] =	ssyncadd.s32 $0xFFFFFFFF  }
0xb6: {  	_ =	strace $0x90000048  }
0xb7: {  	_ =	sfence  }
0xb8: {  	s30 =	sld [smem:$0x0];
	_ =	sdelay $0x2  }
0xb9: {  	s31 =	sshll.u32 s1, $0xD;
	s1 =	sshrl.u32 s1, $0x2  }
0xba: {  	s3 =	sand.u32 $0x4000, s31;
	s1 =	sadd.s32 s1, s30  }
0xbb: {  	s0 =	sor.u32 s3, s0;
	s1 =	sshll.u32 s1, $0x11  }
0xbc: {  	s0 =	sor.u32 s1, s0  }
0xbd: {  	s0 =	sadd.s32 $0x8F2B, s0  }
0xbe: {  	[sflag:s0] =	ssyncadd.remote.s32 $0x1  }
0xbf: {  	_ =	sfence.sel $0xFFFF  }
0xc0: {  	[dreg:$0x0] =	wrdreg $0xFFFFFFFF;
	(pc) =	sbr.abs _section_cstart, $3  }
0xc1: {  	[dreg:$0x1] =	wrdreg $0xFFFFFFFF  }
0xc2: {  	_ =	task.clear_ibuf [dreg:s7], $0x2FFFF;
	_ =	strace $0x9FFFFFFF  }
0xc3: {  	(tm) =	ssettm $0x7FFFFFFF  }
tec
execute0_lowered:
.L_overlay_start_1:
0x0: {  	(tag) =	ssettag $0x1  }
0x1: {  	s0 =	rddreg [dreg:$0x0]  }
0x2: {  	s3 =	rddreg [dreg:$0x1]  }
0x3: {  	s1 =	rddreg [dreg:$0x2]  }
0x4: {  	s2 =	srdreg.scid;
	s10 =	stileid.u32  }
0x5: {  	s11 =	simm.s32 $0x400;
	s12 =	simm.s32 $0x80;
	s13 =	simm.s32 $0x480  }
0x6: {  	s14 =	simm.s32 $0x100;
	s15 =	simm.s32 $0x500;
	s16 =	simm.s32 $0x180  }
0x7: {  	s17 =	simm.s32 $0x580;
	s18 =	simm.s32 $0x200;
	s19 =	simm.s32 $0x600  }
0x8: {  	s20 =	simm.s32 $0x280;
	s21 =	simm.s32 $0x680;
	s22 =	simm.s32 $0x300  }
0x9: {  	s23 =	simm.s32 $0x700;
	s24 =	simm.s32 $0x380;
	s30 =	simm.s32 $0x0  }
0xa: {  	s4 =	sand.u32 $0x1, s2;
	s2 =	simm.s32 $0x0;
	s7 =	smul.u32 $0x500, s10  }
0xb: {  	s9 =	smul.u32 $0xA00, s10;
	p0 =	sne.s32 s10, $0x0;
	s10 =	simm.s32 $0x1  }
0xc: {  	s5 =	smul.u32 $0x5000, s4;
	[smem:$0x7FF] =	sst s2;
	s26 =	sshll.u32 s4, $0x7  }
0xd: {  	s6 =	ssub.s32 $0x2, s4;
	s4 =	sadd.s32 $0x2A000, s0;
	_ =	strace $0x80000047  }
0xe: {  	s28 =	sshrl.u32 s6, $0x1;
	s29 =	sshrl.u32 s9, $0x2;
	s9 =	sshrl.u32 @!p0 s1, $0x3  }
0xf: {  	s8 =	sadd.s32 s5, s0;
	s5 =	sor.u32 s26, s7;
	s0 =	ssub.s32 s6, s28  }
0x10: {  	s26 =	simm.s32 $0x780;
	s5 =	sshrl.u32 s5, $0x3;
	s6 =	smax.u32 s0, $0x1  }
0x11: {  	s31 =	sadd.s32 s7, s8;
	s5 =	sadd.s32 s3, s5;
	s3 =	sadd.s32 s29, s1  }
0x12: {  	s7 =	sadd.s32 $0x2000, s31;
	s8 =	sadd.s32 $0x20000, s31;
	s25 =	sshrl.u32 s3, $0x3  }
.LBB2_1:
0x13: {  	s0 =	simm.s32 @!p0 $0x1C01  }
0x14: {  	[spmem:s9], [sflag:s0] =	dma.local @!p0 [hbm:s4], $0x500  }
0x15: {  	s0 =	simm.s32 @!p0 $0x1  }
0x16: {  	_ =	swait.ge @!p0 [sflag:s0], $0x500  }
0x17: {  	[sflag:s0] =	ssyncset.done @!p0 $0x0  }
0x18: {  	[sflag:s0] =	ssyncadd.s32 @!p0 $0xFFFFFB00  }
0x19: {  	s28 =	sadd.s32 $0x0, s8;
	[bflag:$0x0] =	sbarrier.arrive $0xFFFF  }
0x1a: {  	[tilespmem:s2], [sflag:$0x1] =	stream.linear.gather [hbm4b:s28+s2], $0x400, $0x38;
	[tilespmem:$0xA80] =	vst v63  }
0x1b: {  	_ =	swait.ge [sflag:s10], $0x400  }
0x1c: {  	[sflag:s10] =	ssyncset.done $0x0  }
0x1d: {  	s29 =	sadd.s32 $0x0, s7;
	[sflag:s10] =	ssyncadd.s32 $0xFFFFFC00  }
0x1e: {  	[tilespmem:s11], [sflag:$0x1] =	stream.linear.gather [hbm4b:s29+s2], $0x400, $0x38;
	[tilespmem:$0xA80] =	vst v63  }
0x1f: {  	_ =	swait.ge [sflag:s10], $0x400  }
0x20: {  	[sflag:s10] =	ssyncset.done $0x0  }
0x21: {  	[sflag:s10] =	ssyncadd.s32 $0xFFFFFC00  }
0x22: {  	[spmem:s1] =	stream.indirect.scatter.add.f32 [tilespmem:s11], [sflag:$0x1], $0x1, s2, s12, $0xb8;
	[tilespmem:$0xA80] =	vst v63  }
0x23: {  	_ =	swait.ge [sflag:s10], $0x80  }
0x24: {  	[sflag:s10] =	ssyncset.done $0x0  }
0x25: {  	[sflag:s10] =	ssyncadd.s32 $0xFFFFFF80  }
0x26: {  	[spmem:s1] =	stream.indirect.scatter.add.f32 [tilespmem:s13], [sflag:$0x1], $0x1, s12, s12, $0xb8;
	[tilespmem:$0xA80] =	vst v63  }
0x27: {  	_ =	swait.ge [sflag:s10], $0x80  }
0x28: {  	[sflag:s10] =	ssyncset.done $0x0  }
0x29: {  	[sflag:s10] =	ssyncadd.s32 $0xFFFFFF80  }
0x2a: {  	[spmem:s1] =	stream.indirect.scatter.add.f32 [tilespmem:s15], [sflag:$0x1], $0x1, s14, s12, $0xb8;
	[tilespmem:$0xA80] =	vst v63  }
0x2b: {  	_ =	swait.ge [sflag:s10], $0x80  }
0x2c: {  	[sflag:s10] =	ssyncset.done $0x0  }
0x2d: {  	[sflag:s10] =	ssyncadd.s32 $0xFFFFFF80  }
0x2e: {  	[spmem:s1] =	stream.indirect.scatter.add.f32 [tilespmem:s17], [sflag:$0x1], $0x1, s16, s12, $0xb8;
	[tilespmem:$0xA80] =	vst v63  }
0x2f: {  	_ =	swait.ge [sflag:s10], $0x80  }
0x30: {  	[sflag:s10] =	ssyncset.done $0x0  }
0x31: {  	[sflag:s10] =	ssyncadd.s32 $0xFFFFFF80  }
0x32: {  	[spmem:s1] =	stream.indirect.scatter.add.f32 [tilespmem:s19], [sflag:$0x1], $0x1, s18, s12, $0xb8;
	[tilespmem:$0xA80] =	vst v63  }
0x33: {  	_ =	swait.ge [sflag:s10], $0x80  }
0x34: {  	[sflag:s10] =	ssyncset.done $0x0  }
0x35: {  	[sflag:s10] =	ssyncadd.s32 $0xFFFFFF80  }
0x36: {  	[spmem:s1] =	stream.indirect.scatter.add.f32 [tilespmem:s21], [sflag:$0x1], $0x1, s20, s12, $0xb8;
	[tilespmem:$0xA80] =	vst v63  }
0x37: {  	_ =	swait.ge [sflag:s10], $0x80  }
0x38: {  	[sflag:s10] =	ssyncset.done $0x0  }
0x39: {  	[sflag:s10] =	ssyncadd.s32 $0xFFFFFF80  }
0x3a: {  	[spmem:s1] =	stream.indirect.scatter.add.f32 [tilespmem:s23], [sflag:$0x1], $0x1, s22, s12, $0xb8;
	[tilespmem:$0xA80] =	vst v63  }
0x3b: {  	_ =	swait.ge [sflag:s10], $0x80  }
0x3c: {  	[sflag:s10] =	ssyncset.done $0x0  }
0x3d: {  	[sflag:s10] =	ssyncadd.s32 $0xFFFFFF80  }
0x3e: {  	[spmem:s1] =	stream.indirect.scatter.add.f32 [tilespmem:s26], [sflag:$0x1], $0x1, s24, s12, $0xb8;
	[tilespmem:$0xA80] =	vst v63  }
0x3f: {  	_ =	swait.ge [sflag:s10], $0x80  }
0x40: {  	s31 =	simm.s32 $0x80;
	s0 =	simm.s32 $0x100;
	[sflag:s10] =	ssyncset.done $0x0  }
.LBB2_2:
0x41: {  	s28 =	sadd.s32 s31, s8  }
0x42: {  	[sflag:s10] =	ssyncadd.s32 $0xFFFFFF80;
	s29 =	smov.u32 s0;
	s3 =	sadd.s32 $0x80, s0  }
0x43: {  	[tilespmem:s2], [sflag:$0x1] =	stream.linear.gather [hbm4b:s28+s2], $0x400, $0x38;
	[tilespmem:$0xA80] =	vst v63  }
0x44: {  	p1 =	sne.s32 s0, $0x480;
	_ =	swait.ge [sflag:s10], $0x400  }
0x45: {  	[sflag:s10] =	ssyncset.done $0x0  }
0x46: {  	s0 =	sadd.s32 s31, s7;
	s31 =	smov.u32 s29;
	[sflag:s10] =	ssyncadd.s32 $0xFFFFFC00  }
0x47: {  	[tilespmem:s11], [sflag:$0x1] =	stream.linear.gather [hbm4b:s0+s2], $0x400, $0x38;
	[tilespmem:$0xA80] =	vst v63  }
0x48: {  	_ =	swait.ge [sflag:s10], $0x400  }
0x49: {  	[sflag:s10] =	ssyncset.done $0x0  }
0x4a: {  	[sflag:s10] =	ssyncadd.s32 $0xFFFFFC00  }
0x4b: {  	[spmem:s1] =	stream.indirect.scatter.add.f32 [tilespmem:s11], [sflag:$0x1], $0x1, s2, s12, $0xb8;
	[tilespmem:$0xA80] =	vst v63  }
0x4c: {  	_ =	swait.ge [sflag:s10], $0x80  }
0x4d: {  	[sflag:s10] =	ssyncset.done $0x0  }
0x4e: {  	[sflag:s10] =	ssyncadd.s32 $0xFFFFFF80  }
0x4f: {  	[spmem:s1] =	stream.indirect.scatter.add.f32 [tilespmem:s13], [sflag:$0x1], $0x1, s12, s12, $0xb8;
	[tilespmem:$0xA80] =	vst v63  }
0x50: {  	_ =	swait.ge [sflag:s10], $0x80  }
0x51: {  	[sflag:s10] =	ssyncset.done $0x0  }
0x52: {  	[sflag:s10] =	ssyncadd.s32 $0xFFFFFF80  }
0x53: {  	[spmem:s1] =	stream.indirect.scatter.add.f32 [tilespmem:s15], [sflag:$0x1], $0x1, s14, s12, $0xb8;
	[tilespmem:$0xA80] =	vst v63  }
0x54: {  	_ =	swait.ge [sflag:s10], $0x80  }
0x55: {  	[sflag:s10] =	ssyncset.done $0x0  }
0x56: {  	[sflag:s10] =	ssyncadd.s32 $0xFFFFFF80  }
0x57: {  	[spmem:s1] =	stream.indirect.scatter.add.f32 [tilespmem:s17], [sflag:$0x1], $0x1, s16, s12, $0xb8;
	[tilespmem:$0xA80] =	vst v63  }
0x58: {  	_ =	swait.ge [sflag:s10], $0x80  }
0x59: {  	[sflag:s10] =	ssyncset.done $0x0  }
0x5a: {  	[sflag:s10] =	ssyncadd.s32 $0xFFFFFF80  }
0x5b: {  	[spmem:s1] =	stream.indirect.scatter.add.f32 [tilespmem:s19], [sflag:$0x1], $0x1, s18, s12, $0xb8;
	[tilespmem:$0xA80] =	vst v63  }
0x5c: {  	_ =	swait.ge [sflag:s10], $0x80  }
0x5d: {  	[sflag:s10] =	ssyncset.done $0x0  }
0x5e: {  	[sflag:s10] =	ssyncadd.s32 $0xFFFFFF80  }
0x5f: {  	[spmem:s1] =	stream.indirect.scatter.add.f32 [tilespmem:s21], [sflag:$0x1], $0x1, s20, s12, $0xb8;
	[tilespmem:$0xA80] =	vst v63  }
0x60: {  	_ =	swait.ge [sflag:s10], $0x80  }
0x61: {  	[sflag:s10] =	ssyncset.done $0x0  }
0x62: {  	[sflag:s10] =	ssyncadd.s32 $0xFFFFFF80  }
0x63: {  	[spmem:s1] =	stream.indirect.scatter.add.f32 [tilespmem:s23], [sflag:$0x1], $0x1, s22, s12, $0xb8;
	[tilespmem:$0xA80] =	vst v63  }
0x64: {  	_ =	swait.ge [sflag:s10], $0x80  }
.Ltmp0:
0x65: {  	[sflag:s10] =	ssyncset.done $0x0;
	(pc) =	sbr.rel @p1 .LBB2_2-.Ltmp0, $4  }
0x66: {  	[sflag:s10] =	ssyncadd.s32 $0xFFFFFF80  }
0x67: {  	[spmem:s1] =	stream.indirect.scatter.add.f32 [tilespmem:s26], [sflag:$0x1], $0x1, s24, s12, $0xb8;
	[tilespmem:$0xA80] =	vst v63  }
0x68: {  	_ =	swait.ge [sflag:s10], $0x80  }
0x69: {  	s0 =	smov.u32 s3;
	[sflag:s10] =	ssyncset.done $0x0  }
0x6a: {  	s0 =	sadd.s32 s31, s8;
	[sflag:s10] =	ssyncadd.s32 $0xFFFFFF80  }
0x6b: {  	[tilespmem:s2], [sflag:$0x1] =	stream.linear.gather [hbm4b:s0+s2], $0x400, $0x38;
	[tilespmem:$0xA80] =	vst v63  }
0x6c: {  	_ =	swait.ge [sflag:s10], $0x400  }
0x6d: {  	[sflag:s10] =	ssyncset.done $0x0  }
0x6e: {  	s29 =	sadd.s32 s31, s7;
	[sflag:s10] =	ssyncadd.s32 $0xFFFFFC00  }
0x6f: {  	[tilespmem:s11], [sflag:$0x1] =	stream.linear.gather [hbm4b:s29+s2], $0x400, $0x38;
	[tilespmem:$0xA80] =	vst v63  }
0x70: {  	_ =	swait.ge [sflag:s10], $0x400  }
0x71: {  	[sflag:s10] =	ssyncset.done $0x0  }
0x72: {  	[sflag:s10] =	ssyncadd.s32 $0xFFFFFC00  }
0x73: {  	[spmem:s1] =	stream.indirect.scatter.add.f32 [tilespmem:s11], [sflag:$0x1], $0x1, s2, s12, $0xb8;
	[tilespmem:$0xA80] =	vst v63  }
0x74: {  	_ =	swait.ge [sflag:s10], $0x80  }
0x75: {  	[sflag:s10] =	ssyncset.done $0x0  }
0x76: {  	[sflag:s10] =	ssyncadd.s32 $0xFFFFFF80  }
0x77: {  	[spmem:s1] =	stream.indirect.scatter.add.f32 [tilespmem:s13], [sflag:$0x1], $0x1, s12, s12, $0xb8;
	[tilespmem:$0xA80] =	vst v63  }
0x78: {  	_ =	swait.ge [sflag:s10], $0x80  }
0x79: {  	[sflag:s10] =	ssyncset.done $0x0  }
0x7a: {  	[sflag:s10] =	ssyncadd.s32 $0xFFFFFF80  }
0x7b: {  	[spmem:s1] =	stream.indirect.scatter.add.f32 [tilespmem:s15], [sflag:$0x1], $0x1, s14, s12, $0xb8;
	[tilespmem:$0xA80] =	vst v63  }
0x7c: {  	_ =	swait.ge [sflag:s10], $0x80  }
0x7d: {  	[sflag:s10] =	ssyncset.done $0x0  }
0x7e: {  	[sflag:s10] =	ssyncadd.s32 $0xFFFFFF80  }
0x7f: {  	[spmem:s1] =	stream.indirect.scatter.add.f32 [tilespmem:s17], [sflag:$0x1], $0x1, s16, s12, $0xb8;
	[tilespmem:$0xA80] =	vst v63  }
0x80: {  	_ =	swait.ge [sflag:s10], $0x80  }
0x81: {  	[sflag:s10] =	ssyncset.done $0x0  }
0x82: {  	[sflag:s10] =	ssyncadd.s32 $0xFFFFFF80  }
0x83: {  	[spmem:s1] =	stream.indirect.scatter.add.f32 [tilespmem:s19], [sflag:$0x1], $0x1, s18, s12, $0xb8;
	[tilespmem:$0xA80] =	vst v63  }
0x84: {  	_ =	swait.ge [sflag:s10], $0x80  }
0x85: {  	[sflag:s10] =	ssyncset.done $0x0  }
0x86: {  	[sflag:s10] =	ssyncadd.s32 $0xFFFFFF80  }
0x87: {  	[spmem:s1] =	stream.indirect.scatter.add.f32 [tilespmem:s21], [sflag:$0x1], $0x1, s20, s12, $0xb8;
	[tilespmem:$0xA80] =	vst v63  }
0x88: {  	_ =	swait.ge [sflag:s10], $0x80  }
0x89: {  	[sflag:s10] =	ssyncset.done $0x0  }
0x8a: {  	[sflag:s10] =	ssyncadd.s32 $0xFFFFFF80  }
0x8b: {  	[spmem:s1] =	stream.indirect.scatter.add.f32 [tilespmem:s23], [sflag:$0x1], $0x1, s22, s12, $0xb8;
	[tilespmem:$0xA80] =	vst v63  }
0x8c: {  	_ =	swait.ge [sflag:s10], $0x80  }
0x8d: {  	[sflag:s10] =	ssyncset.done $0x0  }
0x8e: {  	[sflag:s10] =	ssyncadd.s32 $0xFFFFFF80  }
0x8f: {  	[spmem:s1] =	stream.indirect.scatter.add.f32 [tilespmem:s26], [sflag:$0x1], $0x1, s24, s12, $0xb8;
	[tilespmem:$0xA80] =	vst v63  }
0x90: {  	s31 =	stileid.u32;
	s3 =	simm.s32 $0x20;
	_ =	swait.ge [sflag:s10], $0x80  }
0x91: {  	s28 =	simm.s32 $0x10;
	s30 =	sadd.s32 $0x1, s30;
	[sflag:s10] =	ssyncset.done $0x0  }
0x92: {  	s0 =	sshll.u32 s31, $0x6;
	p1 =	sne.s32 s30, s6;
	[sflag:s10] =	ssyncadd.s32 $0xFFFFFF80  }
.Ltmp1:
0x93: {  	s0 =	sor.u32 $0x1C01, s0;
	[bflag:$0x0] =	sbarrier.arrive $0xFFFF;
	(pc) =	sbr.rel @p1 .LBB2_1-.Ltmp1, $4  }
0x94: {  	[hbm:s5@s3], [sflag:s0] =	dma.strided [spmem:s25@s28], $0x50, s10, $0x10   }
0x95: {  	_ =	swait.ge [sflag:s10], $0x50  }
0x96: {  	[sflag:s10] =	ssyncset.done $0x0  }
0x97: {  	[sflag:s10] =	ssyncadd.s32 $0xFFFFFFB0  }
0x98: {  	_ =	sfence.sel $0x180000  }
0x99: {  	[bflag:$0x0] =	sbarrier.arrive $0xFFFF  }
0x9a: {  	_ =	strace $0x90000047  }
0x9b: {  	[bflag:$0x2] =	sbarrier.arrive $0xFFFF  }
0x9c: {  	s0 =	rddreg [dreg:$0x3]  }
0x9d: {  	s0 =	sadd.s32 @!p0 $0x100000, s0  }
0x9e: {  	[sflag:s0] =	ssyncadd.tile.s32 @!p0 $0x1;
	_ =	shalt  }
.Lfunc_end2:
_tile_overlayer_lowered:
.L_overlay_start_2:
0x9f: {  	(tag) =	ssettag $0x2  }
0xa0: {  	s0 =	rddreg [dreg:$0x0];
	s2 =	stileid.u32  }
0xa1: {  	s1 =	rddreg [dreg:$0x1];
	p0 =	sne.s32 s2, $0x0  }
0xa2: {  	s3 =	rddreg [dreg:$0x2];
	[bflag:$0x3] =	sbarrier.arrive $0xFFFF;
	s2 =	simm.s32 @!p0 $0x1C01  }
0xa3: {  	[timem:s3], [sflag:s2] =	dma.local @!p0 [hbm:s0], s1  }
0xa4: {  	s0 =	simm.s32 @!p0 $0x1  }
0xa5: {  	_ =	swait.ge @!p0 [sflag:s0], s1  }
0xa6: {  	s1 =	ssub.s32 @!p0 $0x0, s1;
	[sflag:s0] =	ssyncset.done @!p0 $0x0  }
0xa7: {  	[sflag:s0] =	ssyncadd.s32 @!p0 s1  }
0xa8: {  	[bflag:$0x3] =	sbarrier.arrive $0xFFFF  }
0xa9: {  	_ =	shalt  }

</sc_bundles>
